<compile_context>
chip_gen: v7x
topology: tpu7x:2x2x1
jax: 0.10.2.dev20260603
libtpu: 0.0.44.dev20260713+nightly
codegen_flags: <defaults>
</compile_context>

<pallas_src>
import functools

import jax
import jax.numpy as jnp
from jax import lax
from jax.experimental import pallas as pl
from jax.experimental.pallas import tpu as pltpu
from jax.experimental.pallas import tpu_sc as plsc

_B, _T, _E, _C = 4, 2048, 8, 512
_IN = 2048
_OUT = 2048
_OE = _OUT // _E
_TB = 256
_NT = _T // _TB
_TB3 = 512
_NT3 = _T // _TB3
_SQRT_HALF = 0.7071067811865476

_TSC = 256
_T0 = _T - _TSC
_NT0 = _T0 // _TB
_NWB = 8
_RW = _TSC // _NWB
_RB = 8
_L = 16
_UNROLL = 4


def _bf(a):
    return a.astype(jnp.bfloat16).astype(jnp.float32)


def _xlane_total(v):
    dnums = lax.GatherDimensionNumbers(
        offset_dims=(), collapsed_slice_dims=(0,), start_index_map=(0,))
    for k in (1, 2, 4, 8):
        idx = jax.lax.iota(jnp.int32, _L) ^ k
        v = v + lax.gather(v, idx[:, None], dnums, (1,),
                           mode=lax.GatherScatterMode.PROMISE_IN_BOUNDS)
    return v


def _sc_s1_body(x_hbm, m_hbm, out_hbm, xblk, mblk, acc):
    wid = lax.axis_index("s") * 2 + lax.axis_index("c")
    b = wid // _NWB
    k = wid % _NWB
    t0 = _T0 + k * _RW

    for e in range(_E):
        def _zero(j, c, e=e):
            acc[e, pl.ds(j * _L, _L)] = jnp.zeros((_L,), jnp.float32)
            return c

        lax.fori_loop(0, _C // _L, _zero, 0)

    def _blk(g, c):
        t = t0 + g * _RB
        pltpu.sync_copy(x_hbm.at[b, pl.ds(t, _RB)], xblk)
        pltpu.sync_copy(m_hbm.at[b, pl.ds(t, _RB)], mblk)

        def _row(r, c2):
            def _xs(j, s):
                base = j * (_L * _UNROLL)
                for u in range(_UNROLL):
                    s = s + xblk[r, pl.ds(base + u * _L, _L)]
                return s

            xs = _xlane_total(
                lax.fori_loop(0, _IN // (_L * _UNROLL), _xs,
                              jnp.zeros((_L,), jnp.float32)))

            for e in range(_E):
                def _fma(j, c3, e=e):
                    base = j * (_L * _UNROLL)
                    for u in range(_UNROLL):
                        sl = pl.ds(base + u * _L, _L)
                        acc[e, sl] = acc[e, sl] + xs * mblk[r, e, sl]
                    return c3

                lax.fori_loop(0, _C // (_L * _UNROLL), _fma, 0)
            return c2

        lax.fori_loop(0, _RB, _row, 0)
        return c

    lax.fori_loop(0, _RW // _RB, _blk, 0)
    pltpu.sync_copy(acc, out_hbm.at[b, k])


_sc_s1 = functools.partial(
    pl.kernel,
    mesh=plsc.VectorSubcoreMesh(core_axis_name="c", subcore_axis_name="s"),
    out_type=jax.ShapeDtypeStruct((_B, _NWB, _E, _C), jnp.float32),
    scratch_types=[
        pltpu.VMEM((_RB, _IN), jnp.float32),
        pltpu.VMEM((_RB, _E, _C), jnp.float32),
        pltpu.VMEM((_E, _C), jnp.float32),
    ],
)(_sc_s1_body)


def _s1_body(x_ref, m_ref, s1_ref):
    nt = pl.program_id(1)
    xs = jnp.sum(x_ref[0], axis=1)
    part = jnp.sum(m_ref[0] * xs[:, None, None], axis=0)

    @pl.when(nt == 0)
    def _init():
        s1_ref[0, 0] = part

    @pl.when(nt != 0)
    def _acc():
        s1_ref[0, 0] = s1_ref[0, 0] + part


def _wred_body(w1_ref, w2_ref, w1s_ref, w2s_ref):
    w1s_ref[0, 0] = jnp.sum(w1_ref[:, :], axis=1)
    colsum = jnp.sum(w2_ref[:, :], axis=0)
    w2s = colsum[0:_OE]
    for g in range(1, _E):
        w2s = w2s + colsum[g * _OE:(g + 1) * _OE]
    w2s_ref[0, 0] = w2s


def _v_body(w1s_ref, w2s_ref, b1_ref, b2_ref, s1_ref, scp_ref, v_ref):
    b2s = _bf(jnp.sum(b2_ref[0]))
    for e in range(_E):
        w1s = w1s_ref[e, 0]
        w2s = _bf(w2s_ref[e, 0])
        b1e = b1_ref[0, e * _OE:(e + 1) * _OE]
        s1 = s1_ref[:, 0, e, :] + jnp.sum(scp_ref[:, :, e, :], axis=1)
        z = s1[:, :, None] * w1s[None, None, :] + b1e[None, None, :]
        h = _bf(0.5 * z * (1.0 + jax.lax.erf(z * _SQRT_HALF)))
        v = jnp.sum(h * w2s[None, None, :], axis=2) + b2s
        v_ref[:, 0, e, :] = v


def _out_body(c_ref, v_ref, o_ref):
    v = _bf(v_ref[0, 0])[None, :, :]
    o_ref[0, 0] = jnp.sum(_bf(c_ref[0]) * v, axis=(1, 2))


def kernel(x, dispatch_mask, combine_array, W1, b1, W2, b2):
    b1r = b1.reshape(1, _OUT)
    b2r = b2.reshape(1, _OUT)

    sc_parts = _sc_s1(x, dispatch_mask)

    s1 = pl.pallas_call(
        _s1_body,
        grid=(_B, _NT0),
        in_specs=[
            pl.BlockSpec((1, _TB, _IN), lambda b, t: (b, t, 0)),
            pl.BlockSpec((1, _TB, _E, _C), lambda b, t: (b, t, 0, 0)),
        ],
        out_specs=pl.BlockSpec((1, 1, _E, _C), lambda b, t: (b, 0, 0, 0)),
        out_shape=jax.ShapeDtypeStruct((_B, 1, _E, _C), jnp.float32),
    )(x, dispatch_mask)

    w1s, w2s = pl.pallas_call(
        _wred_body,
        grid=(_E,),
        in_specs=[
            pl.BlockSpec((_OE, _IN), lambda e: (e, 0)),
            pl.BlockSpec((_OE, _IN), lambda e: (e, 0)),
        ],
        out_specs=[
            pl.BlockSpec((1, 1, _OE), lambda e: (e, 0, 0)),
            pl.BlockSpec((1, 1, _OE), lambda e: (e, 0, 0)),
        ],
        out_shape=[
            jax.ShapeDtypeStruct((_E, 1, _OE), jnp.float32),
            jax.ShapeDtypeStruct((_E, 1, _OE), jnp.float32),
        ],
    )(W1, W2)

    v = pl.pallas_call(
        _v_body,
        grid=(1,),
        in_specs=[
            pl.BlockSpec((_E, 1, _OE), lambda i: (0, 0, 0)),
            pl.BlockSpec((_E, 1, _OE), lambda i: (0, 0, 0)),
            pl.BlockSpec((1, _OUT), lambda i: (0, 0)),
            pl.BlockSpec((1, _OUT), lambda i: (0, 0)),
            pl.BlockSpec((_B, 1, _E, _C), lambda i: (0, 0, 0, 0)),
            pl.BlockSpec((_B, _NWB, _E, _C), lambda i: (0, 0, 0, 0)),
        ],
        out_specs=pl.BlockSpec((_B, 1, _E, _C), lambda i: (0, 0, 0, 0)),
        out_shape=jax.ShapeDtypeStruct((_B, 1, _E, _C), jnp.float32),
    )(w1s, w2s, b1r, b2r, s1, sc_parts)

    out = pl.pallas_call(
        _out_body,
        grid=(_B, _NT3),
        in_specs=[
            pl.BlockSpec((1, _TB3, _E, _C), lambda b, t: (b, t, 0, 0)),
            pl.BlockSpec((1, 1, _E, _C), lambda b, t: (b, 0, 0, 0)),
        ],
        out_specs=pl.BlockSpec((1, 1, _TB3), lambda b, t: (b, 0, t)),
        out_shape=jax.ShapeDtypeStruct((_B, 1, _T), jnp.float32),
    )(combine_array, v)

    return out.reshape(_B, _T)

# --- scband reference (transcript-rebuilt; emitter-appended) ---
"""Pipeline reference for scband-experts-choose-masked-mlp-25348896981199 (READ-ONLY COPY).

The authoritative reference and input builder live on the scoring server;
editing this copy changes nothing except your own understanding.
"""

import jax, jax.numpy as jnp
import numpy as np

IN_FEATURES = 2048
OUT_FEATURES = 2048
NUM_EXPERTS = 8
B, T, E, C = 4, 2048, 8, 512


def setup_inputs(seed: int = 0) -> dict:
    key = jax.random.key(seed)
    ks = jax.random.split(key, 7)
    x = jax.random.normal(ks[0], (B, T, IN_FEATURES), dtype=jnp.float32)
    dispatch_mask = jax.random.uniform(ks[1], (B, T, E, C), dtype=jnp.float32)
    combine_array = jax.random.uniform(ks[2], (B, T, E, C), dtype=jnp.float32)
    W1 = jax.random.normal(ks[3], (OUT_FEATURES, IN_FEATURES), dtype=jnp.float32) * 0.02
    b1 = jax.random.normal(ks[4], (OUT_FEATURES,), dtype=jnp.float32) * 0.02
    W2 = jax.random.normal(ks[5], (OUT_FEATURES, IN_FEATURES), dtype=jnp.float32) * 0.02
    b2 = jax.random.normal(ks[6], (OUT_FEATURES,), dtype=jnp.float32) * 0.02
    return {"x": x, "dispatch_mask": dispatch_mask, "combine_array": combine_array,
            "W1": W1, "b1": b1, "W2": W2, "b2": b2}


def reference(x, dispatch_mask, combine_array, W1, b1, W2, b2):
    E_ = NUM_EXPERTS
    # --- ExpertsChooseMaskedContract ---
    w1 = W1.reshape(E_, OUT_FEATURES // E_, IN_FEATURES)          # [e, o, i]
    b1e = b1.reshape(E_, OUT_FEATURES // E_)                       # [e, o]
    # torch.einsum('bt...,btec,eoi->beco', x, mask, w): torch sums over the
    # ellipsis-covered feature dims of x (not in output) and over i (only in w).
    xs = jnp.sum(x, axis=tuple(range(2, x.ndim)))                  # [b, t]
    expert_outputs = jnp.einsum('bt,btec,eoi->beco', xs, dispatch_mask, w1)
    expert_outputs = expert_outputs + b1e[None, :, None, :]
    # --- activation (torch nn.GELU default = exact erf) ---
    h = jax.nn.gelu(expert_outputs, approximate=False)             # [b, e, c, o]
    # --- ExpertsChooseMaskedExpand (dispatch_mask=None branch, bias present) ---
    w2 = W2.reshape(E_, OUT_FEATURES, IN_FEATURES // E_)           # [e, o, i']
    x_homo = jnp.concatenate([h, jnp.ones_like(h[..., :1])], axis=-1)  # [b, e, c, i'+1]
    b2e = jnp.broadcast_to(b2.reshape(1, OUT_FEATURES), (E_, OUT_FEATURES))[..., None]
    w_homo = jnp.concatenate([w2, b2e], axis=-1)                   # [e, o, i'+1]
    # torch.einsum('beci,eoi,btec->bt...') with empty ellipsis: sums e, c, i, o
    out = jnp.einsum('beci,eoi,btec->bt', x_homo, w_homo, combine_array)
    return out

if __name__ == "__main__":
    import jax
    _d = setup_inputs()
    print(jax.jit(kernel)(*tuple(_d.values())))

</pallas_src>

<mosaic_0001>
#map = affine_map<(d0, d1) -> (0, 0, 0)>
#map1 = affine_map<(d0, d1) -> (0, 0, 0, 0)>
module attributes {stable_mosaic.version = 14 : i64} {
  func.func @_sc_s1_body(%arg0: i32, %arg1: i32, %arg2: memref<4x2048x2048xf32, #tpu.memory_space<hbm>>, %arg3: memref<4x2048x8x512xf32, #tpu.memory_space<hbm>>, %arg4: memref<4x8x8x512xf32, #tpu.memory_space<hbm>>, %arg5: memref<8x2048xf32, #tpu.memory_space<vmem>>, %arg6: memref<8x8x512xf32, #tpu.memory_space<vmem>>, %arg7: memref<8x512xf32, #tpu.memory_space<vmem>>) attributes {dimension_semantics = [#tpu.dimension_semantics<core_parallel>, #tpu.dimension_semantics<subcore_parallel>], iteration_bounds = array<i64: 2, 16>, scalar_prefetch = 0 : i64, scratch_operands = 3 : i64, tpu.core_type = #tpu.core_type<sc_vector_subcore>, window_params = [{transform_indices = #map}, {transform_indices = #map1}, {transform_indices = #map1}]} {
    %mul3A = arith.constant 2 : i32
    %mul3A_0 = arith.muli %arg1, %mul3A : i32
    %add3A = arith.addi %mul3A_0, %arg0 : i32
    %jit3A = arith.constant 8 : i32
    %div3A = arith.divsi %add3A, %jit3A : i32
    %sign3A = arith.constant 0 : i32
    %sign3A_1 = arith.cmpi sgt, %add3A, %sign3A : i32
    %sign3A_2 = arith.extui %sign3A_1 : i1 to i32
    %sign3A_3 = arith.constant 0 : i32
    %sign3A_4 = arith.cmpi slt, %add3A, %sign3A_3 : i32
    %sign3A_5 = arith.extui %sign3A_4 : i1 to i32
    %sign3A_6 = arith.subi %sign3A_2, %sign3A_5 : i32
    %sign3A_7 = arith.constant 0 : i32
    %sign3A_8 = arith.cmpi sgt, %jit3A, %sign3A_7 : i32
    %sign3A_9 = arith.extui %sign3A_8 : i1 to i32
    %sign3A_10 = arith.constant 0 : i32
    %sign3A_11 = arith.cmpi slt, %jit3A, %sign3A_10 : i32
    %sign3A_12 = arith.extui %sign3A_11 : i1 to i32
    %sign3A_13 = arith.subi %sign3A_9, %sign3A_12 : i32
    %ne3A = arith.cmpi ne, %sign3A_6, %sign3A_13 : i32
    %rem3A = arith.remsi %add3A, %jit3A : i32
    %ne3A_14 = arith.constant 0 : i32
    %ne3A_15 = arith.cmpi ne, %rem3A, %ne3A_14 : i32
    %and3A = arith.andi %ne3A, %ne3A_15 : i1
    %sub3A = arith.constant 1 : i32
    %sub3A_16 = arith.subi %div3A, %sub3A : i32
    %select_n3A = arith.select %and3A, %sub3A_16, %div3A : i32
    %jit3A_17 = arith.constant 8 : i32
    %eq3A = arith.constant 0 : i32
    %eq3A_18 = arith.cmpi eq, %jit3A_17, %eq3A : i32
    %jit3A_19 = arith.constant 1 : i32
    %select_n3A_20 = arith.select %eq3A_18, %jit3A_19, %jit3A_17 : i32
    %rem3A_21 = arith.remsi %add3A, %select_n3A_20 : i32
    %ne3A_22 = arith.constant 0 : i32
    %ne3A_23 = arith.cmpi ne, %rem3A_21, %ne3A_22 : i32
    %lt3A = arith.constant 0 : i32
    %lt3A_24 = arith.cmpi slt, %rem3A_21, %lt3A : i32
    %lt3A_25 = arith.constant 0 : i32
    %lt3A_26 = arith.cmpi slt, %select_n3A_20, %lt3A_25 : i32
    %ne3A_27 = arith.xori %lt3A_24, %lt3A_26 : i1
    %and3A_28 = arith.andi %ne3A_27, %ne3A_23 : i1
    %add3A_29 = arith.addi %rem3A_21, %select_n3A_20 : i32
    %select_n3A_30 = arith.select %and3A_28, %add3A_29, %rem3A_21 : i32
    %mul3A_31 = arith.constant 32 : i32
    %mul3A_32 = arith.muli %select_n3A_30, %mul3A_31 : i32
    %add3A_33 = arith.constant 1792 : i32
    %add3A_34 = arith.addi %add3A_33, %mul3A_32 : i32
    %scan3A = arith.constant 0 : i32
    %scan3A_35 = arith.constant 0 : i32
    %scan3A_36 = arith.constant 32 : i32
    %scan3A_37 = arith.addi %scan3A_35, %scan3A_36 : i32
    %scan3A_38 = arith.constant 1 : i32
    scf.for %scan3A_88 = %scan3A_35 to %scan3A_37 step %scan3A_38  : i32 {
      %broadcast_in_dim3A = arith.constant 0.000000e+00 : f32
      %broadcast_in_dim3A_89 = vector.broadcast %broadcast_in_dim3A : f32 to vector<16xf32>
      %mul3A_90 = arith.constant 16 : i32
      %mul3A_91 = arith.muli %scan3A_88, %mul3A_90 : i32
      %swap3A = arith.constant 0 : i32
      %swap3A_92 = arith.index_cast %swap3A : i32 to index
      %swap3A_93 = arith.index_cast %mul3A_91 : i32 to index
      %swap3A_94 = tpu.vector_load %arg7[%swap3A_92, %swap3A_93] {strides = array<i32>} : memref<8x512xf32, #tpu.memory_space<vmem>>, vector<1x16xf32>,
      %swap3A_95 = vector.shape_cast %swap3A_94 : vector<1x16xf32> to vector<16xf32>
      %swap3A_96 = vector.shape_cast %broadcast_in_dim3A_89 : vector<16xf32> to vector<1x16xf32>
      tpu.vector_store %arg7[%swap3A_92, %swap3A_93], %swap3A_96 {strides = array<i32>} : memref<8x512xf32, #tpu.memory_space<vmem>>, vector<1x16xf32>,
    }
    %scan3A_39 = arith.constant 32 : i32
    %scan3A_40 = arith.constant 0 : i32
    %scan3A_41 = arith.constant 0 : i32
    %scan3A_42 = arith.constant 32 : i32
    %scan3A_43 = arith.addi %scan3A_41, %scan3A_42 : i32
    %scan3A_44 = arith.constant 1 : i32
    scf.for %scan3A_88 = %scan3A_41 to %scan3A_43 step %scan3A_44  : i32 {
      %broadcast_in_dim3A = arith.constant 0.000000e+00 : f32
      %broadcast_in_dim3A_89 = vector.broadcast %broadcast_in_dim3A : f32 to vector<16xf32>
      %mul3A_90 = arith.constant 16 : i32
      %mul3A_91 = arith.muli %scan3A_88, %mul3A_90 : i32
      %swap3A = arith.constant 1 : i32
      %swap3A_92 = arith.index_cast %swap3A : i32 to index
      %swap3A_93 = arith.index_cast %mul3A_91 : i32 to index
      %swap3A_94 = tpu.vector_load %arg7[%swap3A_92, %swap3A_93] {strides = array<i32>} : memref<8x512xf32, #tpu.memory_space<vmem>>, vector<1x16xf32>,
      %swap3A_95 = vector.shape_cast %swap3A_94 : vector<1x16xf32> to vector<16xf32>
      %swap3A_96 = vector.shape_cast %broadcast_in_dim3A_89 : vector<16xf32> to vector<1x16xf32>
      tpu.vector_store %arg7[%swap3A_92, %swap3A_93], %swap3A_96 {strides = array<i32>} : memref<8x512xf32, #tpu.memory_space<vmem>>, vector<1x16xf32>,
    }
    %scan3A_45 = arith.constant 32 : i32
    %scan3A_46 = arith.constant 0 : i32
    %scan3A_47 = arith.constant 0 : i32
    %scan3A_48 = arith.constant 32 : i32
    %scan3A_49 = arith.addi %scan3A_47, %scan3A_48 : i32
    %scan3A_50 = arith.constant 1 : i32
    scf.for %scan3A_88 = %scan3A_47 to %scan3A_49 step %scan3A_50  : i32 {
      %broadcast_in_dim3A = arith.constant 0.000000e+00 : f32
      %broadcast_in_dim3A_89 = vector.broadcast %broadcast_in_dim3A : f32 to vector<16xf32>
      %mul3A_90 = arith.constant 16 : i32
      %mul3A_91 = arith.muli %scan3A_88, %mul3A_90 : i32
      %swap3A = arith.constant 2 : i32
      %swap3A_92 = arith.index_cast %swap3A : i32 to index
      %swap3A_93 = arith.index_cast %mul3A_91 : i32 to index
      %swap3A_94 = tpu.vector_load %arg7[%swap3A_92, %swap3A_93] {strides = array<i32>} : memref<8x512xf32, #tpu.memory_space<vmem>>, vector<1x16xf32>,
      %swap3A_95 = vector.shape_cast %swap3A_94 : vector<1x16xf32> to vector<16xf32>
      %swap3A_96 = vector.shape_cast %broadcast_in_dim3A_89 : vector<16xf32> to vector<1x16xf32>
      tpu.vector_store %arg7[%swap3A_92, %swap3A_93], %swap3A_96 {strides = array<i32>} : memref<8x512xf32, #tpu.memory_space<vmem>>, vector<1x16xf32>,
    }
    %scan3A_51 = arith.constant 32 : i32
    %scan3A_52 = arith.constant 0 : i32
    %scan3A_53 = arith.constant 0 : i32
    %scan3A_54 = arith.constant 32 : i32
    %scan3A_55 = arith.addi %scan3A_53, %scan3A_54 : i32
    %scan3A_56 = arith.constant 1 : i32
    scf.for %scan3A_88 = %scan3A_53 to %scan3A_55 step %scan3A_56  : i32 {
      %broadcast_in_dim3A = arith.constant 0.000000e+00 : f32
      %broadcast_in_dim3A_89 = vector.broadcast %broadcast_in_dim3A : f32 to vector<16xf32>
      %mul3A_90 = arith.constant 16 : i32
      %mul3A_91 = arith.muli %scan3A_88, %mul3A_90 : i32
      %swap3A = arith.constant 3 : i32
      %swap3A_92 = arith.index_cast %swap3A : i32 to index
      %swap3A_93 = arith.index_cast %mul3A_91 : i32 to index
      %swap3A_94 = tpu.vector_load %arg7[%swap3A_92, %swap3A_93] {strides = array<i32>} : memref<8x512xf32, #tpu.memory_space<vmem>>, vector<1x16xf32>,
      %swap3A_95 = vector.shape_cast %swap3A_94 : vector<1x16xf32> to vector<16xf32>
      %swap3A_96 = vector.shape_cast %broadcast_in_dim3A_89 : vector<16xf32> to vector<1x16xf32>
      tpu.vector_store %arg7[%swap3A_92, %swap3A_93], %swap3A_96 {strides = array<i32>} : memref<8x512xf32, #tpu.memory_space<vmem>>, vector<1x16xf32>,
    }
    %scan3A_57 = arith.constant 32 : i32
    %scan3A_58 = arith.constant 0 : i32
    %scan3A_59 = arith.constant 0 : i32
    %scan3A_60 = arith.constant 32 : i32
    %scan3A_61 = arith.addi %scan3A_59, %scan3A_60 : i32
    %scan3A_62 = arith.constant 1 : i32
    scf.for %scan3A_88 = %scan3A_59 to %scan3A_61 step %scan3A_62  : i32 {
      %broadcast_in_dim3A = arith.constant 0.000000e+00 : f32
      %broadcast_in_dim3A_89 = vector.broadcast %broadcast_in_dim3A : f32 to vector<16xf32>
      %mul3A_90 = arith.constant 16 : i32
      %mul3A_91 = arith.muli %scan3A_88, %mul3A_90 : i32
      %swap3A = arith.constant 4 : i32
      %swap3A_92 = arith.index_cast %swap3A : i32 to index
      %swap3A_93 = arith.index_cast %mul3A_91 : i32 to index
      %swap3A_94 = tpu.vector_load %arg7[%swap3A_92, %swap3A_93] {strides = array<i32>} : memref<8x512xf32, #tpu.memory_space<vmem>>, vector<1x16xf32>,
      %swap3A_95 = vector.shape_cast %swap3A_94 : vector<1x16xf32> to vector<16xf32>
      %swap3A_96 = vector.shape_cast %broadcast_in_dim3A_89 : vector<16xf32> to vector<1x16xf32>
      tpu.vector_store %arg7[%swap3A_92, %swap3A_93], %swap3A_96 {strides = array<i32>} : memref<8x512xf32, #tpu.memory_space<vmem>>, vector<1x16xf32>,
    }
    %scan3A_63 = arith.constant 32 : i32
    %scan3A_64 = arith.constant 0 : i32
    %scan3A_65 = arith.constant 0 : i32
    %scan3A_66 = arith.constant 32 : i32
    %scan3A_67 = arith.addi %scan3A_65, %scan3A_66 : i32
    %scan3A_68 = arith.constant 1 : i32
    scf.for %scan3A_88 = %scan3A_65 to %scan3A_67 step %scan3A_68  : i32 {
      %broadcast_in_dim3A = arith.constant 0.000000e+00 : f32
      %broadcast_in_dim3A_89 = vector.broadcast %broadcast_in_dim3A : f32 to vector<16xf32>
      %mul3A_90 = arith.constant 16 : i32
      %mul3A_91 = arith.muli %scan3A_88, %mul3A_90 : i32
      %swap3A = arith.constant 5 : i32
      %swap3A_92 = arith.index_cast %swap3A : i32 to index
      %swap3A_93 = arith.index_cast %mul3A_91 : i32 to index
      %swap3A_94 = tpu.vector_load %arg7[%swap3A_92, %swap3A_93] {strides = array<i32>} : memref<8x512xf32, #tpu.memory_space<vmem>>, vector<1x16xf32>,
      %swap3A_95 = vector.shape_cast %swap3A_94 : vector<1x16xf32> to vector<16xf32>
      %swap3A_96 = vector.shape_cast %broadcast_in_dim3A_89 : vector<16xf32> to vector<1x16xf32>
      tpu.vector_store %arg7[%swap3A_92, %swap3A_93], %swap3A_96 {strides = array<i32>} : memref<8x512xf32, #tpu.memory_space<vmem>>, vector<1x16xf32>,
    }
    %scan3A_69 = arith.constant 32 : i32
    %scan3A_70 = arith.constant 0 : i32
    %scan3A_71 = arith.constant 0 : i32
    %scan3A_72 = arith.constant 32 : i32
    %scan3A_73 = arith.addi %scan3A_71, %scan3A_72 : i32
    %scan3A_74 = arith.constant 1 : i32
    scf.for %scan3A_88 = %scan3A_71 to %scan3A_73 step %scan3A_74  : i32 {
      %broadcast_in_dim3A = arith.constant 0.000000e+00 : f32
      %broadcast_in_dim3A_89 = vector.broadcast %broadcast_in_dim3A : f32 to vector<16xf32>
      %mul3A_90 = arith.constant 16 : i32
      %mul3A_91 = arith.muli %scan3A_88, %mul3A_90 : i32
      %swap3A = arith.constant 6 : i32
      %swap3A_92 = arith.index_cast %swap3A : i32 to index
      %swap3A_93 = arith.index_cast %mul3A_91 : i32 to index
      %swap3A_94 = tpu.vector_load %arg7[%swap3A_92, %swap3A_93] {strides = array<i32>} : memref<8x512xf32, #tpu.memory_space<vmem>>, vector<1x16xf32>,
      %swap3A_95 = vector.shape_cast %swap3A_94 : vector<1x16xf32> to vector<16xf32>
      %swap3A_96 = vector.shape_cast %broadcast_in_dim3A_89 : vector<16xf32> to vector<1x16xf32>
      tpu.vector_store %arg7[%swap3A_92, %swap3A_93], %swap3A_96 {strides = array<i32>} : memref<8x512xf32, #tpu.memory_space<vmem>>, vector<1x16xf32>,
    }
    %scan3A_75 = arith.constant 32 : i32
    %scan3A_76 = arith.constant 0 : i32
    %scan3A_77 = arith.constant 0 : i32
    %scan3A_78 = arith.constant 32 : i32
    %scan3A_79 = arith.addi %scan3A_77, %scan3A_78 : i32
    %scan3A_80 = arith.constant 1 : i32
    scf.for %scan3A_88 = %scan3A_77 to %scan3A_79 step %scan3A_80  : i32 {
      %broadcast_in_dim3A = arith.constant 0.000000e+00 : f32
      %broadcast_in_dim3A_89 = vector.broadcast %broadcast_in_dim3A : f32 to vector<16xf32>
      %mul3A_90 = arith.constant 16 : i32
      %mul3A_91 = arith.muli %scan3A_88, %mul3A_90 : i32
      %swap3A = arith.constant 7 : i32
      %swap3A_92 = arith.index_cast %swap3A : i32 to index
      %swap3A_93 = arith.index_cast %mul3A_91 : i32 to index
      %swap3A_94 = tpu.vector_load %arg7[%swap3A_92, %swap3A_93] {strides = array<i32>} : memref<8x512xf32, #tpu.memory_space<vmem>>, vector<1x16xf32>,
      %swap3A_95 = vector.shape_cast %swap3A_94 : vector<1x16xf32> to vector<16xf32>
      %swap3A_96 = vector.shape_cast %broadcast_in_dim3A_89 : vector<16xf32> to vector<1x16xf32>
      tpu.vector_store %arg7[%swap3A_92, %swap3A_93], %swap3A_96 {strides = array<i32>} : memref<8x512xf32, #tpu.memory_space<vmem>>, vector<1x16xf32>,
    }
    %scan3A_81 = arith.constant 32 : i32
    %scan3A_82 = arith.constant 0 : i32
    %scan3A_83 = arith.constant 0 : i32
    %scan3A_84 = arith.constant 4 : i32
    %scan3A_85 = arith.addi %scan3A_83, %scan3A_84 : i32
    %scan3A_86 = arith.constant 1 : i32
    scf.for %scan3A_88 = %scan3A_83 to %scan3A_85 step %scan3A_86  : i32 {
      %mul3A_89 = arith.constant 8 : i32
      %mul3A_90 = arith.muli %scan3A_88, %mul3A_89 : i32
      %add3A_91 = arith.addi %add3A_34, %mul3A_90 : i32
      "tpu.region"() ({
        %run_scoped3A = tpu.sem_alloc : memref<!tpu.dma_semaphore, #tpu.memory_space<semaphore_mem>>
        %dma_start3A = arith.constant 0 : i32
        %dma_start3A_98 = tpu.memref_slice %arg2[%select_n3A, %add3A_91, %dma_start3A] : memref<4x2048x2048xf32, #tpu.memory_space<hbm>> -> memref<1x8x2048xf32, #tpu.memory_space<hbm>>
        %dma_start3A_99 = tpu.memref_squeeze %dma_start3A_98 : memref<1x8x2048xf32, #tpu.memory_space<hbm>> -> memref<8x2048xf32, #tpu.memory_space<hbm>>
        %dma_start3A_100 = arith.constant 0 : i32
        %dma_start3A_101 = tpu.memref_slice %arg2[%select_n3A, %add3A_91, %dma_start3A_100] : memref<4x2048x2048xf32, #tpu.memory_space<hbm>> -> memref<1x8x2048xf32, #tpu.memory_space<hbm>>
        %dma_start3A_102 = tpu.memref_squeeze %dma_start3A_101 : memref<1x8x2048xf32, #tpu.memory_space<hbm>> -> memref<8x2048xf32, #tpu.memory_space<hbm>>
        tpu.enqueue_dma source(%dma_start3A_102 : memref<8x2048xf32, #tpu.memory_space<hbm>>) target(%arg5 : memref<8x2048xf32, #tpu.memory_space<vmem>>) target_semaphore(%run_scoped3A : memref<!tpu.dma_semaphore, #tpu.memory_space<semaphore_mem>>)
        %dma_wait3A = arith.constant 0 : i32
        %dma_wait3A_103 = tpu.memref_slice %arg2[%select_n3A, %add3A_91, %dma_wait3A] : memref<4x2048x2048xf32, #tpu.memory_space<hbm>> -> memref<1x8x2048xf32, #tpu.memory_space<hbm>>
        %dma_wait3A_104 = tpu.memref_squeeze %dma_wait3A_103 : memref<1x8x2048xf32, #tpu.memory_space<hbm>> -> memref<8x2048xf32, #tpu.memory_space<hbm>>
        %dma_wait3A_105 = arith.constant 0 : i32
        %dma_wait3A_106 = tpu.memref_slice %arg2[%select_n3A, %add3A_91, %dma_wait3A_105] : memref<4x2048x2048xf32, #tpu.memory_space<hbm>> -> memref<1x8x2048xf32, #tpu.memory_space<hbm>>
        %dma_wait3A_107 = tpu.memref_squeeze %dma_wait3A_106 : memref<1x8x2048xf32, #tpu.memory_space<hbm>> -> memref<8x2048xf32, #tpu.memory_space<hbm>>
        tpu.wait_dma2 semaphore(%run_scoped3A : memref<!tpu.dma_semaphore, #tpu.memory_space<semaphore_mem>>) src(%dma_wait3A_107 : memref<8x2048xf32, #tpu.memory_space<hbm>>) dst(%arg5 : memref<8x2048xf32, #tpu.memory_space<vmem>>)
        tpu.yield
      }) : () -> ()
      "tpu.region"() ({
        %run_scoped3A = tpu.sem_alloc : memref<!tpu.dma_semaphore, #tpu.memory_space<semaphore_mem>>
        %dma_start3A = arith.constant 0 : i32
        %dma_start3A_98 = arith.constant 0 : i32
        %dma_start3A_99 = tpu.memref_slice %arg3[%select_n3A, %add3A_91, %dma_start3A, %dma_start3A_98] : memref<4x2048x8x512xf32, #tpu.memory_space<hbm>> -> memref<1x8x8x512xf32, #tpu.memory_space<hbm>>
        %dma_start3A_100 = tpu.memref_squeeze %dma_start3A_99 : memref<1x8x8x512xf32, #tpu.memory_space<hbm>> -> memref<8x8x512xf32, #tpu.memory_space<hbm>>
        %dma_start3A_101 = arith.constant 0 : i32
        %dma_start3A_102 = arith.constant 0 : i32
        %dma_start3A_103 = tpu.memref_slice %arg3[%select_n3A, %add3A_91, %dma_start3A_101, %dma_start3A_102] : memref<4x2048x8x512xf32, #tpu.memory_space<hbm>> -> memref<1x8x8x512xf32, #tpu.memory_space<hbm>>
        %dma_start3A_104 = tpu.memref_squeeze %dma_start3A_103 : memref<1x8x8x512xf32, #tpu.memory_space<hbm>> -> memref<8x8x512xf32, #tpu.memory_space<hbm>>
        tpu.enqueue_dma source(%dma_start3A_104 : memref<8x8x512xf32, #tpu.memory_space<hbm>>) target(%arg6 : memref<8x8x512xf32, #tpu.memory_space<vmem>>) target_semaphore(%run_scoped3A : memref<!tpu.dma_semaphore, #tpu.memory_space<semaphore_mem>>)
        %dma_wait3A = arith.constant 0 : i32
        %dma_wait3A_105 = arith.constant 0 : i32
        %dma_wait3A_106 = tpu.memref_slice %arg3[%select_n3A, %add3A_91, %dma_wait3A, %dma_wait3A_105] : memref<4x2048x8x512xf32, #tpu.memory_space<hbm>> -> memref<1x8x8x512xf32, #tpu.memory_space<hbm>>
        %dma_wait3A_107 = tpu.memref_squeeze %dma_wait3A_106 : memref<1x8x8x512xf32, #tpu.memory_space<hbm>> -> memref<8x8x512xf32, #tpu.memory_space<hbm>>
        %dma_wait3A_108 = arith.constant 0 : i32
        %dma_wait3A_109 = arith.constant 0 : i32
        %dma_wait3A_110 = tpu.memref_slice %arg3[%select_n3A, %add3A_91, %dma_wait3A_108, %dma_wait3A_109] : memref<4x2048x8x512xf32, #tpu.memory_space<hbm>> -> memref<1x8x8x512xf32, #tpu.memory_space<hbm>>
        %dma_wait3A_111 = tpu.memref_squeeze %dma_wait3A_110 : memref<1x8x8x512xf32, #tpu.memory_space<hbm>> -> memref<8x8x512xf32, #tpu.memory_space<hbm>>
        tpu.wait_dma2 semaphore(%run_scoped3A : memref<!tpu.dma_semaphore, #tpu.memory_space<semaphore_mem>>) src(%dma_wait3A_111 : memref<8x8x512xf32, #tpu.memory_space<hbm>>) dst(%arg6 : memref<8x8x512xf32, #tpu.memory_space<vmem>>)
        tpu.yield
      }) : () -> ()
      %scan3A_92 = arith.constant 0 : i32
      %scan3A_93 = arith.constant 0 : i32
      %scan3A_94 = arith.constant 8 : i32
      %scan3A_95 = arith.addi %scan3A_93, %scan3A_94 : i32
      %scan3A_96 = arith.constant 1 : i32
      scf.for %scan3A_98 = %scan3A_93 to %scan3A_95 step %scan3A_96  : i32 {
        %broadcast_in_dim3A = arith.constant 0.000000e+00 : f32
        %broadcast_in_dim3A_99 = vector.broadcast %broadcast_in_dim3A : f32 to vector<16xf32>
        %scan3A_100 = arith.constant 0 : i32
        %scan3A_101 = arith.constant 32 : i32
        %scan3A_102 = arith.addi %scan3A_100, %scan3A_101 : i32
        %scan3A_103 = arith.constant 1 : i32
        %scan3A_104 = scf.for %scan3A_183 = %scan3A_100 to %scan3A_102 step %scan3A_103 iter_args(%scan3A_184 = %broadcast_in_dim3A_99) -> (vector<16xf32>)  : i32 {
          %mul3A_185 = arith.constant 64 : i32
          %mul3A_186 = arith.muli %scan3A_183, %mul3A_185 : i32
          %add3A_187 = arith.constant 0 : i32
          %add3A_188 = arith.addi %mul3A_186, %add3A_187 : i32
          %get3A = arith.index_cast %scan3A_98 : i32 to index
          %get3A_189 = arith.index_cast %add3A_188 : i32 to index
          %get3A_190 = tpu.vector_load %arg5[%get3A, %get3A_189] {strides = array<i32>} : memref<8x2048xf32, #tpu.memory_space<vmem>>, vector<1x16xf32>,
          %get3A_191 = vector.shape_cast %get3A_190 : vector<1x16xf32> to vector<16xf32>
          %add3A_192 = arith.addf %scan3A_184, %get3A_191 : vector<16xf32>
          %add3A_193 = arith.constant 16 : i32
          %add3A_194 = arith.addi %mul3A_186, %add3A_193 : i32
          %get3A_195 = arith.index_cast %scan3A_98 : i32 to index
          %get3A_196 = arith.index_cast %add3A_194 : i32 to index
          %get3A_197 = tpu.vector_load %arg5[%get3A_195, %get3A_196] {strides = array<i32>} : memref<8x2048xf32, #tpu.memory_space<vmem>>, vector<1x16xf32>,
          %get3A_198 = vector.shape_cast %get3A_197 : vector<1x16xf32> to vector<16xf32>
          %add3A_199 = arith.addf %add3A_192, %get3A_198 : vector<16xf32>
          %add3A_200 = arith.constant 32 : i32
          %add3A_201 = arith.addi %mul3A_186, %add3A_200 : i32
          %get3A_202 = arith.index_cast %scan3A_98 : i32 to index
          %get3A_203 = arith.index_cast %add3A_201 : i32 to index
          %get3A_204 = tpu.vector_load %arg5[%get3A_202, %get3A_203] {strides = array<i32>} : memref<8x2048xf32, #tpu.memory_space<vmem>>, vector<1x16xf32>,
          %get3A_205 = vector.shape_cast %get3A_204 : vector<1x16xf32> to vector<16xf32>
          %add3A_206 = arith.addf %add3A_199, %get3A_205 : vector<16xf32>
          %add3A_207 = arith.constant 48 : i32
          %add3A_208 = arith.addi %mul3A_186, %add3A_207 : i32
          %get3A_209 = arith.index_cast %scan3A_98 : i32 to index
          %get3A_210 = arith.index_cast %add3A_208 : i32 to index
          %get3A_211 = tpu.vector_load %arg5[%get3A_209, %get3A_210] {strides = array<i32>} : memref<8x2048xf32, #tpu.memory_space<vmem>>, vector<1x16xf32>,
          %get3A_212 = vector.shape_cast %get3A_211 : vector<1x16xf32> to vector<16xf32>
          %add3A_213 = arith.addf %add3A_206, %get3A_212 : vector<16xf32>
          scf.yield %add3A_213 : vector<16xf32>
        }
        %scan3A_105 = arith.constant 32 : i32
        %iota3A = tpu.iota {dimensions = array<i32: 0>} : vector<16xi32>
        %xor3A = arith.constant 1 : i32
        %xor3A_106 = vector.broadcast %xor3A : i32 to vector<16xi32>
        %xor3A_107 = arith.xori %iota3A, %xor3A_106 : vector<16xi32>
        %broadcast_in_dim3A_108 = vector.shape_cast %xor3A_107 : vector<16xi32> to vector<16x1xi32>
        %gather3A = vector.shape_cast %broadcast_in_dim3A_108 : vector<16x1xi32> to vector<16xi32>
        %gather3A_109 = tpu.dynamic_gather %scan3A_104[%gather3A] in [0] : vector<16xf32>, vector<16xi32> -> vector<16xf32>
        %add3A_110 = arith.addf %scan3A_104, %gather3A_109 : vector<16xf32>
        %iota3A_111 = tpu.iota {dimensions = array<i32: 0>} : vector<16xi32>
        %xor3A_112 = arith.constant 2 : i32
        %xor3A_113 = vector.broadcast %xor3A_112 : i32 to vector<16xi32>
        %xor3A_114 = arith.xori %iota3A_111, %xor3A_113 : vector<16xi32>
        %broadcast_in_dim3A_115 = vector.shape_cast %xor3A_114 : vector<16xi32> to vector<16x1xi32>
        %gather3A_116 = vector.shape_cast %broadcast_in_dim3A_115 : vector<16x1xi32> to vector<16xi32>
        %gather3A_117 = tpu.dynamic_gather %add3A_110[%gather3A_116] in [0] : vector<16xf32>, vector<16xi32> -> vector<16xf32>
        %add3A_118 = arith.addf %add3A_110, %gather3A_117 : vector<16xf32>
        %iota3A_119 = tpu.iota {dimensions = array<i32: 0>} : vector<16xi32>
        %xor3A_120 = arith.constant 4 : i32
        %xor3A_121 = vector.broadcast %xor3A_120 : i32 to vector<16xi32>
        %xor3A_122 = arith.xori %iota3A_119, %xor3A_121 : vector<16xi32>
        %broadcast_in_dim3A_123 = vector.shape_cast %xor3A_122 : vector<16xi32> to vector<16x1xi32>
        %gather3A_124 = vector.shape_cast %broadcast_in_dim3A_123 : vector<16x1xi32> to vector<16xi32>
        %gather3A_125 = tpu.dynamic_gather %add3A_118[%gather3A_124] in [0] : vector<16xf32>, vector<16xi32> -> vector<16xf32>
        %add3A_126 = arith.addf %add3A_118, %gather3A_125 : vector<16xf32>
        %iota3A_127 = tpu.iota {dimensions = array<i32: 0>} : vector<16xi32>
        %xor3A_128 = arith.constant 8 : i32
        %xor3A_129 = vector.broadcast %xor3A_128 : i32 to vector<16xi32>
        %xor3A_130 = arith.xori %iota3A_127, %xor3A_129 : vector<16xi32>
        %broadcast_in_dim3A_131 = vector.shape_cast %xor3A_130 : vector<16xi32> to vector<16x1xi32>
        %gather3A_132 = vector.shape_cast %broadcast_in_dim3A_131 : vector<16x1xi32> to vector<16xi32>
        %gather3A_133 = tpu.dynamic_gather %add3A_126[%gather3A_132] in [0] : vector<16xf32>, vector<16xi32> -> vector<16xf32>
        %add3A_134 = arith.addf %add3A_126, %gather3A_133 : vector<16xf32>
        %scan3A_135 = arith.constant 0 : i32
        %scan3A_136 = arith.constant 0 : i32
        %scan3A_137 = arith.constant 8 : i32
        %scan3A_138 = arith.addi %scan3A_136, %scan3A_137 : i32
        %scan3A_139 = arith.constant 1 : i32
        scf.for %scan3A_183 = %scan3A_136 to %scan3A_138 step %scan3A_139  : i32 {
          %mul3A_184 = arith.constant 64 : i32
          %mul3A_185 = arith.muli %scan3A_183, %mul3A_184 : i32
          %add3A_186 = arith.constant 0 : i32
          %add3A_187 = arith.addi %mul3A_185, %add3A_186 : i32
          %get3A = arith.constant 0 : i32
          %get3A_188 = arith.index_cast %get3A : i32 to index
          %get3A_189 = arith.index_cast %add3A_187 : i32 to index
          %get3A_190 = tpu.vector_load %arg7[%get3A_188, %get3A_189] {strides = array<i32>} : memref<8x512xf32, #tpu.memory_space<vmem>>, vector<1x16xf32>,
          %get3A_191 = vector.shape_cast %get3A_190 : vector<1x16xf32> to vector<16xf32>
          %get3A_192 = arith.constant 0 : i32
          %get3A_193 = arith.index_cast %scan3A_98 : i32 to index
          %get3A_194 = arith.index_cast %get3A_192 : i32 to index
          %get3A_195 = arith.index_cast %add3A_187 : i32 to index
          %get3A_196 = tpu.vector_load %arg6[%get3A_193, %get3A_194, %get3A_195] {strides = array<i32>} : memref<8x8x512xf32, #tpu.memory_space<vmem>>, vector<1x1x16xf32>,
          %get3A_197 = vector.shape_cast %get3A_196 : vector<1x1x16xf32> to vector<16xf32>
          %mul3A_198 = arith.mulf %add3A_134, %get3A_197 : vector<16xf32>
          %add3A_199 = arith.addf %get3A_191, %mul3A_198 : vector<16xf32>
          %swap3A = arith.constant 0 : i32
          %swap3A_200 = arith.index_cast %swap3A : i32 to index
          %swap3A_201 = arith.index_cast %add3A_187 : i32 to index
          %swap3A_202 = tpu.vector_load %arg7[%swap3A_200, %swap3A_201] {strides = array<i32>} : memref<8x512xf32, #tpu.memory_space<vmem>>, vector<1x16xf32>,
          %swap3A_203 = vector.shape_cast %swap3A_202 : vector<1x16xf32> to vector<16xf32>
          %swap3A_204 = vector.shape_cast %add3A_199 : vector<16xf32> to vector<1x16xf32>
          tpu.vector_store %arg7[%swap3A_200, %swap3A_201], %swap3A_204 {strides = array<i32>} : memref<8x512xf32, #tpu.memory_space<vmem>>, vector<1x16xf32>,
          %add3A_205 = arith.constant 16 : i32
          %add3A_206 = arith.addi %mul3A_185, %add3A_205 : i32
          %get3A_207 = arith.constant 0 : i32
          %get3A_208 = arith.index_cast %get3A_207 : i32 to index
          %get3A_209 = arith.index_cast %add3A_206 : i32 to index
          %get3A_210 = tpu.vector_load %arg7[%get3A_208, %get3A_209] {strides = array<i32>} : memref<8x512xf32, #tpu.memory_space<vmem>>, vector<1x16xf32>,
          %get3A_211 = vector.shape_cast %get3A_210 : vector<1x16xf32> to vector<16xf32>
          %get3A_212 = arith.constant 0 : i32
          %get3A_213 = arith.index_cast %scan3A_98 : i32 to index
          %get3A_214 = arith.index_cast %get3A_212 : i32 to index
          %get3A_215 = arith.index_cast %add3A_206 : i32 to index
          %get3A_216 = tpu.vector_load %arg6[%get3A_213, %get3A_214, %get3A_215] {strides = array<i32>} : memref<8x8x512xf32, #tpu.memory_space<vmem>>, vector<1x1x16xf32>,
          %get3A_217 = vector.shape_cast %get3A_216 : vector<1x1x16xf32> to vector<16xf32>
          %mul3A_218 = arith.mulf %add3A_134, %get3A_217 : vector<16xf32>
          %add3A_219 = arith.addf %get3A_211, %mul3A_218 : vector<16xf32>
          %swap3A_220 = arith.constant 0 : i32
          %swap3A_221 = arith.index_cast %swap3A_220 : i32 to index
          %swap3A_222 = arith.index_cast %add3A_206 : i32 to index
          %swap3A_223 = tpu.vector_load %arg7[%swap3A_221, %swap3A_222] {strides = array<i32>} : memref<8x512xf32, #tpu.memory_space<vmem>>, vector<1x16xf32>,
          %swap3A_224 = vector.shape_cast %swap3A_223 : vector<1x16xf32> to vector<16xf32>
          %swap3A_225 = vector.shape_cast %add3A_219 : vector<16xf32> to vector<1x16xf32>
          tpu.vector_store %arg7[%swap3A_221, %swap3A_222], %swap3A_225 {strides = array<i32>} : memref<8x512xf32, #tpu.memory_space<vmem>>, vector<1x16xf32>,
          %add3A_226 = arith.constant 32 : i32
          %add3A_227 = arith.addi %mul3A_185, %add3A_226 : i32
          %get3A_228 = arith.constant 0 : i32
          %get3A_229 = arith.index_cast %get3A_228 : i32 to index
          %get3A_230 = arith.index_cast %add3A_227 : i32 to index
          %get3A_231 = tpu.vector_load %arg7[%get3A_229, %get3A_230] {strides = array<i32>} : memref<8x512xf32, #tpu.memory_space<vmem>>, vector<1x16xf32>,
          %get3A_232 = vector.shape_cast %get3A_231 : vector<1x16xf32> to vector<16xf32>
          %get3A_233 = arith.constant 0 : i32
          %get3A_234 = arith.index_cast %scan3A_98 : i32 to index
          %get3A_235 = arith.index_cast %get3A_233 : i32 to index
          %get3A_236 = arith.index_cast %add3A_227 : i32 to index
          %get3A_237 = tpu.vector_load %arg6[%get3A_234, %get3A_235, %get3A_236] {strides = array<i32>} : memref<8x8x512xf32, #tpu.memory_space<vmem>>, vector<1x1x16xf32>,
          %get3A_238 = vector.shape_cast %get3A_237 : vector<1x1x16xf32> to vector<16xf32>
          %mul3A_239 = arith.mulf %add3A_134, %get3A_238 : vector<16xf32>
          %add3A_240 = arith.addf %get3A_232, %mul3A_239 : vector<16xf32>
          %swap3A_241 = arith.constant 0 : i32
          %swap3A_242 = arith.index_cast %swap3A_241 : i32 to index
          %swap3A_243 = arith.index_cast %add3A_227 : i32 to index
          %swap3A_244 = tpu.vector_load %arg7[%swap3A_242, %swap3A_243] {strides = array<i32>} : memref<8x512xf32, #tpu.memory_space<vmem>>, vector<1x16xf32>,
          %swap3A_245 = vector.shape_cast %swap3A_244 : vector<1x16xf32> to vector<16xf32>
          %swap3A_246 = vector.shape_cast %add3A_240 : vector<16xf32> to vector<1x16xf32>
          tpu.vector_store %arg7[%swap3A_242, %swap3A_243], %swap3A_246 {strides = array<i32>} : memref<8x512xf32, #tpu.memory_space<vmem>>, vector<1x16xf32>,
          %add3A_247 = arith.constant 48 : i32
          %add3A_248 = arith.addi %mul3A_185, %add3A_247 : i32
          %get3A_249 = arith.constant 0 : i32
          %get3A_250 = arith.index_cast %get3A_249 : i32 to index
          %get3A_251 = arith.index_cast %add3A_248 : i32 to index
          %get3A_252 = tpu.vector_load %arg7[%get3A_250, %get3A_251] {strides = array<i32>} : memref<8x512xf32, #tpu.memory_space<vmem>>, vector<1x16xf32>,
          %get3A_253 = vector.shape_cast %get3A_252 : vector<1x16xf32> to vector<16xf32>
          %get3A_254 = arith.constant 0 : i32
          %get3A_255 = arith.index_cast %scan3A_98 : i32 to index
          %get3A_256 = arith.index_cast %get3A_254 : i32 to index
          %get3A_257 = arith.index_cast %add3A_248 : i32 to index
          %get3A_258 = tpu.vector_load %arg6[%get3A_255, %get3A_256, %get3A_257] {strides = array<i32>} : memref<8x8x512xf32, #tpu.memory_space<vmem>>, vector<1x1x16xf32>,
          %get3A_259 = vector.shape_cast %get3A_258 : vector<1x1x16xf32> to vector<16xf32>
          %mul3A_260 = arith.mulf %add3A_134, %get3A_259 : vector<16xf32>
          %add3A_261 = arith.addf %get3A_253, %mul3A_260 : vector<16xf32>
          %swap3A_262 = arith.constant 0 : i32
          %swap3A_263 = arith.index_cast %swap3A_262 : i32 to index
          %swap3A_264 = arith.index_cast %add3A_248 : i32 to index
          %swap3A_265 = tpu.vector_load %arg7[%swap3A_263, %swap3A_264] {strides = array<i32>} : memref<8x512xf32, #tpu.memory_space<vmem>>, vector<1x16xf32>,
          %swap3A_266 = vector.shape_cast %swap3A_265 : vector<1x16xf32> to vector<16xf32>
          %swap3A_267 = vector.shape_cast %add3A_261 : vector<16xf32> to vector<1x16xf32>
          tpu.vector_store %arg7[%swap3A_263, %swap3A_264], %swap3A_267 {strides = array<i32>} : memref<8x512xf32, #tpu.memory_space<vmem>>, vector<1x16xf32>,
        }
        %scan3A_140 = arith.constant 8 : i32
        %scan3A_141 = arith.constant 0 : i32
        %scan3A_142 = arith.constant 0 : i32
        %scan3A_143 = arith.constant 8 : i32
        %scan3A_144 = arith.addi %scan3A_142, %scan3A_143 : i32
        %scan3A_145 = arith.constant 1 : i32
        scf.for %scan3A_183 = %scan3A_142 to %scan3A_144 step %scan3A_145  : i32 {
          %mul3A_184 = arith.constant 64 : i32
          %mul3A_185 = arith.muli %scan3A_183, %mul3A_184 : i32
          %add3A_186 = arith.constant 0 : i32
          %add3A_187 = arith.addi %mul3A_185, %add3A_186 : i32
          %get3A = arith.constant 1 : i32
          %get3A_188 = arith.index_cast %get3A : i32 to index
          %get3A_189 = arith.index_cast %add3A_187 : i32 to index
          %get3A_190 = tpu.vector_load %arg7[%get3A_188, %get3A_189] {strides = array<i32>} : memref<8x512xf32, #tpu.memory_space<vmem>>, vector<1x16xf32>,
          %get3A_191 = vector.shape_cast %get3A_190 : vector<1x16xf32> to vector<16xf32>
          %get3A_192 = arith.constant 1 : i32
          %get3A_193 = arith.index_cast %scan3A_98 : i32 to index
          %get3A_194 = arith.index_cast %get3A_192 : i32 to index
          %get3A_195 = arith.index_cast %add3A_187 : i32 to index
          %get3A_196 = tpu.vector_load %arg6[%get3A_193, %get3A_194, %get3A_195] {strides = array<i32>} : memref<8x8x512xf32, #tpu.memory_space<vmem>>, vector<1x1x16xf32>,
          %get3A_197 = vector.shape_cast %get3A_196 : vector<1x1x16xf32> to vector<16xf32>
          %mul3A_198 = arith.mulf %add3A_134, %get3A_197 : vector<16xf32>
          %add3A_199 = arith.addf %get3A_191, %mul3A_198 : vector<16xf32>
          %swap3A = arith.constant 1 : i32
          %swap3A_200 = arith.index_cast %swap3A : i32 to index
          %swap3A_201 = arith.index_cast %add3A_187 : i32 to index
          %swap3A_202 = tpu.vector_load %arg7[%swap3A_200, %swap3A_201] {strides = array<i32>} : memref<8x512xf32, #tpu.memory_space<vmem>>, vector<1x16xf32>,
          %swap3A_203 = vector.shape_cast %swap3A_202 : vector<1x16xf32> to vector<16xf32>
          %swap3A_204 = vector.shape_cast %add3A_199 : vector<16xf32> to vector<1x16xf32>
          tpu.vector_store %arg7[%swap3A_200, %swap3A_201], %swap3A_204 {strides = array<i32>} : memref<8x512xf32, #tpu.memory_space<vmem>>, vector<1x16xf32>,
          %add3A_205 = arith.constant 16 : i32
          %add3A_206 = arith.addi %mul3A_185, %add3A_205 : i32
          %get3A_207 = arith.constant 1 : i32
          %get3A_208 = arith.index_cast %get3A_207 : i32 to index
          %get3A_209 = arith.index_cast %add3A_206 : i32 to index
          %get3A_210 = tpu.vector_load %arg7[%get3A_208, %get3A_209] {strides = array<i32>} : memref<8x512xf32, #tpu.memory_space<vmem>>, vector<1x16xf32>,
          %get3A_211 = vector.shape_cast %get3A_210 : vector<1x16xf32> to vector<16xf32>
          %get3A_212 = arith.constant 1 : i32
          %get3A_213 = arith.index_cast %scan3A_98 : i32 to index
          %get3A_214 = arith.index_cast %get3A_212 : i32 to index
          %get3A_215 = arith.index_cast %add3A_206 : i32 to index
          %get3A_216 = tpu.vector_load %arg6[%get3A_213, %get3A_214, %get3A_215] {strides = array<i32>} : memref<8x8x512xf32, #tpu.memory_space<vmem>>, vector<1x1x16xf32>,
          %get3A_217 = vector.shape_cast %get3A_216 : vector<1x1x16xf32> to vector<16xf32>
          %mul3A_218 = arith.mulf %add3A_134, %get3A_217 : vector<16xf32>
          %add3A_219 = arith.addf %get3A_211, %mul3A_218 : vector<16xf32>
          %swap3A_220 = arith.constant 1 : i32
          %swap3A_221 = arith.index_cast %swap3A_220 : i32 to index
          %swap3A_222 = arith.index_cast %add3A_206 : i32 to index
          %swap3A_223 = tpu.vector_load %arg7[%swap3A_221, %swap3A_222] {strides = array<i32>} : memref<8x512xf32, #tpu.memory_space<vmem>>, vector<1x16xf32>,
          %swap3A_224 = vector.shape_cast %swap3A_223 : vector<1x16xf32> to vector<16xf32>
          %swap3A_225 = vector.shape_cast %add3A_219 : vector<16xf32> to vector<1x16xf32>
          tpu.vector_store %arg7[%swap3A_221, %swap3A_222], %swap3A_225 {strides = array<i32>} : memref<8x512xf32, #tpu.memory_space<vmem>>, vector<1x16xf32>,
          %add3A_226 = arith.constant 32 : i32
          %add3A_227 = arith.addi %mul3A_185, %add3A_226 : i32
          %get3A_228 = arith.constant 1 : i32
          %get3A_229 = arith.index_cast %get3A_228 : i32 to index
          %get3A_230 = arith.index_cast %add3A_227 : i32 to index
          %get3A_231 = tpu.vector_load %arg7[%get3A_229, %get3A_230] {strides = array<i32>} : memref<8x512xf32, #tpu.memory_space<vmem>>, vector<1x16xf32>,
          %get3A_232 = vector.shape_cast %get3A_231 : vector<1x16xf32> to vector<16xf32>
          %get3A_233 = arith.constant 1 : i32
          %get3A_234 = arith.index_cast %scan3A_98 : i32 to index
          %get3A_235 = arith.index_cast %get3A_233 : i32 to index
          %get3A_236 = arith.index_cast %add3A_227 : i32 to index
          %get3A_237 = tpu.vector_load %arg6[%get3A_234, %get3A_235, %get3A_236] {strides = array<i32>} : memref<8x8x512xf32, #tpu.memory_space<vmem>>, vector<1x1x16xf32>,
          %get3A_238 = vector.shape_cast %get3A_237 : vector<1x1x16xf32> to vector<16xf32>
          %mul3A_239 = arith.mulf %add3A_134, %get3A_238 : vector<16xf32>
          %add3A_240 = arith.addf %get3A_232, %mul3A_239 : vector<16xf32>
          %swap3A_241 = arith.constant 1 : i32
          %swap3A_242 = arith.index_cast %swap3A_241 : i32 to index
          %swap3A_243 = arith.index_cast %add3A_227 : i32 to index
          %swap3A_244 = tpu.vector_load %arg7[%swap3A_242, %swap3A_243] {strides = array<i32>} : memref<8x512xf32, #tpu.memory_space<vmem>>, vector<1x16xf32>,
          %swap3A_245 = vector.shape_cast %swap3A_244 : vector<1x16xf32> to vector<16xf32>
          %swap3A_246 = vector.shape_cast %add3A_240 : vector<16xf32> to vector<1x16xf32>
          tpu.vector_store %arg7[%swap3A_242, %swap3A_243], %swap3A_246 {strides = array<i32>} : memref<8x512xf32, #tpu.memory_space<vmem>>, vector<1x16xf32>,
          %add3A_247 = arith.constant 48 : i32
          %add3A_248 = arith.addi %mul3A_185, %add3A_247 : i32
          %get3A_249 = arith.constant 1 : i32
          %get3A_250 = arith.index_cast %get3A_249 : i32 to index
          %get3A_251 = arith.index_cast %add3A_248 : i32 to index
          %get3A_252 = tpu.vector_load %arg7[%get3A_250, %get3A_251] {strides = array<i32>} : memref<8x512xf32, #tpu.memory_space<vmem>>, vector<1x16xf32>,
          %get3A_253 = vector.shape_cast %get3A_252 : vector<1x16xf32> to vector<16xf32>
          %get3A_254 = arith.constant 1 : i32
          %get3A_255 = arith.index_cast %scan3A_98 : i32 to index
          %get3A_256 = arith.index_cast %get3A_254 : i32 to index
          %get3A_257 = arith.index_cast %add3A_248 : i32 to index
          %get3A_258 = tpu.vector_load %arg6[%get3A_255, %get3A_256, %get3A_257] {strides = array<i32>} : memref<8x8x512xf32, #tpu.memory_space<vmem>>, vector<1x1x16xf32>,
          %get3A_259 = vector.shape_cast %get3A_258 : vector<1x1x16xf32> to vector<16xf32>
          %mul3A_260 = arith.mulf %add3A_134, %get3A_259 : vector<16xf32>
          %add3A_261 = arith.addf %get3A_253, %mul3A_260 : vector<16xf32>
          %swap3A_262 = arith.constant 1 : i32
          %swap3A_263 = arith.index_cast %swap3A_262 : i32 to index
          %swap3A_264 = arith.index_cast %add3A_248 : i32 to index
          %swap3A_265 = tpu.vector_load %arg7[%swap3A_263, %swap3A_264] {strides = array<i32>} : memref<8x512xf32, #tpu.memory_space<vmem>>, vector<1x16xf32>,
          %swap3A_266 = vector.shape_cast %swap3A_265 : vector<1x16xf32> to vector<16xf32>
          %swap3A_267 = vector.shape_cast %add3A_261 : vector<16xf32> to vector<1x16xf32>
          tpu.vector_store %arg7[%swap3A_263, %swap3A_264], %swap3A_267 {strides = array<i32>} : memref<8x512xf32, #tpu.memory_space<vmem>>, vector<1x16xf32>,
        }
        %scan3A_146 = arith.constant 8 : i32
        %scan3A_147 = arith.constant 0 : i32
        %scan3A_148 = arith.constant 0 : i32
        %scan3A_149 = arith.constant 8 : i32
        %scan3A_150 = arith.addi %scan3A_148, %scan3A_149 : i32
        %scan3A_151 = arith.constant 1 : i32
        scf.for %scan3A_183 = %scan3A_148 to %scan3A_150 step %scan3A_151  : i32 {
          %mul3A_184 = arith.constant 64 : i32
          %mul3A_185 = arith.muli %scan3A_183, %mul3A_184 : i32
          %add3A_186 = arith.constant 0 : i32
          %add3A_187 = arith.addi %mul3A_185, %add3A_186 : i32
          %get3A = arith.constant 2 : i32
          %get3A_188 = arith.index_cast %get3A : i32 to index
          %get3A_189 = arith.index_cast %add3A_187 : i32 to index
          %get3A_190 = tpu.vector_load %arg7[%get3A_188, %get3A_189] {strides = array<i32>} : memref<8x512xf32, #tpu.memory_space<vmem>>, vector<1x16xf32>,
          %get3A_191 = vector.shape_cast %get3A_190 : vector<1x16xf32> to vector<16xf32>
          %get3A_192 = arith.constant 2 : i32
          %get3A_193 = arith.index_cast %scan3A_98 : i32 to index
          %get3A_194 = arith.index_cast %get3A_192 : i32 to index
          %get3A_195 = arith.index_cast %add3A_187 : i32 to index
          %get3A_196 = tpu.vector_load %arg6[%get3A_193, %get3A_194, %get3A_195] {strides = array<i32>} : memref<8x8x512xf32, #tpu.memory_space<vmem>>, vector<1x1x16xf32>,
          %get3A_197 = vector.shape_cast %get3A_196 : vector<1x1x16xf32> to vector<16xf32>
          %mul3A_198 = arith.mulf %add3A_134, %get3A_197 : vector<16xf32>
          %add3A_199 = arith.addf %get3A_191, %mul3A_198 : vector<16xf32>
          %swap3A = arith.constant 2 : i32
          %swap3A_200 = arith.index_cast %swap3A : i32 to index
          %swap3A_201 = arith.index_cast %add3A_187 : i32 to index
          %swap3A_202 = tpu.vector_load %arg7[%swap3A_200, %swap3A_201] {strides = array<i32>} : memref<8x512xf32, #tpu.memory_space<vmem>>, vector<1x16xf32>,
          %swap3A_203 = vector.shape_cast %swap3A_202 : vector<1x16xf32> to vector<16xf32>
          %swap3A_204 = vector.shape_cast %add3A_199 : vector<16xf32> to vector<1x16xf32>
          tpu.vector_store %arg7[%swap3A_200, %swap3A_201], %swap3A_204 {strides = array<i32>} : memref<8x512xf32, #tpu.memory_space<vmem>>, vector<1x16xf32>,
          %add3A_205 = arith.constant 16 : i32
          %add3A_206 = arith.addi %mul3A_185, %add3A_205 : i32
          %get3A_207 = arith.constant 2 : i32
          %get3A_208 = arith.index_cast %get3A_207 : i32 to index
          %get3A_209 = arith.index_cast %add3A_206 : i32 to index
          %get3A_210 = tpu.vector_load %arg7[%get3A_208, %get3A_209] {strides = array<i32>} : memref<8x512xf32, #tpu.memory_space<vmem>>, vector<1x16xf32>,
          %get3A_211 = vector.shape_cast %get3A_210 : vector<1x16xf32> to vector<16xf32>
          %get3A_212 = arith.constant 2 : i32
          %get3A_213 = arith.index_cast %scan3A_98 : i32 to index
          %get3A_214 = arith.index_cast %get3A_212 : i32 to index
          %get3A_215 = arith.index_cast %add3A_206 : i32 to index
          %get3A_216 = tpu.vector_load %arg6[%get3A_213, %get3A_214, %get3A_215] {strides = array<i32>} : memref<8x8x512xf32, #tpu.memory_space<vmem>>, vector<1x1x16xf32>,
          %get3A_217 = vector.shape_cast %get3A_216 : vector<1x1x16xf32> to vector<16xf32>
          %mul3A_218 = arith.mulf %add3A_134, %get3A_217 : vector<16xf32>
          %add3A_219 = arith.addf %get3A_211, %mul3A_218 : vector<16xf32>
          %swap3A_220 = arith.constant 2 : i32
          %swap3A_221 = arith.index_cast %swap3A_220 : i32 to index
          %swap3A_222 = arith.index_cast %add3A_206 : i32 to index
          %swap3A_223 = tpu.vector_load %arg7[%swap3A_221, %swap3A_222] {strides = array<i32>} : memref<8x512xf32, #tpu.memory_space<vmem>>, vector<1x16xf32>,
          %swap3A_224 = vector.shape_cast %swap3A_223 : vector<1x16xf32> to vector<16xf32>
          %swap3A_225 = vector.shape_cast %add3A_219 : vector<16xf32> to vector<1x16xf32>
          tpu.vector_store %arg7[%swap3A_221, %swap3A_222], %swap3A_225 {strides = array<i32>} : memref<8x512xf32, #tpu.memory_space<vmem>>, vector<1x16xf32>,
          %add3A_226 = arith.constant 32 : i32
          %add3A_227 = arith.addi %mul3A_185, %add3A_226 : i32
          %get3A_228 = arith.constant 2 : i32
          %get3A_229 = arith.index_cast %get3A_228 : i32 to index
          %get3A_230 = arith.index_cast %add3A_227 : i32 to index
          %get3A_231 = tpu.vector_load %arg7[%get3A_229, %get3A_230] {strides = array<i32>} : memref<8x512xf32, #tpu.memory_space<vmem>>, vector<1x16xf32>,
          %get3A_232 = vector.shape_cast %get3A_231 : vector<1x16xf32> to vector<16xf32>
          %get3A_233 = arith.constant 2 : i32
          %get3A_234 = arith.index_cast %scan3A_98 : i32 to index
          %get3A_235 = arith.index_cast %get3A_233 : i32 to index
          %get3A_236 = arith.index_cast %add3A_227 : i32 to index
          %get3A_237 = tpu.vector_load %arg6[%get3A_234, %get3A_235, %get3A_236] {strides = array<i32>} : memref<8x8x512xf32, #tpu.memory_space<vmem>>, vector<1x1x16xf32>,
          %get3A_238 = vector.shape_cast %get3A_237 : vector<1x1x16xf32> to vector<16xf32>
          %mul3A_239 = arith.mulf %add3A_134, %get3A_238 : vector<16xf32>
          %add3A_240 = arith.addf %get3A_232, %mul3A_239 : vector<16xf32>
          %swap3A_241 = arith.constant 2 : i32
          %swap3A_242 = arith.index_cast %swap3A_241 : i32 to index
          %swap3A_243 = arith.index_cast %add3A_227 : i32 to index
          %swap3A_244 = tpu.vector_load %arg7[%swap3A_242, %swap3A_243] {strides = array<i32>} : memref<8x512xf32, #tpu.memory_space<vmem>>, vector<1x16xf32>,
          %swap3A_245 = vector.shape_cast %swap3A_244 : vector<1x16xf32> to vector<16xf32>
          %swap3A_246 = vector.shape_cast %add3A_240 : vector<16xf32> to vector<1x16xf32>
          tpu.vector_store %arg7[%swap3A_242, %swap3A_243], %swap3A_246 {strides = array<i32>} : memref<8x512xf32, #tpu.memory_space<vmem>>, vector<1x16xf32>,
          %add3A_247 = arith.constant 48 : i32
          %add3A_248 = arith.addi %mul3A_185, %add3A_247 : i32
          %get3A_249 = arith.constant 2 : i32
          %get3A_250 = arith.index_cast %get3A_249 : i32 to index
          %get3A_251 = arith.index_cast %add3A_248 : i32 to index
          %get3A_252 = tpu.vector_load %arg7[%get3A_250, %get3A_251] {strides = array<i32>} : memref<8x512xf32, #tpu.memory_space<vmem>>, vector<1x16xf32>,
          %get3A_253 = vector.shape_cast %get3A_252 : vector<1x16xf32> to vector<16xf32>
          %get3A_254 = arith.constant 2 : i32
          %get3A_255 = arith.index_cast %scan3A_98 : i32 to index
          %get3A_256 = arith.index_cast %get3A_254 : i32 to index
          %get3A_257 = arith.index_cast %add3A_248 : i32 to index
          %get3A_258 = tpu.vector_load %arg6[%get3A_255, %get3A_256, %get3A_257] {strides = array<i32>} : memref<8x8x512xf32, #tpu.memory_space<vmem>>, vector<1x1x16xf32>,
          %get3A_259 = vector.shape_cast %get3A_258 : vector<1x1x16xf32> to vector<16xf32>
          %mul3A_260 = arith.mulf %add3A_134, %get3A_259 : vector<16xf32>
          %add3A_261 = arith.addf %get3A_253, %mul3A_260 : vector<16xf32>
          %swap3A_262 = arith.constant 2 : i32
          %swap3A_263 = arith.index_cast %swap3A_262 : i32 to index
          %swap3A_264 = arith.index_cast %add3A_248 : i32 to index
          %swap3A_265 = tpu.vector_load %arg7[%swap3A_263, %swap3A_264] {strides = array<i32>} : memref<8x512xf32, #tpu.memory_space<vmem>>, vector<1x16xf32>,
          %swap3A_266 = vector.shape_cast %swap3A_265 : vector<1x16xf32> to vector<16xf32>
          %swap3A_267 = vector.shape_cast %add3A_261 : vector<16xf32> to vector<1x16xf32>
          tpu.vector_store %arg7[%swap3A_263, %swap3A_264], %swap3A_267 {strides = array<i32>} : memref<8x512xf32, #tpu.memory_space<vmem>>, vector<1x16xf32>,
        }
        %scan3A_152 = arith.constant 8 : i32
        %scan3A_153 = arith.constant 0 : i32
        %scan3A_154 = arith.constant 0 : i32
        %scan3A_155 = arith.constant 8 : i32
        %scan3A_156 = arith.addi %scan3A_154, %scan3A_155 : i32
        %scan3A_157 = arith.constant 1 : i32
        scf.for %scan3A_183 = %scan3A_154 to %scan3A_156 step %scan3A_157  : i32 {
          %mul3A_184 = arith.constant 64 : i32
          %mul3A_185 = arith.muli %scan3A_183, %mul3A_184 : i32
          %add3A_186 = arith.constant 0 : i32
          %add3A_187 = arith.addi %mul3A_185, %add3A_186 : i32
          %get3A = arith.constant 3 : i32
          %get3A_188 = arith.index_cast %get3A : i32 to index
          %get3A_189 = arith.index_cast %add3A_187 : i32 to index
          %get3A_190 = tpu.vector_load %arg7[%get3A_188, %get3A_189] {strides = array<i32>} : memref<8x512xf32, #tpu.memory_space<vmem>>, vector<1x16xf32>,
          %get3A_191 = vector.shape_cast %get3A_190 : vector<1x16xf32> to vector<16xf32>
          %get3A_192 = arith.constant 3 : i32
          %get3A_193 = arith.index_cast %scan3A_98 : i32 to index
          %get3A_194 = arith.index_cast %get3A_192 : i32 to index
          %get3A_195 = arith.index_cast %add3A_187 : i32 to index
          %get3A_196 = tpu.vector_load %arg6[%get3A_193, %get3A_194, %get3A_195] {strides = array<i32>} : memref<8x8x512xf32, #tpu.memory_space<vmem>>, vector<1x1x16xf32>,
          %get3A_197 = vector.shape_cast %get3A_196 : vector<1x1x16xf32> to vector<16xf32>
          %mul3A_198 = arith.mulf %add3A_134, %get3A_197 : vector<16xf32>
          %add3A_199 = arith.addf %get3A_191, %mul3A_198 : vector<16xf32>
          %swap3A = arith.constant 3 : i32
          %swap3A_200 = arith.index_cast %swap3A : i32 to index
          %swap3A_201 = arith.index_cast %add3A_187 : i32 to index
          %swap3A_202 = tpu.vector_load %arg7[%swap3A_200, %swap3A_201] {strides = array<i32>} : memref<8x512xf32, #tpu.memory_space<vmem>>, vector<1x16xf32>,
          %swap3A_203 = vector.shape_cast %swap3A_202 : vector<1x16xf32> to vector<16xf32>
          %swap3A_204 = vector.shape_cast %add3A_199 : vector<16xf32> to vector<1x16xf32>
          tpu.vector_store %arg7[%swap3A_200, %swap3A_201], %swap3A_204 {strides = array<i32>} : memref<8x512xf32, #tpu.memory_space<vmem>>, vector<1x16xf32>,
          %add3A_205 = arith.constant 16 : i32
          %add3A_206 = arith.addi %mul3A_185, %add3A_205 : i32
          %get3A_207 = arith.constant 3 : i32
          %get3A_208 = arith.index_cast %get3A_207 : i32 to index
          %get3A_209 = arith.index_cast %add3A_206 : i32 to index
          %get3A_210 = tpu.vector_load %arg7[%get3A_208, %get3A_209] {strides = array<i32>} : memref<8x512xf32, #tpu.memory_space<vmem>>, vector<1x16xf32>,
          %get3A_211 = vector.shape_cast %get3A_210 : vector<1x16xf32> to vector<16xf32>
          %get3A_212 = arith.constant 3 : i32
          %get3A_213 = arith.index_cast %scan3A_98 : i32 to index
          %get3A_214 = arith.index_cast %get3A_212 : i32 to index
          %get3A_215 = arith.index_cast %add3A_206 : i32 to index
          %get3A_216 = tpu.vector_load %arg6[%get3A_213, %get3A_214, %get3A_215] {strides = array<i32>} : memref<8x8x512xf32, #tpu.memory_space<vmem>>, vector<1x1x16xf32>,
          %get3A_217 = vector.shape_cast %get3A_216 : vector<1x1x16xf32> to vector<16xf32>
          %mul3A_218 = arith.mulf %add3A_134, %get3A_217 : vector<16xf32>
          %add3A_219 = arith.addf %get3A_211, %mul3A_218 : vector<16xf32>
          %swap3A_220 = arith.constant 3 : i32
          %swap3A_221 = arith.index_cast %swap3A_220 : i32 to index
          %swap3A_222 = arith.index_cast %add3A_206 : i32 to index
          %swap3A_223 = tpu.vector_load %arg7[%swap3A_221, %swap3A_222] {strides = array<i32>} : memref<8x512xf32, #tpu.memory_space<vmem>>, vector<1x16xf32>,
          %swap3A_224 = vector.shape_cast %swap3A_223 : vector<1x16xf32> to vector<16xf32>
          %swap3A_225 = vector.shape_cast %add3A_219 : vector<16xf32> to vector<1x16xf32>
          tpu.vector_store %arg7[%swap3A_221, %swap3A_222], %swap3A_225 {strides = array<i32>} : memref<8x512xf32, #tpu.memory_space<vmem>>, vector<1x16xf32>,
          %add3A_226 = arith.constant 32 : i32
          %add3A_227 = arith.addi %mul3A_185, %add3A_226 : i32
          %get3A_228 = arith.constant 3 : i32
          %get3A_229 = arith.index_cast %get3A_228 : i32 to index
          %get3A_230 = arith.index_cast %add3A_227 : i32 to index
          %get3A_231 = tpu.vector_load %arg7[%get3A_229, %get3A_230] {strides = array<i32>} : memref<8x512xf32, #tpu.memory_space<vmem>>, vector<1x16xf32>,
          %get3A_232 = vector.shape_cast %get3A_231 : vector<1x16xf32> to vector<16xf32>
          %get3A_233 = arith.constant 3 : i32
          %get3A_234 = arith.index_cast %scan3A_98 : i32 to index
          %get3A_235 = arith.index_cast %get3A_233 : i32 to index
          %get3A_236 = arith.index_cast %add3A_227 : i32 to index
          %get3A_237 = tpu.vector_load %arg6[%get3A_234, %get3A_235, %get3A_236] {strides = array<i32>} : memref<8x8x512xf32, #tpu.memory_space<vmem>>, vector<1x1x16xf32>,
          %get3A_238 = vector.shape_cast %get3A_237 : vector<1x1x16xf32> to vector<16xf32>
          %mul3A_239 = arith.mulf %add3A_134, %get3A_238 : vector<16xf32>
          %add3A_240 = arith.addf %get3A_232, %mul3A_239 : vector<16xf32>
          %swap3A_241 = arith.constant 3 : i32
          %swap3A_242 = arith.index_cast %swap3A_241 : i32 to index
          %swap3A_243 = arith.index_cast %add3A_227 : i32 to index
          %swap3A_244 = tpu.vector_load %arg7[%swap3A_242, %swap3A_243] {strides = array<i32>} : memref<8x512xf32, #tpu.memory_space<vmem>>, vector<1x16xf32>,
          %swap3A_245 = vector.shape_cast %swap3A_244 : vector<1x16xf32> to vector<16xf32>
          %swap3A_246 = vector.shape_cast %add3A_240 : vector<16xf32> to vector<1x16xf32>
          tpu.vector_store %arg7[%swap3A_242, %swap3A_243], %swap3A_246 {strides = array<i32>} : memref<8x512xf32, #tpu.memory_space<vmem>>, vector<1x16xf32>,
          %add3A_247 = arith.constant 48 : i32
          %add3A_248 = arith.addi %mul3A_185, %add3A_247 : i32
          %get3A_249 = arith.constant 3 : i32
          %get3A_250 = arith.index_cast %get3A_249 : i32 to index
          %get3A_251 = arith.index_cast %add3A_248 : i32 to index
          %get3A_252 = tpu.vector_load %arg7[%get3A_250, %get3A_251] {strides = array<i32>} : memref<8x512xf32, #tpu.memory_space<vmem>>, vector<1x16xf32>,
          %get3A_253 = vector.shape_cast %get3A_252 : vector<1x16xf32> to vector<16xf32>
          %get3A_254 = arith.constant 3 : i32
          %get3A_255 = arith.index_cast %scan3A_98 : i32 to index
          %get3A_256 = arith.index_cast %get3A_254 : i32 to index
          %get3A_257 = arith.index_cast %add3A_248 : i32 to index
          %get3A_258 = tpu.vector_load %arg6[%get3A_255, %get3A_256, %get3A_257] {strides = array<i32>} : memref<8x8x512xf32, #tpu.memory_space<vmem>>, vector<1x1x16xf32>,
          %get3A_259 = vector.shape_cast %get3A_258 : vector<1x1x16xf32> to vector<16xf32>
          %mul3A_260 = arith.mulf %add3A_134, %get3A_259 : vector<16xf32>
          %add3A_261 = arith.addf %get3A_253, %mul3A_260 : vector<16xf32>
          %swap3A_262 = arith.constant 3 : i32
          %swap3A_263 = arith.index_cast %swap3A_262 : i32 to index
          %swap3A_264 = arith.index_cast %add3A_248 : i32 to index
          %swap3A_265 = tpu.vector_load %arg7[%swap3A_263, %swap3A_264] {strides = array<i32>} : memref<8x512xf32, #tpu.memory_space<vmem>>, vector<1x16xf32>,
          %swap3A_266 = vector.shape_cast %swap3A_265 : vector<1x16xf32> to vector<16xf32>
          %swap3A_267 = vector.shape_cast %add3A_261 : vector<16xf32> to vector<1x16xf32>
          tpu.vector_store %arg7[%swap3A_263, %swap3A_264], %swap3A_267 {strides = array<i32>} : memref<8x512xf32, #tpu.memory_space<vmem>>, vector<1x16xf32>,
        }
        %scan3A_158 = arith.constant 8 : i32
        %scan3A_159 = arith.constant 0 : i32
        %scan3A_160 = arith.constant 0 : i32
        %scan3A_161 = arith.constant 8 : i32
        %scan3A_162 = arith.addi %scan3A_160, %scan3A_161 : i32
        %scan3A_163 = arith.constant 1 : i32
        scf.for %scan3A_183 = %scan3A_160 to %scan3A_162 step %scan3A_163  : i32 {
          %mul3A_184 = arith.constant 64 : i32
          %mul3A_185 = arith.muli %scan3A_183, %mul3A_184 : i32
          %add3A_186 = arith.constant 0 : i32
          %add3A_187 = arith.addi %mul3A_185, %add3A_186 : i32
          %get3A = arith.constant 4 : i32
          %get3A_188 = arith.index_cast %get3A : i32 to index
          %get3A_189 = arith.index_cast %add3A_187 : i32 to index
          %get3A_190 = tpu.vector_load %arg7[%get3A_188, %get3A_189] {strides = array<i32>} : memref<8x512xf32, #tpu.memory_space<vmem>>, vector<1x16xf32>,
          %get3A_191 = vector.shape_cast %get3A_190 : vector<1x16xf32> to vector<16xf32>
          %get3A_192 = arith.constant 4 : i32
          %get3A_193 = arith.index_cast %scan3A_98 : i32 to index
          %get3A_194 = arith.index_cast %get3A_192 : i32 to index
          %get3A_195 = arith.index_cast %add3A_187 : i32 to index
          %get3A_196 = tpu.vector_load %arg6[%get3A_193, %get3A_194, %get3A_195] {strides = array<i32>} : memref<8x8x512xf32, #tpu.memory_space<vmem>>, vector<1x1x16xf32>,
          %get3A_197 = vector.shape_cast %get3A_196 : vector<1x1x16xf32> to vector<16xf32>
          %mul3A_198 = arith.mulf %add3A_134, %get3A_197 : vector<16xf32>
          %add3A_199 = arith.addf %get3A_191, %mul3A_198 : vector<16xf32>
          %swap3A = arith.constant 4 : i32
          %swap3A_200 = arith.index_cast %swap3A : i32 to index
          %swap3A_201 = arith.index_cast %add3A_187 : i32 to index
          %swap3A_202 = tpu.vector_load %arg7[%swap3A_200, %swap3A_201] {strides = array<i32>} : memref<8x512xf32, #tpu.memory_space<vmem>>, vector<1x16xf32>,
          %swap3A_203 = vector.shape_cast %swap3A_202 : vector<1x16xf32> to vector<16xf32>
          %swap3A_204 = vector.shape_cast %add3A_199 : vector<16xf32> to vector<1x16xf32>
          tpu.vector_store %arg7[%swap3A_200, %swap3A_201], %swap3A_204 {strides = array<i32>} : memref<8x512xf32, #tpu.memory_space<vmem>>, vector<1x16xf32>,
          %add3A_205 = arith.constant 16 : i32
          %add3A_206 = arith.addi %mul3A_185, %add3A_205 : i32
          %get3A_207 = arith.constant 4 : i32
          %get3A_208 = arith.index_cast %get3A_207 : i32 to index
          %get3A_209 = arith.index_cast %add3A_206 : i32 to index
          %get3A_210 = tpu.vector_load %arg7[%get3A_208, %get3A_209] {strides = array<i32>} : memref<8x512xf32, #tpu.memory_space<vmem>>, vector<1x16xf32>,
          %get3A_211 = vector.shape_cast %get3A_210 : vector<1x16xf32> to vector<16xf32>
          %get3A_212 = arith.constant 4 : i32
          %get3A_213 = arith.index_cast %scan3A_98 : i32 to index
          %get3A_214 = arith.index_cast %get3A_212 : i32 to index
          %get3A_215 = arith.index_cast %add3A_206 : i32 to index
          %get3A_216 = tpu.vector_load %arg6[%get3A_213, %get3A_214, %get3A_215] {strides = array<i32>} : memref<8x8x512xf32, #tpu.memory_space<vmem>>, vector<1x1x16xf32>,
          %get3A_217 = vector.shape_cast %get3A_216 : vector<1x1x16xf32> to vector<16xf32>
          %mul3A_218 = arith.mulf %add3A_134, %get3A_217 : vector<16xf32>
          %add3A_219 = arith.addf %get3A_211, %mul3A_218 : vector<16xf32>
          %swap3A_220 = arith.constant 4 : i32
          %swap3A_221 = arith.index_cast %swap3A_220 : i32 to index
          %swap3A_222 = arith.index_cast %add3A_206 : i32 to index
          %swap3A_223 = tpu.vector_load %arg7[%swap3A_221, %swap3A_222] {strides = array<i32>} : memref<8x512xf32, #tpu.memory_space<vmem>>, vector<1x16xf32>,
          %swap3A_224 = vector.shape_cast %swap3A_223 : vector<1x16xf32> to vector<16xf32>
          %swap3A_225 = vector.shape_cast %add3A_219 : vector<16xf32> to vector<1x16xf32>
          tpu.vector_store %arg7[%swap3A_221, %swap3A_222], %swap3A_225 {strides = array<i32>} : memref<8x512xf32, #tpu.memory_space<vmem>>, vector<1x16xf32>,
          %add3A_226 = arith.constant 32 : i32
          %add3A_227 = arith.addi %mul3A_185, %add3A_226 : i32
          %get3A_228 = arith.constant 4 : i32
          %get3A_229 = arith.index_cast %get3A_228 : i32 to index
          %get3A_230 = arith.index_cast %add3A_227 : i32 to index
          %get3A_231 = tpu.vector_load %arg7[%get3A_229, %get3A_230] {strides = array<i32>} : memref<8x512xf32, #tpu.memory_space<vmem>>, vector<1x16xf32>,
          %get3A_232 = vector.shape_cast %get3A_231 : vector<1x16xf32> to vector<16xf32>
          %get3A_233 = arith.constant 4 : i32
          %get3A_234 = arith.index_cast %scan3A_98 : i32 to index
          %get3A_235 = arith.index_cast %get3A_233 : i32 to index
          %get3A_236 = arith.index_cast %add3A_227 : i32 to index
          %get3A_237 = tpu.vector_load %arg6[%get3A_234, %get3A_235, %get3A_236] {strides = array<i32>} : memref<8x8x512xf32, #tpu.memory_space<vmem>>, vector<1x1x16xf32>,
          %get3A_238 = vector.shape_cast %get3A_237 : vector<1x1x16xf32> to vector<16xf32>
          %mul3A_239 = arith.mulf %add3A_134, %get3A_238 : vector<16xf32>
          %add3A_240 = arith.addf %get3A_232, %mul3A_239 : vector<16xf32>
          %swap3A_241 = arith.constant 4 : i32
          %swap3A_242 = arith.index_cast %swap3A_241 : i32 to index
          %swap3A_243 = arith.index_cast %add3A_227 : i32 to index
          %swap3A_244 = tpu.vector_load %arg7[%swap3A_242, %swap3A_243] {strides = array<i32>} : memref<8x512xf32, #tpu.memory_space<vmem>>, vector<1x16xf32>,
          %swap3A_245 = vector.shape_cast %swap3A_244 : vector<1x16xf32> to vector<16xf32>
          %swap3A_246 = vector.shape_cast %add3A_240 : vector<16xf32> to vector<1x16xf32>
          tpu.vector_store %arg7[%swap3A_242, %swap3A_243], %swap3A_246 {strides = array<i32>} : memref<8x512xf32, #tpu.memory_space<vmem>>, vector<1x16xf32>,
          %add3A_247 = arith.constant 48 : i32
          %add3A_248 = arith.addi %mul3A_185, %add3A_247 : i32
          %get3A_249 = arith.constant 4 : i32
          %get3A_250 = arith.index_cast %get3A_249 : i32 to index
          %get3A_251 = arith.index_cast %add3A_248 : i32 to index
          %get3A_252 = tpu.vector_load %arg7[%get3A_250, %get3A_251] {strides = array<i32>} : memref<8x512xf32, #tpu.memory_space<vmem>>, vector<1x16xf32>,
          %get3A_253 = vector.shape_cast %get3A_252 : vector<1x16xf32> to vector<16xf32>
          %get3A_254 = arith.constant 4 : i32
          %get3A_255 = arith.index_cast %scan3A_98 : i32 to index
          %get3A_256 = arith.index_cast %get3A_254 : i32 to index
          %get3A_257 = arith.index_cast %add3A_248 : i32 to index
          %get3A_258 = tpu.vector_load %arg6[%get3A_255, %get3A_256, %get3A_257] {strides = array<i32>} : memref<8x8x512xf32, #tpu.memory_space<vmem>>, vector<1x1x16xf32>,
          %get3A_259 = vector.shape_cast %get3A_258 : vector<1x1x16xf32> to vector<16xf32>
          %mul3A_260 = arith.mulf %add3A_134, %get3A_259 : vector<16xf32>
          %add3A_261 = arith.addf %get3A_253, %mul3A_260 : vector<16xf32>
          %swap3A_262 = arith.constant 4 : i32
          %swap3A_263 = arith.index_cast %swap3A_262 : i32 to index
          %swap3A_264 = arith.index_cast %add3A_248 : i32 to index
          %swap3A_265 = tpu.vector_load %arg7[%swap3A_263, %swap3A_264] {strides = array<i32>} : memref<8x512xf32, #tpu.memory_space<vmem>>, vector<1x16xf32>,
          %swap3A_266 = vector.shape_cast %swap3A_265 : vector<1x16xf32> to vector<16xf32>
          %swap3A_267 = vector.shape_cast %add3A_261 : vector<16xf32> to vector<1x16xf32>
          tpu.vector_store %arg7[%swap3A_263, %swap3A_264], %swap3A_267 {strides = array<i32>} : memref<8x512xf32, #tpu.memory_space<vmem>>, vector<1x16xf32>,
        }
        %scan3A_164 = arith.constant 8 : i32
        %scan3A_165 = arith.constant 0 : i32
        %scan3A_166 = arith.constant 0 : i32
        %scan3A_167 = arith.constant 8 : i32
        %scan3A_168 = arith.addi %scan3A_166, %scan3A_167 : i32
        %scan3A_169 = arith.constant 1 : i32
        scf.for %scan3A_183 = %scan3A_166 to %scan3A_168 step %scan3A_169  : i32 {
          %mul3A_184 = arith.constant 64 : i32
          %mul3A_185 = arith.muli %scan3A_183, %mul3A_184 : i32
          %add3A_186 = arith.constant 0 : i32
          %add3A_187 = arith.addi %mul3A_185, %add3A_186 : i32
          %get3A = arith.constant 5 : i32
          %get3A_188 = arith.index_cast %get3A : i32 to index
          %get3A_189 = arith.index_cast %add3A_187 : i32 to index
          %get3A_190 = tpu.vector_load %arg7[%get3A_188, %get3A_189] {strides = array<i32>} : memref<8x512xf32, #tpu.memory_space<vmem>>, vector<1x16xf32>,
          %get3A_191 = vector.shape_cast %get3A_190 : vector<1x16xf32> to vector<16xf32>
          %get3A_192 = arith.constant 5 : i32
          %get3A_193 = arith.index_cast %scan3A_98 : i32 to index
          %get3A_194 = arith.index_cast %get3A_192 : i32 to index
          %get3A_195 = arith.index_cast %add3A_187 : i32 to index
          %get3A_196 = tpu.vector_load %arg6[%get3A_193, %get3A_194, %get3A_195] {strides = array<i32>} : memref<8x8x512xf32, #tpu.memory_space<vmem>>, vector<1x1x16xf32>,
          %get3A_197 = vector.shape_cast %get3A_196 : vector<1x1x16xf32> to vector<16xf32>
          %mul3A_198 = arith.mulf %add3A_134, %get3A_197 : vector<16xf32>
          %add3A_199 = arith.addf %get3A_191, %mul3A_198 : vector<16xf32>
          %swap3A = arith.constant 5 : i32
          %swap3A_200 = arith.index_cast %swap3A : i32 to index
          %swap3A_201 = arith.index_cast %add3A_187 : i32 to index
          %swap3A_202 = tpu.vector_load %arg7[%swap3A_200, %swap3A_201] {strides = array<i32>} : memref<8x512xf32, #tpu.memory_space<vmem>>, vector<1x16xf32>,
          %swap3A_203 = vector.shape_cast %swap3A_202 : vector<1x16xf32> to vector<16xf32>
          %swap3A_204 = vector.shape_cast %add3A_199 : vector<16xf32> to vector<1x16xf32>
          tpu.vector_store %arg7[%swap3A_200, %swap3A_201], %swap3A_204 {strides = array<i32>} : memref<8x512xf32, #tpu.memory_space<vmem>>, vector<1x16xf32>,
          %add3A_205 = arith.constant 16 : i32
          %add3A_206 = arith.addi %mul3A_185, %add3A_205 : i32
          %get3A_207 = arith.constant 5 : i32
          %get3A_208 = arith.index_cast %get3A_207 : i32 to index
          %get3A_209 = arith.index_cast %add3A_206 : i32 to index
          %get3A_210 = tpu.vector_load %arg7[%get3A_208, %get3A_209] {strides = array<i32>} : memref<8x512xf32, #tpu.memory_space<vmem>>, vector<1x16xf32>,
          %get3A_211 = vector.shape_cast %get3A_210 : vector<1x16xf32> to vector<16xf32>
          %get3A_212 = arith.constant 5 : i32
          %get3A_213 = arith.index_cast %scan3A_98 : i32 to index
          %get3A_214 = arith.index_cast %get3A_212 : i32 to index
          %get3A_215 = arith.index_cast %add3A_206 : i32 to index
          %get3A_216 = tpu.vector_load %arg6[%get3A_213, %get3A_214, %get3A_215] {strides = array<i32>} : memref<8x8x512xf32, #tpu.memory_space<vmem>>, vector<1x1x16xf32>,
          %get3A_217 = vector.shape_cast %get3A_216 : vector<1x1x16xf32> to vector<16xf32>
          %mul3A_218 = arith.mulf %add3A_134, %get3A_217 : vector<16xf32>
          %add3A_219 = arith.addf %get3A_211, %mul3A_218 : vector<16xf32>
          %swap3A_220 = arith.constant 5 : i32
          %swap3A_221 = arith.index_cast %swap3A_220 : i32 to index
          %swap3A_222 = arith.index_cast %add3A_206 : i32 to index
          %swap3A_223 = tpu.vector_load %arg7[%swap3A_221, %swap3A_222] {strides = array<i32>} : memref<8x512xf32, #tpu.memory_space<vmem>>, vector<1x16xf32>,
          %swap3A_224 = vector.shape_cast %swap3A_223 : vector<1x16xf32> to vector<16xf32>
          %swap3A_225 = vector.shape_cast %add3A_219 : vector<16xf32> to vector<1x16xf32>
          tpu.vector_store %arg7[%swap3A_221, %swap3A_222], %swap3A_225 {strides = array<i32>} : memref<8x512xf32, #tpu.memory_space<vmem>>, vector<1x16xf32>,
          %add3A_226 = arith.constant 32 : i32
          %add3A_227 = arith.addi %mul3A_185, %add3A_226 : i32
          %get3A_228 = arith.constant 5 : i32
          %get3A_229 = arith.index_cast %get3A_228 : i32 to index
          %get3A_230 = arith.index_cast %add3A_227 : i32 to index
          %get3A_231 = tpu.vector_load %arg7[%get3A_229, %get3A_230] {strides = array<i32>} : memref<8x512xf32, #tpu.memory_space<vmem>>, vector<1x16xf32>,
          %get3A_232 = vector.shape_cast %get3A_231 : vector<1x16xf32> to vector<16xf32>
          %get3A_233 = arith.constant 5 : i32
          %get3A_234 = arith.index_cast %scan3A_98 : i32 to index
          %get3A_235 = arith.index_cast %get3A_233 : i32 to index
          %get3A_236 = arith.index_cast %add3A_227 : i32 to index
          %get3A_237 = tpu.vector_load %arg6[%get3A_234, %get3A_235, %get3A_236] {strides = array<i32>} : memref<8x8x512xf32, #tpu.memory_space<vmem>>, vector<1x1x16xf32>,
          %get3A_238 = vector.shape_cast %get3A_237 : vector<1x1x16xf32> to vector<16xf32>
          %mul3A_239 = arith.mulf %add3A_134, %get3A_238 : vector<16xf32>
          %add3A_240 = arith.addf %get3A_232, %mul3A_239 : vector<16xf32>
          %swap3A_241 = arith.constant 5 : i32
          %swap3A_242 = arith.index_cast %swap3A_241 : i32 to index
          %swap3A_243 = arith.index_cast %add3A_227 : i32 to index
          %swap3A_244 = tpu.vector_load %arg7[%swap3A_242, %swap3A_243] {strides = array<i32>} : memref<8x512xf32, #tpu.memory_space<vmem>>, vector<1x16xf32>,
          %swap3A_245 = vector.shape_cast %swap3A_244 : vector<1x16xf32> to vector<16xf32>
          %swap3A_246 = vector.shape_cast %add3A_240 : vector<16xf32> to vector<1x16xf32>
          tpu.vector_store %arg7[%swap3A_242, %swap3A_243], %swap3A_246 {strides = array<i32>} : memref<8x512xf32, #tpu.memory_space<vmem>>, vector<1x16xf32>,
          %add3A_247 = arith.constant 48 : i32
          %add3A_248 = arith.addi %mul3A_185, %add3A_247 : i32
          %get3A_249 = arith.constant 5 : i32
          %get3A_250 = arith.index_cast %get3A_249 : i32 to index
          %get3A_251 = arith.index_cast %add3A_248 : i32 to index
          %get3A_252 = tpu.vector_load %arg7[%get3A_250, %get3A_251] {strides = array<i32>} : memref<8x512xf32, #tpu.memory_space<vmem>>, vector<1x16xf32>,
          %get3A_253 = vector.shape_cast %get3A_252 : vector<1x16xf32> to vector<16xf32>
          %get3A_254 = arith.constant 5 : i32
          %get3A_255 = arith.index_cast %scan3A_98 : i32 to index
          %get3A_256 = arith.index_cast %get3A_254 : i32 to index
          %get3A_257 = arith.index_cast %add3A_248 : i32 to index
          %get3A_258 = tpu.vector_load %arg6[%get3A_255, %get3A_256, %get3A_257] {strides = array<i32>} : memref<8x8x512xf32, #tpu.memory_space<vmem>>, vector<1x1x16xf32>,
          %get3A_259 = vector.shape_cast %get3A_258 : vector<1x1x16xf32> to vector<16xf32>
          %mul3A_260 = arith.mulf %add3A_134, %get3A_259 : vector<16xf32>
          %add3A_261 = arith.addf %get3A_253, %mul3A_260 : vector<16xf32>
          %swap3A_262 = arith.constant 5 : i32
          %swap3A_263 = arith.index_cast %swap3A_262 : i32 to index
          %swap3A_264 = arith.index_cast %add3A_248 : i32 to index
          %swap3A_265 = tpu.vector_load %arg7[%swap3A_263, %swap3A_264] {strides = array<i32>} : memref<8x512xf32, #tpu.memory_space<vmem>>, vector<1x16xf32>,
          %swap3A_266 = vector.shape_cast %swap3A_265 : vector<1x16xf32> to vector<16xf32>
          %swap3A_267 = vector.shape_cast %add3A_261 : vector<16xf32> to vector<1x16xf32>
          tpu.vector_store %arg7[%swap3A_263, %swap3A_264], %swap3A_267 {strides = array<i32>} : memref<8x512xf32, #tpu.memory_space<vmem>>, vector<1x16xf32>,
        }
        %scan3A_170 = arith.constant 8 : i32
        %scan3A_171 = arith.constant 0 : i32
        %scan3A_172 = arith.constant 0 : i32
        %scan3A_173 = arith.constant 8 : i32
        %scan3A_174 = arith.addi %scan3A_172, %scan3A_173 : i32
        %scan3A_175 = arith.constant 1 : i32
        scf.for %scan3A_183 = %scan3A_172 to %scan3A_174 step %scan3A_175  : i32 {
          %mul3A_184 = arith.constant 64 : i32
          %mul3A_185 = arith.muli %scan3A_183, %mul3A_184 : i32
          %add3A_186 = arith.constant 0 : i32
          %add3A_187 = arith.addi %mul3A_185, %add3A_186 : i32
          %get3A = arith.constant 6 : i32
          %get3A_188 = arith.index_cast %get3A : i32 to index
          %get3A_189 = arith.index_cast %add3A_187 : i32 to index
          %get3A_190 = tpu.vector_load %arg7[%get3A_188, %get3A_189] {strides = array<i32>} : memref<8x512xf32, #tpu.memory_space<vmem>>, vector<1x16xf32>,
          %get3A_191 = vector.shape_cast %get3A_190 : vector<1x16xf32> to vector<16xf32>
          %get3A_192 = arith.constant 6 : i32
          %get3A_193 = arith.index_cast %scan3A_98 : i32 to index
          %get3A_194 = arith.index_cast %get3A_192 : i32 to index
          %get3A_195 = arith.index_cast %add3A_187 : i32 to index
          %get3A_196 = tpu.vector_load %arg6[%get3A_193, %get3A_194, %get3A_195] {strides = array<i32>} : memref<8x8x512xf32, #tpu.memory_space<vmem>>, vector<1x1x16xf32>,
          %get3A_197 = vector.shape_cast %get3A_196 : vector<1x1x16xf32> to vector<16xf32>
          %mul3A_198 = arith.mulf %add3A_134, %get3A_197 : vector<16xf32>
          %add3A_199 = arith.addf %get3A_191, %mul3A_198 : vector<16xf32>
          %swap3A = arith.constant 6 : i32
          %swap3A_200 = arith.index_cast %swap3A : i32 to index
          %swap3A_201 = arith.index_cast %add3A_187 : i32 to index
          %swap3A_202 = tpu.vector_load %arg7[%swap3A_200, %swap3A_201] {strides = array<i32>} : memref<8x512xf32, #tpu.memory_space<vmem>>, vector<1x16xf32>,
          %swap3A_203 = vector.shape_cast %swap3A_202 : vector<1x16xf32> to vector<16xf32>
          %swap3A_204 = vector.shape_cast %add3A_199 : vector<16xf32> to vector<1x16xf32>
          tpu.vector_store %arg7[%swap3A_200, %swap3A_201], %swap3A_204 {strides = array<i32>} : memref<8x512xf32, #tpu.memory_space<vmem>>, vector<1x16xf32>,
          %add3A_205 = arith.constant 16 : i32
          %add3A_206 = arith.addi %mul3A_185, %add3A_205 : i32
          %get3A_207 = arith.constant 6 : i32
          %get3A_208 = arith.index_cast %get3A_207 : i32 to index
          %get3A_209 = arith.index_cast %add3A_206 : i32 to index
          %get3A_210 = tpu.vector_load %arg7[%get3A_208, %get3A_209] {strides = array<i32>} : memref<8x512xf32, #tpu.memory_space<vmem>>, vector<1x16xf32>,
          %get3A_211 = vector.shape_cast %get3A_210 : vector<1x16xf32> to vector<16xf32>
          %get3A_212 = arith.constant 6 : i32
          %get3A_213 = arith.index_cast %scan3A_98 : i32 to index
          %get3A_214 = arith.index_cast %get3A_212 : i32 to index
          %get3A_215 = arith.index_cast %add3A_206 : i32 to index
          %get3A_216 = tpu.vector_load %arg6[%get3A_213, %get3A_214, %get3A_215] {strides = array<i32>} : memref<8x8x512xf32, #tpu.memory_space<vmem>>, vector<1x1x16xf32>,
          %get3A_217 = vector.shape_cast %get3A_216 : vector<1x1x16xf32> to vector<16xf32>
          %mul3A_218 = arith.mulf %add3A_134, %get3A_217 : vector<16xf32>
          %add3A_219 = arith.addf %get3A_211, %mul3A_218 : vector<16xf32>
          %swap3A_220 = arith.constant 6 : i32
          %swap3A_221 = arith.index_cast %swap3A_220 : i32 to index
          %swap3A_222 = arith.index_cast %add3A_206 : i32 to index
          %swap3A_223 = tpu.vector_load %arg7[%swap3A_221, %swap3A_222] {strides = array<i32>} : memref<8x512xf32, #tpu.memory_space<vmem>>, vector<1x16xf32>,
          %swap3A_224 = vector.shape_cast %swap3A_223 : vector<1x16xf32> to vector<16xf32>
          %swap3A_225 = vector.shape_cast %add3A_219 : vector<16xf32> to vector<1x16xf32>
          tpu.vector_store %arg7[%swap3A_221, %swap3A_222], %swap3A_225 {strides = array<i32>} : memref<8x512xf32, #tpu.memory_space<vmem>>, vector<1x16xf32>,
          %add3A_226 = arith.constant 32 : i32
          %add3A_227 = arith.addi %mul3A_185, %add3A_226 : i32
          %get3A_228 = arith.constant 6 : i32
          %get3A_229 = arith.index_cast %get3A_228 : i32 to index
          %get3A_230 = arith.index_cast %add3A_227 : i32 to index
          %get3A_231 = tpu.vector_load %arg7[%get3A_229, %get3A_230] {strides = array<i32>} : memref<8x512xf32, #tpu.memory_space<vmem>>, vector<1x16xf32>,
          %get3A_232 = vector.shape_cast %get3A_231 : vector<1x16xf32> to vector<16xf32>
          %get3A_233 = arith.constant 6 : i32
          %get3A_234 = arith.index_cast %scan3A_98 : i32 to index
          %get3A_235 = arith.index_cast %get3A_233 : i32 to index
          %get3A_236 = arith.index_cast %add3A_227 : i32 to index
          %get3A_237 = tpu.vector_load %arg6[%get3A_234, %get3A_235, %get3A_236] {strides = array<i32>} : memref<8x8x512xf32, #tpu.memory_space<vmem>>, vector<1x1x16xf32>,
          %get3A_238 = vector.shape_cast %get3A_237 : vector<1x1x16xf32> to vector<16xf32>
          %mul3A_239 = arith.mulf %add3A_134, %get3A_238 : vector<16xf32>
          %add3A_240 = arith.addf %get3A_232, %mul3A_239 : vector<16xf32>
          %swap3A_241 = arith.constant 6 : i32
          %swap3A_242 = arith.index_cast %swap3A_241 : i32 to index
          %swap3A_243 = arith.index_cast %add3A_227 : i32 to index
          %swap3A_244 = tpu.vector_load %arg7[%swap3A_242, %swap3A_243] {strides = array<i32>} : memref<8x512xf32, #tpu.memory_space<vmem>>, vector<1x16xf32>,
          %swap3A_245 = vector.shape_cast %swap3A_244 : vector<1x16xf32> to vector<16xf32>
          %swap3A_246 = vector.shape_cast %add3A_240 : vector<16xf32> to vector<1x16xf32>
          tpu.vector_store %arg7[%swap3A_242, %swap3A_243], %swap3A_246 {strides = array<i32>} : memref<8x512xf32, #tpu.memory_space<vmem>>, vector<1x16xf32>,
          %add3A_247 = arith.constant 48 : i32
          %add3A_248 = arith.addi %mul3A_185, %add3A_247 : i32
          %get3A_249 = arith.constant 6 : i32
          %get3A_250 = arith.index_cast %get3A_249 : i32 to index
          %get3A_251 = arith.index_cast %add3A_248 : i32 to index
          %get3A_252 = tpu.vector_load %arg7[%get3A_250, %get3A_251] {strides = array<i32>} : memref<8x512xf32, #tpu.memory_space<vmem>>, vector<1x16xf32>,
          %get3A_253 = vector.shape_cast %get3A_252 : vector<1x16xf32> to vector<16xf32>
          %get3A_254 = arith.constant 6 : i32
          %get3A_255 = arith.index_cast %scan3A_98 : i32 to index
          %get3A_256 = arith.index_cast %get3A_254 : i32 to index
          %get3A_257 = arith.index_cast %add3A_248 : i32 to index
          %get3A_258 = tpu.vector_load %arg6[%get3A_255, %get3A_256, %get3A_257] {strides = array<i32>} : memref<8x8x512xf32, #tpu.memory_space<vmem>>, vector<1x1x16xf32>,
          %get3A_259 = vector.shape_cast %get3A_258 : vector<1x1x16xf32> to vector<16xf32>
          %mul3A_260 = arith.mulf %add3A_134, %get3A_259 : vector<16xf32>
          %add3A_261 = arith.addf %get3A_253, %mul3A_260 : vector<16xf32>
          %swap3A_262 = arith.constant 6 : i32
          %swap3A_263 = arith.index_cast %swap3A_262 : i32 to index
          %swap3A_264 = arith.index_cast %add3A_248 : i32 to index
          %swap3A_265 = tpu.vector_load %arg7[%swap3A_263, %swap3A_264] {strides = array<i32>} : memref<8x512xf32, #tpu.memory_space<vmem>>, vector<1x16xf32>,
          %swap3A_266 = vector.shape_cast %swap3A_265 : vector<1x16xf32> to vector<16xf32>
          %swap3A_267 = vector.shape_cast %add3A_261 : vector<16xf32> to vector<1x16xf32>
          tpu.vector_store %arg7[%swap3A_263, %swap3A_264], %swap3A_267 {strides = array<i32>} : memref<8x512xf32, #tpu.memory_space<vmem>>, vector<1x16xf32>,
        }
        %scan3A_176 = arith.constant 8 : i32
        %scan3A_177 = arith.constant 0 : i32
        %scan3A_178 = arith.constant 0 : i32
        %scan3A_179 = arith.constant 8 : i32
        %scan3A_180 = arith.addi %scan3A_178, %scan3A_179 : i32
        %scan3A_181 = arith.constant 1 : i32
        scf.for %scan3A_183 = %scan3A_178 to %scan3A_180 step %scan3A_181  : i32 {
          %mul3A_184 = arith.constant 64 : i32
          %mul3A_185 = arith.muli %scan3A_183, %mul3A_184 : i32
          %add3A_186 = arith.constant 0 : i32
          %add3A_187 = arith.addi %mul3A_185, %add3A_186 : i32
          %get3A = arith.constant 7 : i32
          %get3A_188 = arith.index_cast %get3A : i32 to index
          %get3A_189 = arith.index_cast %add3A_187 : i32 to index
          %get3A_190 = tpu.vector_load %arg7[%get3A_188, %get3A_189] {strides = array<i32>} : memref<8x512xf32, #tpu.memory_space<vmem>>, vector<1x16xf32>,
          %get3A_191 = vector.shape_cast %get3A_190 : vector<1x16xf32> to vector<16xf32>
          %get3A_192 = arith.constant 7 : i32
          %get3A_193 = arith.index_cast %scan3A_98 : i32 to index
          %get3A_194 = arith.index_cast %get3A_192 : i32 to index
          %get3A_195 = arith.index_cast %add3A_187 : i32 to index
          %get3A_196 = tpu.vector_load %arg6[%get3A_193, %get3A_194, %get3A_195] {strides = array<i32>} : memref<8x8x512xf32, #tpu.memory_space<vmem>>, vector<1x1x16xf32>,
          %get3A_197 = vector.shape_cast %get3A_196 : vector<1x1x16xf32> to vector<16xf32>
          %mul3A_198 = arith.mulf %add3A_134, %get3A_197 : vector<16xf32>
          %add3A_199 = arith.addf %get3A_191, %mul3A_198 : vector<16xf32>
          %swap3A = arith.constant 7 : i32
          %swap3A_200 = arith.index_cast %swap3A : i32 to index
          %swap3A_201 = arith.index_cast %add3A_187 : i32 to index
          %swap3A_202 = tpu.vector_load %arg7[%swap3A_200, %swap3A_201] {strides = array<i32>} : memref<8x512xf32, #tpu.memory_space<vmem>>, vector<1x16xf32>,
          %swap3A_203 = vector.shape_cast %swap3A_202 : vector<1x16xf32> to vector<16xf32>
          %swap3A_204 = vector.shape_cast %add3A_199 : vector<16xf32> to vector<1x16xf32>
          tpu.vector_store %arg7[%swap3A_200, %swap3A_201], %swap3A_204 {strides = array<i32>} : memref<8x512xf32, #tpu.memory_space<vmem>>, vector<1x16xf32>,
          %add3A_205 = arith.constant 16 : i32
          %add3A_206 = arith.addi %mul3A_185, %add3A_205 : i32
          %get3A_207 = arith.constant 7 : i32
          %get3A_208 = arith.index_cast %get3A_207 : i32 to index
          %get3A_209 = arith.index_cast %add3A_206 : i32 to index
          %get3A_210 = tpu.vector_load %arg7[%get3A_208, %get3A_209] {strides = array<i32>} : memref<8x512xf32, #tpu.memory_space<vmem>>, vector<1x16xf32>,
          %get3A_211 = vector.shape_cast %get3A_210 : vector<1x16xf32> to vector<16xf32>
          %get3A_212 = arith.constant 7 : i32
          %get3A_213 = arith.index_cast %scan3A_98 : i32 to index
          %get3A_214 = arith.index_cast %get3A_212 : i32 to index
          %get3A_215 = arith.index_cast %add3A_206 : i32 to index
          %get3A_216 = tpu.vector_load %arg6[%get3A_213, %get3A_214, %get3A_215] {strides = array<i32>} : memref<8x8x512xf32, #tpu.memory_space<vmem>>, vector<1x1x16xf32>,
          %get3A_217 = vector.shape_cast %get3A_216 : vector<1x1x16xf32> to vector<16xf32>
          %mul3A_218 = arith.mulf %add3A_134, %get3A_217 : vector<16xf32>
          %add3A_219 = arith.addf %get3A_211, %mul3A_218 : vector<16xf32>
          %swap3A_220 = arith.constant 7 : i32
          %swap3A_221 = arith.index_cast %swap3A_220 : i32 to index
          %swap3A_222 = arith.index_cast %add3A_206 : i32 to index
          %swap3A_223 = tpu.vector_load %arg7[%swap3A_221, %swap3A_222] {strides = array<i32>} : memref<8x512xf32, #tpu.memory_space<vmem>>, vector<1x16xf32>,
          %swap3A_224 = vector.shape_cast %swap3A_223 : vector<1x16xf32> to vector<16xf32>
          %swap3A_225 = vector.shape_cast %add3A_219 : vector<16xf32> to vector<1x16xf32>
          tpu.vector_store %arg7[%swap3A_221, %swap3A_222], %swap3A_225 {strides = array<i32>} : memref<8x512xf32, #tpu.memory_space<vmem>>, vector<1x16xf32>,
          %add3A_226 = arith.constant 32 : i32
          %add3A_227 = arith.addi %mul3A_185, %add3A_226 : i32
          %get3A_228 = arith.constant 7 : i32
          %get3A_229 = arith.index_cast %get3A_228 : i32 to index
          %get3A_230 = arith.index_cast %add3A_227 : i32 to index
          %get3A_231 = tpu.vector_load %arg7[%get3A_229, %get3A_230] {strides = array<i32>} : memref<8x512xf32, #tpu.memory_space<vmem>>, vector<1x16xf32>,
          %get3A_232 = vector.shape_cast %get3A_231 : vector<1x16xf32> to vector<16xf32>
          %get3A_233 = arith.constant 7 : i32
          %get3A_234 = arith.index_cast %scan3A_98 : i32 to index
          %get3A_235 = arith.index_cast %get3A_233 : i32 to index
          %get3A_236 = arith.index_cast %add3A_227 : i32 to index
          %get3A_237 = tpu.vector_load %arg6[%get3A_234, %get3A_235, %get3A_236] {strides = array<i32>} : memref<8x8x512xf32, #tpu.memory_space<vmem>>, vector<1x1x16xf32>,
          %get3A_238 = vector.shape_cast %get3A_237 : vector<1x1x16xf32> to vector<16xf32>
          %mul3A_239 = arith.mulf %add3A_134, %get3A_238 : vector<16xf32>
          %add3A_240 = arith.addf %get3A_232, %mul3A_239 : vector<16xf32>
          %swap3A_241 = arith.constant 7 : i32
          %swap3A_242 = arith.index_cast %swap3A_241 : i32 to index
          %swap3A_243 = arith.index_cast %add3A_227 : i32 to index
          %swap3A_244 = tpu.vector_load %arg7[%swap3A_242, %swap3A_243] {strides = array<i32>} : memref<8x512xf32, #tpu.memory_space<vmem>>, vector<1x16xf32>,
          %swap3A_245 = vector.shape_cast %swap3A_244 : vector<1x16xf32> to vector<16xf32>
          %swap3A_246 = vector.shape_cast %add3A_240 : vector<16xf32> to vector<1x16xf32>
          tpu.vector_store %arg7[%swap3A_242, %swap3A_243], %swap3A_246 {strides = array<i32>} : memref<8x512xf32, #tpu.memory_space<vmem>>, vector<1x16xf32>,
          %add3A_247 = arith.constant 48 : i32
          %add3A_248 = arith.addi %mul3A_185, %add3A_247 : i32
          %get3A_249 = arith.constant 7 : i32
          %get3A_250 = arith.index_cast %get3A_249 : i32 to index
          %get3A_251 = arith.index_cast %add3A_248 : i32 to index
          %get3A_252 = tpu.vector_load %arg7[%get3A_250, %get3A_251] {strides = array<i32>} : memref<8x512xf32, #tpu.memory_space<vmem>>, vector<1x16xf32>,
          %get3A_253 = vector.shape_cast %get3A_252 : vector<1x16xf32> to vector<16xf32>
          %get3A_254 = arith.constant 7 : i32
          %get3A_255 = arith.index_cast %scan3A_98 : i32 to index
          %get3A_256 = arith.index_cast %get3A_254 : i32 to index
          %get3A_257 = arith.index_cast %add3A_248 : i32 to index
          %get3A_258 = tpu.vector_load %arg6[%get3A_255, %get3A_256, %get3A_257] {strides = array<i32>} : memref<8x8x512xf32, #tpu.memory_space<vmem>>, vector<1x1x16xf32>,
          %get3A_259 = vector.shape_cast %get3A_258 : vector<1x1x16xf32> to vector<16xf32>
          %mul3A_260 = arith.mulf %add3A_134, %get3A_259 : vector<16xf32>
          %add3A_261 = arith.addf %get3A_253, %mul3A_260 : vector<16xf32>
          %swap3A_262 = arith.constant 7 : i32
          %swap3A_263 = arith.index_cast %swap3A_262 : i32 to index
          %swap3A_264 = arith.index_cast %add3A_248 : i32 to index
          %swap3A_265 = tpu.vector_load %arg7[%swap3A_263, %swap3A_264] {strides = array<i32>} : memref<8x512xf32, #tpu.memory_space<vmem>>, vector<1x16xf32>,
          %swap3A_266 = vector.shape_cast %swap3A_265 : vector<1x16xf32> to vector<16xf32>
          %swap3A_267 = vector.shape_cast %add3A_261 : vector<16xf32> to vector<1x16xf32>
          tpu.vector_store %arg7[%swap3A_263, %swap3A_264], %swap3A_267 {strides = array<i32>} : memref<8x512xf32, #tpu.memory_space<vmem>>, vector<1x16xf32>,
        }
        %scan3A_182 = arith.constant 8 : i32
      }
      %scan3A_97 = arith.constant 8 : i32
    }
    %scan3A_87 = arith.constant 4 : i32
    "tpu.region"() ({
      %run_scoped3A = tpu.sem_alloc : memref<!tpu.dma_semaphore, #tpu.memory_space<semaphore_mem>>
      %dma_start3A = arith.constant 0 : i32
      %dma_start3A_88 = arith.constant 0 : i32
      %dma_start3A_89 = tpu.memref_slice %arg4[%select_n3A, %select_n3A_30, %dma_start3A, %dma_start3A_88] : memref<4x8x8x512xf32, #tpu.memory_space<hbm>> -> memref<1x1x8x512xf32, #tpu.memory_space<hbm>>
      %dma_start3A_90 = tpu.memref_squeeze %dma_start3A_89 : memref<1x1x8x512xf32, #tpu.memory_space<hbm>> -> memref<8x512xf32, #tpu.memory_space<hbm>>
      %dma_start3A_91 = arith.constant 0 : i32
      %dma_start3A_92 = arith.constant 0 : i32
      %dma_start3A_93 = tpu.memref_slice %arg4[%select_n3A, %select_n3A_30, %dma_start3A_91, %dma_start3A_92] : memref<4x8x8x512xf32, #tpu.memory_space<hbm>> -> memref<1x1x8x512xf32, #tpu.memory_space<hbm>>
      %dma_start3A_94 = tpu.memref_squeeze %dma_start3A_93 : memref<1x1x8x512xf32, #tpu.memory_space<hbm>> -> memref<8x512xf32, #tpu.memory_space<hbm>>
      tpu.enqueue_dma source(%arg7 : memref<8x512xf32, #tpu.memory_space<vmem>>) target(%dma_start3A_94 : memref<8x512xf32, #tpu.memory_space<hbm>>) target_semaphore(%run_scoped3A : memref<!tpu.dma_semaphore, #tpu.memory_space<semaphore_mem>>)
      %dma_wait3A = arith.constant 0 : i32
      %dma_wait3A_95 = arith.constant 0 : i32
      %dma_wait3A_96 = tpu.memref_slice %arg4[%select_n3A, %select_n3A_30, %dma_wait3A, %dma_wait3A_95] : memref<4x8x8x512xf32, #tpu.memory_space<hbm>> -> memref<1x1x8x512xf32, #tpu.memory_space<hbm>>
      %dma_wait3A_97 = tpu.memref_squeeze %dma_wait3A_96 : memref<1x1x8x512xf32, #tpu.memory_space<hbm>> -> memref<8x512xf32, #tpu.memory_space<hbm>>
      %dma_wait3A_98 = arith.constant 0 : i32
      %dma_wait3A_99 = arith.constant 0 : i32
      %dma_wait3A_100 = tpu.memref_slice %arg4[%select_n3A, %select_n3A_30, %dma_wait3A_98, %dma_wait3A_99] : memref<4x8x8x512xf32, #tpu.memory_space<hbm>> -> memref<1x1x8x512xf32, #tpu.memory_space<hbm>>
      %dma_wait3A_101 = tpu.memref_squeeze %dma_wait3A_100 : memref<1x1x8x512xf32, #tpu.memory_space<hbm>> -> memref<8x512xf32, #tpu.memory_space<hbm>>
      tpu.wait_dma2 semaphore(%run_scoped3A : memref<!tpu.dma_semaphore, #tpu.memory_space<semaphore_mem>>) src(%arg7 : memref<8x512xf32, #tpu.memory_space<vmem>>) dst(%dma_wait3A_101 : memref<8x512xf32, #tpu.memory_space<hbm>>)
      tpu.yield
    }) : () -> ()
    return
  }
}

module attributes {stable_mosaic.version = 14 : i64} {
  func.func @_s1_body(%arg0: i32, %arg1: i32, %arg2: memref<1x256x2048xf32, #tpu.memory_space<vmem>>, %arg3: memref<1x256x8x512xf32, #tpu.memory_space<vmem>>, %arg4: memref<1x1x8x512xf32, #tpu.memory_space<vmem>>) attributes {dimension_semantics = [#tpu.dimension_semantics<arbitrary>, #tpu.dimension_semantics<arbitrary>], iteration_bounds = array<i64: 4, 7>, scalar_prefetch = 0 : i64, scratch_operands = 0 : i64, tpu.core_type = #tpu.core_type<tc>, window_params = [{transform_indices = @transform_0, window_bounds = array<i64: 1, 256, 2048>}, {transform_indices = @transform_1, window_bounds = array<i64: 1, 256, 8, 512>}, {transform_indices = @transform_2, window_bounds = array<i64: 1, 1, 8, 512>}]} {
    %get3A = arith.constant 0 : index
    %get3A_0 = arith.constant 0 : index
    %get3A_1 = arith.constant 0 : index
    %get3A_2 = vector.load %arg2[%get3A, %get3A_0, %get3A_1] : memref<1x256x2048xf32, #tpu.memory_space<vmem>>, vector<1x256x2048xf32>
    %get3A_3 = vector.shape_cast %get3A_2 : vector<1x256x2048xf32> to vector<256x2048xf32>
    %reduce_sum3A = arith.constant dense<0.000000e+00> : vector<256xf32>
    %reduce_sum3A_4 = vector.multi_reduction <add>, %get3A_3, %reduce_sum3A [1] : vector<256x2048xf32> to vector<256xf32>
    %get3A_5 = arith.constant 0 : index
    %get3A_6 = arith.constant 0 : index
    %get3A_7 = arith.constant 0 : index
    %get3A_8 = arith.constant 0 : index
    %get3A_9 = vector.load %arg3[%get3A_5, %get3A_6, %get3A_7, %get3A_8] : memref<1x256x8x512xf32, #tpu.memory_space<vmem>>, vector<1x256x8x512xf32>
    %get3A_10 = vector.shape_cast %get3A_9 : vector<1x256x8x512xf32> to vector<256x8x512xf32>
    %broadcast_in_dim3A = vector.shape_cast %reduce_sum3A_4 : vector<256xf32> to vector<256x1x1xf32>
    %mul3A = vector.broadcast %broadcast_in_dim3A : vector<256x1x1xf32> to vector<256x8x512xf32>
    %mul3A_11 = arith.mulf %get3A_10, %mul3A : vector<256x8x512xf32>
    %reduce_sum3A_12 = arith.constant dense<0.000000e+00> : vector<8x512xf32>
    %reduce_sum3A_13 = vector.multi_reduction <add>, %mul3A_11, %reduce_sum3A_12 [0] : vector<256x8x512xf32> to vector<8x512xf32>
    %eq3A = arith.constant 0 : i32
    %eq3A_14 = arith.cmpi eq, %arg1, %eq3A : i32
    %convert_element_type3A = arith.extui %eq3A_14 : i1 to i32
    %cond3A = arith.constant 0 : i32
    %cond3A_15 = arith.cmpi ne, %convert_element_type3A, %cond3A : i32
    scf.if %cond3A_15 {
      %swap3A = arith.constant 0 : index
      %swap3A_20 = arith.constant 0 : index
      %swap3A_21 = arith.constant 0 : index
      %swap3A_22 = arith.constant 0 : index
      %swap3A_23 = vector.load %arg4[%swap3A, %swap3A_20, %swap3A_21, %swap3A_22] : memref<1x1x8x512xf32, #tpu.memory_space<vmem>>, vector<1x1x8x512xf32>
      %swap3A_24 = vector.shape_cast %swap3A_23 : vector<1x1x8x512xf32> to vector<8x512xf32>
      %swap3A_25 = vector.shape_cast %reduce_sum3A_13 : vector<8x512xf32> to vector<1x1x8x512xf32>
      tpu.vector_store %arg4[%swap3A, %swap3A_20, %swap3A_21, %swap3A_22], %swap3A_25 {strides = array<i32>} : memref<1x1x8x512xf32, #tpu.memory_space<vmem>>, vector<1x1x8x512xf32>,
    } else {
    }
    %ne3A = arith.constant 0 : i32
    %ne3A_16 = arith.cmpi ne, %arg1, %ne3A : i32
    %convert_element_type3A_17 = arith.extui %ne3A_16 : i1 to i32
    %cond3A_18 = arith.constant 0 : i32
    %cond3A_19 = arith.cmpi ne, %convert_element_type3A_17, %cond3A_18 : i32
    scf.if %cond3A_19 {
      %get3A_20 = arith.constant 0 : index
      %get3A_21 = arith.constant 0 : index
      %get3A_22 = arith.constant 0 : index
      %get3A_23 = arith.constant 0 : index
      %get3A_24 = vector.load %arg4[%get3A_20, %get3A_21, %get3A_22, %get3A_23] : memref<1x1x8x512xf32, #tpu.memory_space<vmem>>, vector<1x1x8x512xf32>
      %get3A_25 = vector.shape_cast %get3A_24 : vector<1x1x8x512xf32> to vector<8x512xf32>
      %add3A = arith.addf %get3A_25, %reduce_sum3A_13 : vector<8x512xf32>
      %swap3A = arith.constant 0 : index
      %swap3A_26 = arith.constant 0 : index
      %swap3A_27 = arith.constant 0 : index
      %swap3A_28 = arith.constant 0 : index
      %swap3A_29 = vector.load %arg4[%swap3A, %swap3A_26, %swap3A_27, %swap3A_28] : memref<1x1x8x512xf32, #tpu.memory_space<vmem>>, vector<1x1x8x512xf32>
      %swap3A_30 = vector.shape_cast %swap3A_29 : vector<1x1x8x512xf32> to vector<8x512xf32>
      %swap3A_31 = vector.shape_cast %add3A : vector<8x512xf32> to vector<1x1x8x512xf32>
      tpu.vector_store %arg4[%swap3A, %swap3A_26, %swap3A_27, %swap3A_28], %swap3A_31 {strides = array<i32>} : memref<1x1x8x512xf32, #tpu.memory_space<vmem>>, vector<1x1x8x512xf32>,
    } else {
    }
    return
  }
  func.func @transform_0(%arg0: i32, %arg1: i32) -> (i32, i32, i32) {
    %c0_i32 = arith.constant 0 : i32
    %c0_i32_0 = arith.constant 0 : i32
    return %arg0, %arg1, %c0_i32 : i32, i32, i32
  }
  func.func @transform_1(%arg0: i32, %arg1: i32) -> (i32, i32, i32, i32) {
    %c0_i32 = arith.constant 0 : i32
    %c0_i32_0 = arith.constant 0 : i32
    %c0_i32_1 = arith.constant 0 : i32
    return %arg0, %arg1, %c0_i32, %c0_i32_0 : i32, i32, i32, i32
  }
  func.func @transform_2(%arg0: i32, %arg1: i32) -> (i32, i32, i32, i32) {
    %c0_i32 = arith.constant 0 : i32
    %c0_i32_0 = arith.constant 0 : i32
    %c0_i32_1 = arith.constant 0 : i32
    %c0_i32_2 = arith.constant 0 : i32
    return %arg0, %c0_i32, %c0_i32_0, %c0_i32_1 : i32, i32, i32, i32
  }
}

module attributes {stable_mosaic.version = 14 : i64} {
  func.func @_out_body(%arg0: i32, %arg1: i32, %arg2: memref<1x512x8x512xf32, #tpu.memory_space<vmem>>, %arg3: memref<1x1x8x512xf32, #tpu.memory_space<vmem>>, %arg4: memref<1x1x512xf32, #tpu.memory_space<vmem>>) attributes {dimension_semantics = [#tpu.dimension_semantics<arbitrary>, #tpu.dimension_semantics<arbitrary>], iteration_bounds = array<i64: 4, 4>, scalar_prefetch = 0 : i64, scratch_operands = 0 : i64, tpu.core_type = #tpu.core_type<tc>, window_params = [{transform_indices = @transform_0, window_bounds = array<i64: 1, 512, 8, 512>}, {transform_indices = @transform_1, window_bounds = array<i64: 1, 1, 8, 512>}, {transform_indices = @transform_2, window_bounds = array<i64: 1, 1, 512>}]} {
    %get3A = arith.constant 0 : index
    %get3A_0 = arith.constant 0 : index
    %get3A_1 = arith.constant 0 : index
    %get3A_2 = arith.constant 0 : index
    %get3A_3 = vector.load %arg3[%get3A, %get3A_0, %get3A_1, %get3A_2] : memref<1x1x8x512xf32, #tpu.memory_space<vmem>>, vector<1x1x8x512xf32>
    %get3A_4 = vector.shape_cast %get3A_3 : vector<1x1x8x512xf32> to vector<8x512xf32>
    %convert_element_type3A = arith.truncf %get3A_4 : vector<8x512xf32> to vector<8x512xbf16>
    %convert_element_type3A_5 = arith.extf %convert_element_type3A : vector<8x512xbf16> to vector<8x512xf32>
    %broadcast_in_dim3A = vector.shape_cast %convert_element_type3A_5 : vector<8x512xf32> to vector<1x8x512xf32>
    %get3A_6 = arith.constant 0 : index
    %get3A_7 = arith.constant 0 : index
    %get3A_8 = arith.constant 0 : index
    %get3A_9 = arith.constant 0 : index
    %get3A_10 = vector.load %arg2[%get3A_6, %get3A_7, %get3A_8, %get3A_9] : memref<1x512x8x512xf32, #tpu.memory_space<vmem>>, vector<1x512x8x512xf32>
    %get3A_11 = vector.shape_cast %get3A_10 : vector<1x512x8x512xf32> to vector<512x8x512xf32>
    %convert_element_type3A_12 = arith.truncf %get3A_11 : vector<512x8x512xf32> to vector<512x8x512xbf16>
    %convert_element_type3A_13 = arith.extf %convert_element_type3A_12 : vector<512x8x512xbf16> to vector<512x8x512xf32>
    %mul3A = vector.broadcast %broadcast_in_dim3A : vector<1x8x512xf32> to vector<512x8x512xf32>
    %mul3A_14 = arith.mulf %convert_element_type3A_13, %mul3A : vector<512x8x512xf32>
    %reduce_sum3A = arith.constant dense<0.000000e+00> : vector<512xf32>
    %reduce_sum3A_15 = vector.multi_reduction <add>, %mul3A_14, %reduce_sum3A [1, 2] : vector<512x8x512xf32> to vector<512xf32>
    %swap3A = arith.constant 0 : index
    %swap3A_16 = arith.constant 0 : index
    %swap3A_17 = arith.constant 0 : index
    %swap3A_18 = vector.load %arg4[%swap3A, %swap3A_16, %swap3A_17] : memref<1x1x512xf32, #tpu.memory_space<vmem>>, vector<1x1x512xf32>
    %swap3A_19 = vector.shape_cast %swap3A_18 : vector<1x1x512xf32> to vector<512xf32>
    %swap3A_20 = vector.shape_cast %reduce_sum3A_15 : vector<512xf32> to vector<1x1x512xf32>
    tpu.vector_store %arg4[%swap3A, %swap3A_16, %swap3A_17], %swap3A_20 {strides = array<i32>} : memref<1x1x512xf32, #tpu.memory_space<vmem>>, vector<1x1x512xf32>,
    return
  }
  func.func @transform_0(%arg0: i32, %arg1: i32) -> (i32, i32, i32, i32) {
    %c0_i32 = arith.constant 0 : i32
    %c0_i32_0 = arith.constant 0 : i32
    %c0_i32_1 = arith.constant 0 : i32
    return %arg0, %arg1, %c0_i32, %c0_i32_0 : i32, i32, i32, i32
  }
  func.func @transform_1(%arg0: i32, %arg1: i32) -> (i32, i32, i32, i32) {
    %c0_i32 = arith.constant 0 : i32
    %c0_i32_0 = arith.constant 0 : i32
    %c0_i32_1 = arith.constant 0 : i32
    %c0_i32_2 = arith.constant 0 : i32
    return %arg0, %c0_i32, %c0_i32_0, %c0_i32_1 : i32, i32, i32, i32
  }
  func.func @transform_2(%arg0: i32, %arg1: i32) -> (i32, i32, i32) {
    %c0_i32 = arith.constant 0 : i32
    %c0_i32_0 = arith.constant 0 : i32
    return %arg0, %c0_i32, %arg1 : i32, i32, i32
  }
}

module attributes {stable_mosaic.version = 14 : i64} {
  func.func @_wred_body(%arg0: i32, %arg1: memref<256x2048xf32, #tpu.memory_space<vmem>>, %arg2: memref<256x2048xf32, #tpu.memory_space<vmem>>, %arg3: memref<1x1x256xf32, #tpu.memory_space<vmem>>, %arg4: memref<1x1x256xf32, #tpu.memory_space<vmem>>) attributes {dimension_semantics = [#tpu.dimension_semantics<arbitrary>], iteration_bounds = array<i64: 8>, scalar_prefetch = 0 : i64, scratch_operands = 0 : i64, tpu.core_type = #tpu.core_type<tc>, window_params = [{transform_indices = @transform_0, window_bounds = array<i64: 256, 2048>}, {transform_indices = @transform_1, window_bounds = array<i64: 256, 2048>}, {transform_indices = @transform_2, window_bounds = array<i64: 1, 1, 256>}, {transform_indices = @transform_3, window_bounds = array<i64: 1, 1, 256>}]} {
    %get3A = arith.constant 0 : index
    %get3A_0 = arith.constant 0 : index
    %get3A_1 = vector.load %arg1[%get3A, %get3A_0] : memref<256x2048xf32, #tpu.memory_space<vmem>>, vector<256x2048xf32>
    %reduce_sum3A = arith.constant dense<0.000000e+00> : vector<256xf32>
    %reduce_sum3A_2 = vector.multi_reduction <add>, %get3A_1, %reduce_sum3A [1] : vector<256x2048xf32> to vector<256xf32>
    %swap3A = arith.constant 0 : index
    %swap3A_3 = arith.constant 0 : index
    %swap3A_4 = arith.constant 0 : index
    %swap3A_5 = vector.load %arg3[%swap3A, %swap3A_3, %swap3A_4] : memref<1x1x256xf32, #tpu.memory_space<vmem>>, vector<1x1x256xf32>
    %swap3A_6 = vector.shape_cast %swap3A_5 : vector<1x1x256xf32> to vector<256xf32>
    %swap3A_7 = vector.shape_cast %reduce_sum3A_2 : vector<256xf32> to vector<1x1x256xf32>
    tpu.vector_store %arg3[%swap3A, %swap3A_3, %swap3A_4], %swap3A_7 {strides = array<i32>} : memref<1x1x256xf32, #tpu.memory_space<vmem>>, vector<1x1x256xf32>,
    %get3A_8 = arith.constant 0 : index
    %get3A_9 = arith.constant 0 : index
    %get3A_10 = vector.load %arg2[%get3A_8, %get3A_9] : memref<256x2048xf32, #tpu.memory_space<vmem>>, vector<256x2048xf32>
    %reduce_sum3A_11 = arith.constant dense<0.000000e+00> : vector<2048xf32>
    %reduce_sum3A_12 = vector.multi_reduction <add>, %get3A_10, %reduce_sum3A_11 [0] : vector<256x2048xf32> to vector<2048xf32>
    %slice3A = vector.extract_strided_slice %reduce_sum3A_12 {offsets = [0], sizes = [256], strides = [1]} : vector<2048xf32> to vector<256xf32>
    %slice3A_13 = vector.extract_strided_slice %reduce_sum3A_12 {offsets = [256], sizes = [256], strides = [1]} : vector<2048xf32> to vector<256xf32>
    %add3A = arith.addf %slice3A, %slice3A_13 : vector<256xf32>
    %slice3A_14 = vector.extract_strided_slice %reduce_sum3A_12 {offsets = [512], sizes = [256], strides = [1]} : vector<2048xf32> to vector<256xf32>
    %add3A_15 = arith.addf %add3A, %slice3A_14 : vector<256xf32>
    %slice3A_16 = vector.extract_strided_slice %reduce_sum3A_12 {offsets = [768], sizes = [256], strides = [1]} : vector<2048xf32> to vector<256xf32>
    %add3A_17 = arith.addf %add3A_15, %slice3A_16 : vector<256xf32>
    %slice3A_18 = vector.extract_strided_slice %reduce_sum3A_12 {offsets = [1024], sizes = [256], strides = [1]} : vector<2048xf32> to vector<256xf32>
    %add3A_19 = arith.addf %add3A_17, %slice3A_18 : vector<256xf32>
    %slice3A_20 = vector.extract_strided_slice %reduce_sum3A_12 {offsets = [1280], sizes = [256], strides = [1]} : vector<2048xf32> to vector<256xf32>
    %add3A_21 = arith.addf %add3A_19, %slice3A_20 : vector<256xf32>
    %slice3A_22 = vector.extract_strided_slice %reduce_sum3A_12 {offsets = [1536], sizes = [256], strides = [1]} : vector<2048xf32> to vector<256xf32>
    %add3A_23 = arith.addf %add3A_21, %slice3A_22 : vector<256xf32>
    %slice3A_24 = vector.extract_strided_slice %reduce_sum3A_12 {offsets = [1792], sizes = [256], strides = [1]} : vector<2048xf32> to vector<256xf32>
    %add3A_25 = arith.addf %add3A_23, %slice3A_24 : vector<256xf32>
    %swap3A_26 = arith.constant 0 : index
    %swap3A_27 = arith.constant 0 : index
    %swap3A_28 = arith.constant 0 : index
    %swap3A_29 = vector.load %arg4[%swap3A_26, %swap3A_27, %swap3A_28] : memref<1x1x256xf32, #tpu.memory_space<vmem>>, vector<1x1x256xf32>
    %swap3A_30 = vector.shape_cast %swap3A_29 : vector<1x1x256xf32> to vector<256xf32>
    %swap3A_31 = vector.shape_cast %add3A_25 : vector<256xf32> to vector<1x1x256xf32>
    tpu.vector_store %arg4[%swap3A_26, %swap3A_27, %swap3A_28], %swap3A_31 {strides = array<i32>} : memref<1x1x256xf32, #tpu.memory_space<vmem>>, vector<1x1x256xf32>,
    return
  }
  func.func @transform_0(%arg0: i32) -> (i32, i32) {
    %c0_i32 = arith.constant 0 : i32
    %c0_i32_0 = arith.constant 0 : i32
    return %arg0, %c0_i32 : i32, i32
  }
  func.func @transform_1(%arg0: i32) -> (i32, i32) {
    %c0_i32 = arith.constant 0 : i32
    %c0_i32_0 = arith.constant 0 : i32
    return %arg0, %c0_i32 : i32, i32
  }
  func.func @transform_2(%arg0: i32) -> (i32, i32, i32) {
    %c0_i32 = arith.constant 0 : i32
    %c0_i32_0 = arith.constant 0 : i32
    %c0_i32_1 = arith.constant 0 : i32
    return %arg0, %c0_i32, %c0_i32_0 : i32, i32, i32
  }
  func.func @transform_3(%arg0: i32) -> (i32, i32, i32) {
    %c0_i32 = arith.constant 0 : i32
    %c0_i32_0 = arith.constant 0 : i32
    %c0_i32_1 = arith.constant 0 : i32
    return %arg0, %c0_i32, %c0_i32_0 : i32, i32, i32
  }
}

module attributes {stable_mosaic.version = 14 : i64} {
  func.func @_v_body(%arg0: i32, %arg1: memref<8x1x256xf32, #tpu.memory_space<vmem>>, %arg2: memref<8x1x256xf32, #tpu.memory_space<vmem>>, %arg3: memref<1x2048xf32, #tpu.memory_space<vmem>>, %arg4: memref<1x2048xf32, #tpu.memory_space<vmem>>, %arg5: memref<4x1x8x512xf32, #tpu.memory_space<vmem>>, %arg6: memref<4x8x8x512xf32, #tpu.memory_space<vmem>>, %arg7: memref<4x1x8x512xf32, #tpu.memory_space<vmem>>) attributes {dimension_semantics = [#tpu.dimension_semantics<arbitrary>], iteration_bounds = array<i64: 1>, scalar_prefetch = 0 : i64, scratch_operands = 0 : i64, tpu.core_type = #tpu.core_type<tc>, window_params = [{pipeline_mode = #tpu.pipeline_mode<synchronous>, transform_indices = @transform_0, window_bounds = array<i64: 8, 1, 256>}, {pipeline_mode = #tpu.pipeline_mode<synchronous>, transform_indices = @transform_1, window_bounds = array<i64: 8, 1, 256>}, {pipeline_mode = #tpu.pipeline_mode<synchronous>, transform_indices = @transform_2, window_bounds = array<i64: 1, 2048>}, {pipeline_mode = #tpu.pipeline_mode<synchronous>, transform_indices = @transform_3, window_bounds = array<i64: 1, 2048>}, {pipeline_mode = #tpu.pipeline_mode<synchronous>, transform_indices = @transform_4, window_bounds = array<i64: 4, 1, 8, 512>}, {pipeline_mode = #tpu.pipeline_mode<synchronous>, transform_indices = @transform_5, window_bounds = array<i64: 4, 8, 8, 512>}, {pipeline_mode = #tpu.pipeline_mode<synchronous>, transform_indices = @transform_6, window_bounds = array<i64: 4, 1, 8, 512>}]} {
    %get3A = arith.constant 0 : index
    %get3A_0 = arith.constant 0 : index
    %get3A_1 = vector.load %arg4[%get3A, %get3A_0] : memref<1x2048xf32, #tpu.memory_space<vmem>>, vector<1x2048xf32>
    %get3A_2 = vector.shape_cast %get3A_1 : vector<1x2048xf32> to vector<2048xf32>
    %reduce_sum3A = vector.shape_cast %get3A_2 : vector<2048xf32> to vector<1x2048xf32>
    %reduce_sum3A_3 = arith.constant dense<0.000000e+00> : vector<1xf32>
    %reduce_sum3A_4 = vector.multi_reduction <add>, %reduce_sum3A, %reduce_sum3A_3 [1] : vector<1x2048xf32> to vector<1xf32>
    %reduce_sum3A_5 = vector.shape_cast %reduce_sum3A_4 : vector<1xf32> to vector<1x1xf32>
    %reduce_sum3A_6 = vector.extract %reduce_sum3A_5[0, 0] : f32 from vector<1x1xf32>
    %convert_element_type3A = arith.truncf %reduce_sum3A_6 : f32 to bf16
    %convert_element_type3A_7 = arith.extf %convert_element_type3A : bf16 to f32
    %get3A_8 = arith.constant 0 : index
    %get3A_9 = arith.constant 0 : index
    %get3A_10 = arith.constant 0 : index
    %get3A_11 = vector.load %arg1[%get3A_8, %get3A_9, %get3A_10] : memref<8x1x256xf32, #tpu.memory_space<vmem>>, vector<1x1x256xf32>
    %get3A_12 = vector.shape_cast %get3A_11 : vector<1x1x256xf32> to vector<256xf32>
    %get3A_13 = arith.constant 0 : index
    %get3A_14 = arith.constant 0 : index
    %get3A_15 = arith.constant 0 : index
    %get3A_16 = vector.load %arg2[%get3A_13, %get3A_14, %get3A_15] : memref<8x1x256xf32, #tpu.memory_space<vmem>>, vector<1x1x256xf32>
    %get3A_17 = vector.shape_cast %get3A_16 : vector<1x1x256xf32> to vector<256xf32>
    %convert_element_type3A_18 = arith.truncf %get3A_17 : vector<256xf32> to vector<256xbf16>
    %convert_element_type3A_19 = arith.extf %convert_element_type3A_18 : vector<256xbf16> to vector<256xf32>
    %get3A_20 = arith.constant 0 : index
    %get3A_21 = arith.constant 0 : index
    %get3A_22 = vector.load %arg3[%get3A_20, %get3A_21] : memref<1x2048xf32, #tpu.memory_space<vmem>>, vector<1x256xf32>
    %get3A_23 = vector.shape_cast %get3A_22 : vector<1x256xf32> to vector<256xf32>
    %get3A_24 = arith.constant 0 : index
    %get3A_25 = arith.constant 0 : index
    %get3A_26 = arith.constant 0 : index
    %get3A_27 = arith.constant 0 : index
    %get3A_28 = vector.load %arg5[%get3A_24, %get3A_25, %get3A_26, %get3A_27] : memref<4x1x8x512xf32, #tpu.memory_space<vmem>>, vector<4x1x1x512xf32>
    %get3A_29 = vector.shape_cast %get3A_28 : vector<4x1x1x512xf32> to vector<4x512xf32>
    %get3A_30 = arith.constant 0 : index
    %get3A_31 = arith.constant 0 : index
    %get3A_32 = arith.constant 0 : index
    %get3A_33 = arith.constant 0 : index
    %get3A_34 = vector.load %arg6[%get3A_30, %get3A_31, %get3A_32, %get3A_33] : memref<4x8x8x512xf32, #tpu.memory_space<vmem>>, vector<4x8x1x512xf32>
    %get3A_35 = vector.shape_cast %get3A_34 : vector<4x8x1x512xf32> to vector<4x8x512xf32>
    %reduce_sum3A_36 = arith.constant dense<0.000000e+00> : vector<4x512xf32>
    %reduce_sum3A_37 = vector.multi_reduction <add>, %get3A_35, %reduce_sum3A_36 [1] : vector<4x8x512xf32> to vector<4x512xf32>
    %add3A = arith.addf %get3A_29, %reduce_sum3A_37 : vector<4x512xf32>
    %broadcast_in_dim3A = vector.shape_cast %add3A : vector<4x512xf32> to vector<4x512x1xf32>
    %broadcast_in_dim3A_38 = vector.shape_cast %get3A_12 : vector<256xf32> to vector<1x1x256xf32>
    %mul3A = vector.broadcast %broadcast_in_dim3A : vector<4x512x1xf32> to vector<4x512x256xf32>
    %mul3A_39 = vector.broadcast %broadcast_in_dim3A_38 : vector<1x1x256xf32> to vector<4x512x256xf32>
    %mul3A_40 = arith.mulf %mul3A, %mul3A_39 : vector<4x512x256xf32>
    %broadcast_in_dim3A_41 = vector.shape_cast %get3A_23 : vector<256xf32> to vector<1x1x256xf32>
    %add3A_42 = vector.broadcast %broadcast_in_dim3A_41 : vector<1x1x256xf32> to vector<4x512x256xf32>
    %add3A_43 = arith.addf %mul3A_40, %add3A_42 : vector<4x512x256xf32>
    %mul3A_44 = arith.constant 5.000000e-01 : f32
    %mul3A_45 = vector.broadcast %mul3A_44 : f32 to vector<4x512x256xf32>
    %mul3A_46 = arith.mulf %mul3A_45, %add3A_43 : vector<4x512x256xf32>
    %mul3A_47 = arith.constant 0.707106769 : f32
    %mul3A_48 = vector.broadcast %mul3A_47 : f32 to vector<4x512x256xf32>
    %mul3A_49 = arith.mulf %add3A_43, %mul3A_48 : vector<4x512x256xf32>
    %erf3A = math.erf %mul3A_49 : vector<4x512x256xf32>
    %add3A_50 = arith.constant 1.000000e+00 : f32
    %add3A_51 = vector.broadcast %add3A_50 : f32 to vector<4x512x256xf32>
    %add3A_52 = arith.addf %add3A_51, %erf3A : vector<4x512x256xf32>
    %mul3A_53 = arith.mulf %mul3A_46, %add3A_52 : vector<4x512x256xf32>
    %convert_element_type3A_54 = arith.truncf %mul3A_53 : vector<4x512x256xf32> to vector<4x512x256xbf16>
    %convert_element_type3A_55 = arith.extf %convert_element_type3A_54 : vector<4x512x256xbf16> to vector<4x512x256xf32>
    %broadcast_in_dim3A_56 = vector.shape_cast %convert_element_type3A_19 : vector<256xf32> to vector<1x1x256xf32>
    %mul3A_57 = vector.broadcast %broadcast_in_dim3A_56 : vector<1x1x256xf32> to vector<4x512x256xf32>
    %mul3A_58 = arith.mulf %convert_element_type3A_55, %mul3A_57 : vector<4x512x256xf32>
    %reduce_sum3A_59 = arith.constant dense<0.000000e+00> : vector<4x512xf32>
    %reduce_sum3A_60 = vector.multi_reduction <add>, %mul3A_58, %reduce_sum3A_59 [2] : vector<4x512x256xf32> to vector<4x512xf32>
    %add3A_61 = vector.broadcast %convert_element_type3A_7 : f32 to vector<4x512xf32>
    %add3A_62 = arith.addf %reduce_sum3A_60, %add3A_61 : vector<4x512xf32>
    %swap3A = arith.constant 0 : index
    %swap3A_63 = arith.constant 0 : index
    %swap3A_64 = arith.constant 0 : index
    %swap3A_65 = arith.constant 0 : index
    %swap3A_66 = vector.load %arg7[%swap3A, %swap3A_63, %swap3A_64, %swap3A_65] : memref<4x1x8x512xf32, #tpu.memory_space<vmem>>, vector<4x1x1x512xf32>
    %swap3A_67 = vector.shape_cast %swap3A_66 : vector<4x1x1x512xf32> to vector<4x512xf32>
    %swap3A_68 = vector.shape_cast %add3A_62 : vector<4x512xf32> to vector<4x1x1x512xf32>
    tpu.vector_store %arg7[%swap3A, %swap3A_63, %swap3A_64, %swap3A_65], %swap3A_68 {strides = array<i32>} : memref<4x1x8x512xf32, #tpu.memory_space<vmem>>, vector<4x1x1x512xf32>,
    %get3A_69 = arith.constant 1 : index
    %get3A_70 = arith.constant 0 : index
    %get3A_71 = arith.constant 0 : index
    %get3A_72 = vector.load %arg1[%get3A_69, %get3A_70, %get3A_71] : memref<8x1x256xf32, #tpu.memory_space<vmem>>, vector<1x1x256xf32>
    %get3A_73 = vector.shape_cast %get3A_72 : vector<1x1x256xf32> to vector<256xf32>
    %get3A_74 = arith.constant 1 : index
    %get3A_75 = arith.constant 0 : index
    %get3A_76 = arith.constant 0 : index
    %get3A_77 = vector.load %arg2[%get3A_74, %get3A_75, %get3A_76] : memref<8x1x256xf32, #tpu.memory_space<vmem>>, vector<1x1x256xf32>
    %get3A_78 = vector.shape_cast %get3A_77 : vector<1x1x256xf32> to vector<256xf32>
    %convert_element_type3A_79 = arith.truncf %get3A_78 : vector<256xf32> to vector<256xbf16>
    %convert_element_type3A_80 = arith.extf %convert_element_type3A_79 : vector<256xbf16> to vector<256xf32>
    %get3A_81 = arith.constant 0 : index
    %get3A_82 = arith.constant 256 : index
    %get3A_83 = vector.load %arg3[%get3A_81, %get3A_82] : memref<1x2048xf32, #tpu.memory_space<vmem>>, vector<1x256xf32>
    %get3A_84 = vector.shape_cast %get3A_83 : vector<1x256xf32> to vector<256xf32>
    %get3A_85 = arith.constant 0 : index
    %get3A_86 = arith.constant 0 : index
    %get3A_87 = arith.constant 1 : index
    %get3A_88 = arith.constant 0 : index
    %get3A_89 = vector.load %arg5[%get3A_85, %get3A_86, %get3A_87, %get3A_88] : memref<4x1x8x512xf32, #tpu.memory_space<vmem>>, vector<4x1x1x512xf32>
    %get3A_90 = vector.shape_cast %get3A_89 : vector<4x1x1x512xf32> to vector<4x512xf32>
    %get3A_91 = arith.constant 0 : index
    %get3A_92 = arith.constant 0 : index
    %get3A_93 = arith.constant 1 : index
    %get3A_94 = arith.constant 0 : index
    %get3A_95 = vector.load %arg6[%get3A_91, %get3A_92, %get3A_93, %get3A_94] : memref<4x8x8x512xf32, #tpu.memory_space<vmem>>, vector<4x8x1x512xf32>
    %get3A_96 = vector.shape_cast %get3A_95 : vector<4x8x1x512xf32> to vector<4x8x512xf32>
    %reduce_sum3A_97 = arith.constant dense<0.000000e+00> : vector<4x512xf32>
    %reduce_sum3A_98 = vector.multi_reduction <add>, %get3A_96, %reduce_sum3A_97 [1] : vector<4x8x512xf32> to vector<4x512xf32>
    %add3A_99 = arith.addf %get3A_90, %reduce_sum3A_98 : vector<4x512xf32>
    %broadcast_in_dim3A_100 = vector.shape_cast %add3A_99 : vector<4x512xf32> to vector<4x512x1xf32>
    %broadcast_in_dim3A_101 = vector.shape_cast %get3A_73 : vector<256xf32> to vector<1x1x256xf32>
    %mul3A_102 = vector.broadcast %broadcast_in_dim3A_100 : vector<4x512x1xf32> to vector<4x512x256xf32>
    %mul3A_103 = vector.broadcast %broadcast_in_dim3A_101 : vector<1x1x256xf32> to vector<4x512x256xf32>
    %mul3A_104 = arith.mulf %mul3A_102, %mul3A_103 : vector<4x512x256xf32>
    %broadcast_in_dim3A_105 = vector.shape_cast %get3A_84 : vector<256xf32> to vector<1x1x256xf32>
    %add3A_106 = vector.broadcast %broadcast_in_dim3A_105 : vector<1x1x256xf32> to vector<4x512x256xf32>
    %add3A_107 = arith.addf %mul3A_104, %add3A_106 : vector<4x512x256xf32>
    %mul3A_108 = arith.constant 5.000000e-01 : f32
    %mul3A_109 = vector.broadcast %mul3A_108 : f32 to vector<4x512x256xf32>
    %mul3A_110 = arith.mulf %mul3A_109, %add3A_107 : vector<4x512x256xf32>
    %mul3A_111 = arith.constant 0.707106769 : f32
    %mul3A_112 = vector.broadcast %mul3A_111 : f32 to vector<4x512x256xf32>
    %mul3A_113 = arith.mulf %add3A_107, %mul3A_112 : vector<4x512x256xf32>
    %erf3A_114 = math.erf %mul3A_113 : vector<4x512x256xf32>
    %add3A_115 = arith.constant 1.000000e+00 : f32
    %add3A_116 = vector.broadcast %add3A_115 : f32 to vector<4x512x256xf32>
    %add3A_117 = arith.addf %add3A_116, %erf3A_114 : vector<4x512x256xf32>
    %mul3A_118 = arith.mulf %mul3A_110, %add3A_117 : vector<4x512x256xf32>
    %convert_element_type3A_119 = arith.truncf %mul3A_118 : vector<4x512x256xf32> to vector<4x512x256xbf16>
    %convert_element_type3A_120 = arith.extf %convert_element_type3A_119 : vector<4x512x256xbf16> to vector<4x512x256xf32>
    %broadcast_in_dim3A_121 = vector.shape_cast %convert_element_type3A_80 : vector<256xf32> to vector<1x1x256xf32>
    %mul3A_122 = vector.broadcast %broadcast_in_dim3A_121 : vector<1x1x256xf32> to vector<4x512x256xf32>
    %mul3A_123 = arith.mulf %convert_element_type3A_120, %mul3A_122 : vector<4x512x256xf32>
    %reduce_sum3A_124 = arith.constant dense<0.000000e+00> : vector<4x512xf32>
    %reduce_sum3A_125 = vector.multi_reduction <add>, %mul3A_123, %reduce_sum3A_124 [2] : vector<4x512x256xf32> to vector<4x512xf32>
    %add3A_126 = vector.broadcast %convert_element_type3A_7 : f32 to vector<4x512xf32>
    %add3A_127 = arith.addf %reduce_sum3A_125, %add3A_126 : vector<4x512xf32>
    %swap3A_128 = arith.constant 0 : index
    %swap3A_129 = arith.constant 0 : index
    %swap3A_130 = arith.constant 1 : index
    %swap3A_131 = arith.constant 0 : index
    %swap3A_132 = vector.load %arg7[%swap3A_128, %swap3A_129, %swap3A_130, %swap3A_131] : memref<4x1x8x512xf32, #tpu.memory_space<vmem>>, vector<4x1x1x512xf32>
    %swap3A_133 = vector.shape_cast %swap3A_132 : vector<4x1x1x512xf32> to vector<4x512xf32>
    %swap3A_134 = vector.shape_cast %add3A_127 : vector<4x512xf32> to vector<4x1x1x512xf32>
    tpu.vector_store %arg7[%swap3A_128, %swap3A_129, %swap3A_130, %swap3A_131], %swap3A_134 {strides = array<i32>} : memref<4x1x8x512xf32, #tpu.memory_space<vmem>>, vector<4x1x1x512xf32>,
    %get3A_135 = arith.constant 2 : index
    %get3A_136 = arith.constant 0 : index
    %get3A_137 = arith.constant 0 : index
    %get3A_138 = vector.load %arg1[%get3A_135, %get3A_136, %get3A_137] : memref<8x1x256xf32, #tpu.memory_space<vmem>>, vector<1x1x256xf32>
    %get3A_139 = vector.shape_cast %get3A_138 : vector<1x1x256xf32> to vector<256xf32>
    %get3A_140 = arith.constant 2 : index
    %get3A_141 = arith.constant 0 : index
    %get3A_142 = arith.constant 0 : index
    %get3A_143 = vector.load %arg2[%get3A_140, %get3A_141, %get3A_142] : memref<8x1x256xf32, #tpu.memory_space<vmem>>, vector<1x1x256xf32>
    %get3A_144 = vector.shape_cast %get3A_143 : vector<1x1x256xf32> to vector<256xf32>
    %convert_element_type3A_145 = arith.truncf %get3A_144 : vector<256xf32> to vector<256xbf16>
    %convert_element_type3A_146 = arith.extf %convert_element_type3A_145 : vector<256xbf16> to vector<256xf32>
    %get3A_147 = arith.constant 0 : index
    %get3A_148 = arith.constant 512 : index
    %get3A_149 = vector.load %arg3[%get3A_147, %get3A_148] : memref<1x2048xf32, #tpu.memory_space<vmem>>, vector<1x256xf32>
    %get3A_150 = vector.shape_cast %get3A_149 : vector<1x256xf32> to vector<256xf32>
    %get3A_151 = arith.constant 0 : index
    %get3A_152 = arith.constant 0 : index
    %get3A_153 = arith.constant 2 : index
    %get3A_154 = arith.constant 0 : index
    %get3A_155 = vector.load %arg5[%get3A_151, %get3A_152, %get3A_153, %get3A_154] : memref<4x1x8x512xf32, #tpu.memory_space<vmem>>, vector<4x1x1x512xf32>
    %get3A_156 = vector.shape_cast %get3A_155 : vector<4x1x1x512xf32> to vector<4x512xf32>
    %get3A_157 = arith.constant 0 : index
    %get3A_158 = arith.constant 0 : index
    %get3A_159 = arith.constant 2 : index
    %get3A_160 = arith.constant 0 : index
    %get3A_161 = vector.load %arg6[%get3A_157, %get3A_158, %get3A_159, %get3A_160] : memref<4x8x8x512xf32, #tpu.memory_space<vmem>>, vector<4x8x1x512xf32>
    %get3A_162 = vector.shape_cast %get3A_161 : vector<4x8x1x512xf32> to vector<4x8x512xf32>
    %reduce_sum3A_163 = arith.constant dense<0.000000e+00> : vector<4x512xf32>
    %reduce_sum3A_164 = vector.multi_reduction <add>, %get3A_162, %reduce_sum3A_163 [1] : vector<4x8x512xf32> to vector<4x512xf32>
    %add3A_165 = arith.addf %get3A_156, %reduce_sum3A_164 : vector<4x512xf32>
    %broadcast_in_dim3A_166 = vector.shape_cast %add3A_165 : vector<4x512xf32> to vector<4x512x1xf32>
    %broadcast_in_dim3A_167 = vector.shape_cast %get3A_139 : vector<256xf32> to vector<1x1x256xf32>
    %mul3A_168 = vector.broadcast %broadcast_in_dim3A_166 : vector<4x512x1xf32> to vector<4x512x256xf32>
    %mul3A_169 = vector.broadcast %broadcast_in_dim3A_167 : vector<1x1x256xf32> to vector<4x512x256xf32>
    %mul3A_170 = arith.mulf %mul3A_168, %mul3A_169 : vector<4x512x256xf32>
    %broadcast_in_dim3A_171 = vector.shape_cast %get3A_150 : vector<256xf32> to vector<1x1x256xf32>
    %add3A_172 = vector.broadcast %broadcast_in_dim3A_171 : vector<1x1x256xf32> to vector<4x512x256xf32>
    %add3A_173 = arith.addf %mul3A_170, %add3A_172 : vector<4x512x256xf32>
    %mul3A_174 = arith.constant 5.000000e-01 : f32
    %mul3A_175 = vector.broadcast %mul3A_174 : f32 to vector<4x512x256xf32>
    %mul3A_176 = arith.mulf %mul3A_175, %add3A_173 : vector<4x512x256xf32>
    %mul3A_177 = arith.constant 0.707106769 : f32
    %mul3A_178 = vector.broadcast %mul3A_177 : f32 to vector<4x512x256xf32>
    %mul3A_179 = arith.mulf %add3A_173, %mul3A_178 : vector<4x512x256xf32>
    %erf3A_180 = math.erf %mul3A_179 : vector<4x512x256xf32>
    %add3A_181 = arith.constant 1.000000e+00 : f32
    %add3A_182 = vector.broadcast %add3A_181 : f32 to vector<4x512x256xf32>
    %add3A_183 = arith.addf %add3A_182, %erf3A_180 : vector<4x512x256xf32>
    %mul3A_184 = arith.mulf %mul3A_176, %add3A_183 : vector<4x512x256xf32>
    %convert_element_type3A_185 = arith.truncf %mul3A_184 : vector<4x512x256xf32> to vector<4x512x256xbf16>
    %convert_element_type3A_186 = arith.extf %convert_element_type3A_185 : vector<4x512x256xbf16> to vector<4x512x256xf32>
    %broadcast_in_dim3A_187 = vector.shape_cast %convert_element_type3A_146 : vector<256xf32> to vector<1x1x256xf32>
    %mul3A_188 = vector.broadcast %broadcast_in_dim3A_187 : vector<1x1x256xf32> to vector<4x512x256xf32>
    %mul3A_189 = arith.mulf %convert_element_type3A_186, %mul3A_188 : vector<4x512x256xf32>
    %reduce_sum3A_190 = arith.constant dense<0.000000e+00> : vector<4x512xf32>
    %reduce_sum3A_191 = vector.multi_reduction <add>, %mul3A_189, %reduce_sum3A_190 [2] : vector<4x512x256xf32> to vector<4x512xf32>
    %add3A_192 = vector.broadcast %convert_element_type3A_7 : f32 to vector<4x512xf32>
    %add3A_193 = arith.addf %reduce_sum3A_191, %add3A_192 : vector<4x512xf32>
    %swap3A_194 = arith.constant 0 : index
    %swap3A_195 = arith.constant 0 : index
    %swap3A_196 = arith.constant 2 : index
    %swap3A_197 = arith.constant 0 : index
    %swap3A_198 = vector.load %arg7[%swap3A_194, %swap3A_195, %swap3A_196, %swap3A_197] : memref<4x1x8x512xf32, #tpu.memory_space<vmem>>, vector<4x1x1x512xf32>
    %swap3A_199 = vector.shape_cast %swap3A_198 : vector<4x1x1x512xf32> to vector<4x512xf32>
    %swap3A_200 = vector.shape_cast %add3A_193 : vector<4x512xf32> to vector<4x1x1x512xf32>
    tpu.vector_store %arg7[%swap3A_194, %swap3A_195, %swap3A_196, %swap3A_197], %swap3A_200 {strides = array<i32>} : memref<4x1x8x512xf32, #tpu.memory_space<vmem>>, vector<4x1x1x512xf32>,
    %get3A_201 = arith.constant 3 : index
    %get3A_202 = arith.constant 0 : index
    %get3A_203 = arith.constant 0 : index
    %get3A_204 = vector.load %arg1[%get3A_201, %get3A_202, %get3A_203] : memref<8x1x256xf32, #tpu.memory_space<vmem>>, vector<1x1x256xf32>
    %get3A_205 = vector.shape_cast %get3A_204 : vector<1x1x256xf32> to vector<256xf32>
    %get3A_206 = arith.constant 3 : index
    %get3A_207 = arith.constant 0 : index
    %get3A_208 = arith.constant 0 : index
    %get3A_209 = vector.load %arg2[%get3A_206, %get3A_207, %get3A_208] : memref<8x1x256xf32, #tpu.memory_space<vmem>>, vector<1x1x256xf32>
    %get3A_210 = vector.shape_cast %get3A_209 : vector<1x1x256xf32> to vector<256xf32>
    %convert_element_type3A_211 = arith.truncf %get3A_210 : vector<256xf32> to vector<256xbf16>
    %convert_element_type3A_212 = arith.extf %convert_element_type3A_211 : vector<256xbf16> to vector<256xf32>
    %get3A_213 = arith.constant 0 : index
    %get3A_214 = arith.constant 768 : index
    %get3A_215 = vector.load %arg3[%get3A_213, %get3A_214] : memref<1x2048xf32, #tpu.memory_space<vmem>>, vector<1x256xf32>
    %get3A_216 = vector.shape_cast %get3A_215 : vector<1x256xf32> to vector<256xf32>
    %get3A_217 = arith.constant 0 : index
    %get3A_218 = arith.constant 0 : index
    %get3A_219 = arith.constant 3 : index
    %get3A_220 = arith.constant 0 : index
    %get3A_221 = vector.load %arg5[%get3A_217, %get3A_218, %get3A_219, %get3A_220] : memref<4x1x8x512xf32, #tpu.memory_space<vmem>>, vector<4x1x1x512xf32>
    %get3A_222 = vector.shape_cast %get3A_221 : vector<4x1x1x512xf32> to vector<4x512xf32>
    %get3A_223 = arith.constant 0 : index
    %get3A_224 = arith.constant 0 : index
    %get3A_225 = arith.constant 3 : index
    %get3A_226 = arith.constant 0 : index
    %get3A_227 = vector.load %arg6[%get3A_223, %get3A_224, %get3A_225, %get3A_226] : memref<4x8x8x512xf32, #tpu.memory_space<vmem>>, vector<4x8x1x512xf32>
    %get3A_228 = vector.shape_cast %get3A_227 : vector<4x8x1x512xf32> to vector<4x8x512xf32>
    %reduce_sum3A_229 = arith.constant dense<0.000000e+00> : vector<4x512xf32>
    %reduce_sum3A_230 = vector.multi_reduction <add>, %get3A_228, %reduce_sum3A_229 [1] : vector<4x8x512xf32> to vector<4x512xf32>
    %add3A_231 = arith.addf %get3A_222, %reduce_sum3A_230 : vector<4x512xf32>
    %broadcast_in_dim3A_232 = vector.shape_cast %add3A_231 : vector<4x512xf32> to vector<4x512x1xf32>
    %broadcast_in_dim3A_233 = vector.shape_cast %get3A_205 : vector<256xf32> to vector<1x1x256xf32>
    %mul3A_234 = vector.broadcast %broadcast_in_dim3A_232 : vector<4x512x1xf32> to vector<4x512x256xf32>
    %mul3A_235 = vector.broadcast %broadcast_in_dim3A_233 : vector<1x1x256xf32> to vector<4x512x256xf32>
    %mul3A_236 = arith.mulf %mul3A_234, %mul3A_235 : vector<4x512x256xf32>
    %broadcast_in_dim3A_237 = vector.shape_cast %get3A_216 : vector<256xf32> to vector<1x1x256xf32>
    %add3A_238 = vector.broadcast %broadcast_in_dim3A_237 : vector<1x1x256xf32> to vector<4x512x256xf32>
    %add3A_239 = arith.addf %mul3A_236, %add3A_238 : vector<4x512x256xf32>
    %mul3A_240 = arith.constant 5.000000e-01 : f32
    %mul3A_241 = vector.broadcast %mul3A_240 : f32 to vector<4x512x256xf32>
    %mul3A_242 = arith.mulf %mul3A_241, %add3A_239 : vector<4x512x256xf32>
    %mul3A_243 = arith.constant 0.707106769 : f32
    %mul3A_244 = vector.broadcast %mul3A_243 : f32 to vector<4x512x256xf32>
    %mul3A_245 = arith.mulf %add3A_239, %mul3A_244 : vector<4x512x256xf32>
    %erf3A_246 = math.erf %mul3A_245 : vector<4x512x256xf32>
    %add3A_247 = arith.constant 1.000000e+00 : f32
    %add3A_248 = vector.broadcast %add3A_247 : f32 to vector<4x512x256xf32>
    %add3A_249 = arith.addf %add3A_248, %erf3A_246 : vector<4x512x256xf32>
    %mul3A_250 = arith.mulf %mul3A_242, %add3A_249 : vector<4x512x256xf32>
    %convert_element_type3A_251 = arith.truncf %mul3A_250 : vector<4x512x256xf32> to vector<4x512x256xbf16>
    %convert_element_type3A_252 = arith.extf %convert_element_type3A_251 : vector<4x512x256xbf16> to vector<4x512x256xf32>
    %broadcast_in_dim3A_253 = vector.shape_cast %convert_element_type3A_212 : vector<256xf32> to vector<1x1x256xf32>
    %mul3A_254 = vector.broadcast %broadcast_in_dim3A_253 : vector<1x1x256xf32> to vector<4x512x256xf32>
    %mul3A_255 = arith.mulf %convert_element_type3A_252, %mul3A_254 : vector<4x512x256xf32>
    %reduce_sum3A_256 = arith.constant dense<0.000000e+00> : vector<4x512xf32>
    %reduce_sum3A_257 = vector.multi_reduction <add>, %mul3A_255, %reduce_sum3A_256 [2] : vector<4x512x256xf32> to vector<4x512xf32>
    %add3A_258 = vector.broadcast %convert_element_type3A_7 : f32 to vector<4x512xf32>
    %add3A_259 = arith.addf %reduce_sum3A_257, %add3A_258 : vector<4x512xf32>
    %swap3A_260 = arith.constant 0 : index
    %swap3A_261 = arith.constant 0 : index
    %swap3A_262 = arith.constant 3 : index
    %swap3A_263 = arith.constant 0 : index
    %swap3A_264 = vector.load %arg7[%swap3A_260, %swap3A_261, %swap3A_262, %swap3A_263] : memref<4x1x8x512xf32, #tpu.memory_space<vmem>>, vector<4x1x1x512xf32>
    %swap3A_265 = vector.shape_cast %swap3A_264 : vector<4x1x1x512xf32> to vector<4x512xf32>
    %swap3A_266 = vector.shape_cast %add3A_259 : vector<4x512xf32> to vector<4x1x1x512xf32>
    tpu.vector_store %arg7[%swap3A_260, %swap3A_261, %swap3A_262, %swap3A_263], %swap3A_266 {strides = array<i32>} : memref<4x1x8x512xf32, #tpu.memory_space<vmem>>, vector<4x1x1x512xf32>,
    %get3A_267 = arith.constant 4 : index
    %get3A_268 = arith.constant 0 : index
    %get3A_269 = arith.constant 0 : index
    %get3A_270 = vector.load %arg1[%get3A_267, %get3A_268, %get3A_269] : memref<8x1x256xf32, #tpu.memory_space<vmem>>, vector<1x1x256xf32>
    %get3A_271 = vector.shape_cast %get3A_270 : vector<1x1x256xf32> to vector<256xf32>
    %get3A_272 = arith.constant 4 : index
    %get3A_273 = arith.constant 0 : index
    %get3A_274 = arith.constant 0 : index
    %get3A_275 = vector.load %arg2[%get3A_272, %get3A_273, %get3A_274] : memref<8x1x256xf32, #tpu.memory_space<vmem>>, vector<1x1x256xf32>
    %get3A_276 = vector.shape_cast %get3A_275 : vector<1x1x256xf32> to vector<256xf32>
    %convert_element_type3A_277 = arith.truncf %get3A_276 : vector<256xf32> to vector<256xbf16>
    %convert_element_type3A_278 = arith.extf %convert_element_type3A_277 : vector<256xbf16> to vector<256xf32>
    %get3A_279 = arith.constant 0 : index
    %get3A_280 = arith.constant 1024 : index
    %get3A_281 = vector.load %arg3[%get3A_279, %get3A_280] : memref<1x2048xf32, #tpu.memory_space<vmem>>, vector<1x256xf32>
    %get3A_282 = vector.shape_cast %get3A_281 : vector<1x256xf32> to vector<256xf32>
    %get3A_283 = arith.constant 0 : index
    %get3A_284 = arith.constant 0 : index
    %get3A_285 = arith.constant 4 : index
    %get3A_286 = arith.constant 0 : index
    %get3A_287 = vector.load %arg5[%get3A_283, %get3A_284, %get3A_285, %get3A_286] : memref<4x1x8x512xf32, #tpu.memory_space<vmem>>, vector<4x1x1x512xf32>
    %get3A_288 = vector.shape_cast %get3A_287 : vector<4x1x1x512xf32> to vector<4x512xf32>
    %get3A_289 = arith.constant 0 : index
    %get3A_290 = arith.constant 0 : index
    %get3A_291 = arith.constant 4 : index
    %get3A_292 = arith.constant 0 : index
    %get3A_293 = vector.load %arg6[%get3A_289, %get3A_290, %get3A_291, %get3A_292] : memref<4x8x8x512xf32, #tpu.memory_space<vmem>>, vector<4x8x1x512xf32>
    %get3A_294 = vector.shape_cast %get3A_293 : vector<4x8x1x512xf32> to vector<4x8x512xf32>
    %reduce_sum3A_295 = arith.constant dense<0.000000e+00> : vector<4x512xf32>
    %reduce_sum3A_296 = vector.multi_reduction <add>, %get3A_294, %reduce_sum3A_295 [1] : vector<4x8x512xf32> to vector<4x512xf32>
    %add3A_297 = arith.addf %get3A_288, %reduce_sum3A_296 : vector<4x512xf32>
    %broadcast_in_dim3A_298 = vector.shape_cast %add3A_297 : vector<4x512xf32> to vector<4x512x1xf32>
    %broadcast_in_dim3A_299 = vector.shape_cast %get3A_271 : vector<256xf32> to vector<1x1x256xf32>
    %mul3A_300 = vector.broadcast %broadcast_in_dim3A_298 : vector<4x512x1xf32> to vector<4x512x256xf32>
    %mul3A_301 = vector.broadcast %broadcast_in_dim3A_299 : vector<1x1x256xf32> to vector<4x512x256xf32>
    %mul3A_302 = arith.mulf %mul3A_300, %mul3A_301 : vector<4x512x256xf32>
    %broadcast_in_dim3A_303 = vector.shape_cast %get3A_282 : vector<256xf32> to vector<1x1x256xf32>
    %add3A_304 = vector.broadcast %broadcast_in_dim3A_303 : vector<1x1x256xf32> to vector<4x512x256xf32>
    %add3A_305 = arith.addf %mul3A_302, %add3A_304 : vector<4x512x256xf32>
    %mul3A_306 = arith.constant 5.000000e-01 : f32
    %mul3A_307 = vector.broadcast %mul3A_306 : f32 to vector<4x512x256xf32>
    %mul3A_308 = arith.mulf %mul3A_307, %add3A_305 : vector<4x512x256xf32>
    %mul3A_309 = arith.constant 0.707106769 : f32
    %mul3A_310 = vector.broadcast %mul3A_309 : f32 to vector<4x512x256xf32>
    %mul3A_311 = arith.mulf %add3A_305, %mul3A_310 : vector<4x512x256xf32>
    %erf3A_312 = math.erf %mul3A_311 : vector<4x512x256xf32>
    %add3A_313 = arith.constant 1.000000e+00 : f32
    %add3A_314 = vector.broadcast %add3A_313 : f32 to vector<4x512x256xf32>
    %add3A_315 = arith.addf %add3A_314, %erf3A_312 : vector<4x512x256xf32>
    %mul3A_316 = arith.mulf %mul3A_308, %add3A_315 : vector<4x512x256xf32>
    %convert_element_type3A_317 = arith.truncf %mul3A_316 : vector<4x512x256xf32> to vector<4x512x256xbf16>
    %convert_element_type3A_318 = arith.extf %convert_element_type3A_317 : vector<4x512x256xbf16> to vector<4x512x256xf32>
    %broadcast_in_dim3A_319 = vector.shape_cast %convert_element_type3A_278 : vector<256xf32> to vector<1x1x256xf32>
    %mul3A_320 = vector.broadcast %broadcast_in_dim3A_319 : vector<1x1x256xf32> to vector<4x512x256xf32>
    %mul3A_321 = arith.mulf %convert_element_type3A_318, %mul3A_320 : vector<4x512x256xf32>
    %reduce_sum3A_322 = arith.constant dense<0.000000e+00> : vector<4x512xf32>
    %reduce_sum3A_323 = vector.multi_reduction <add>, %mul3A_321, %reduce_sum3A_322 [2] : vector<4x512x256xf32> to vector<4x512xf32>
    %add3A_324 = vector.broadcast %convert_element_type3A_7 : f32 to vector<4x512xf32>
    %add3A_325 = arith.addf %reduce_sum3A_323, %add3A_324 : vector<4x512xf32>
    %swap3A_326 = arith.constant 0 : index
    %swap3A_327 = arith.constant 0 : index
    %swap3A_328 = arith.constant 4 : index
    %swap3A_329 = arith.constant 0 : index
    %swap3A_330 = vector.load %arg7[%swap3A_326, %swap3A_327, %swap3A_328, %swap3A_329] : memref<4x1x8x512xf32, #tpu.memory_space<vmem>>, vector<4x1x1x512xf32>
    %swap3A_331 = vector.shape_cast %swap3A_330 : vector<4x1x1x512xf32> to vector<4x512xf32>
    %swap3A_332 = vector.shape_cast %add3A_325 : vector<4x512xf32> to vector<4x1x1x512xf32>
    tpu.vector_store %arg7[%swap3A_326, %swap3A_327, %swap3A_328, %swap3A_329], %swap3A_332 {strides = array<i32>} : memref<4x1x8x512xf32, #tpu.memory_space<vmem>>, vector<4x1x1x512xf32>,
    %get3A_333 = arith.constant 5 : index
    %get3A_334 = arith.constant 0 : index
    %get3A_335 = arith.constant 0 : index
    %get3A_336 = vector.load %arg1[%get3A_333, %get3A_334, %get3A_335] : memref<8x1x256xf32, #tpu.memory_space<vmem>>, vector<1x1x256xf32>
    %get3A_337 = vector.shape_cast %get3A_336 : vector<1x1x256xf32> to vector<256xf32>
    %get3A_338 = arith.constant 5 : index
    %get3A_339 = arith.constant 0 : index
    %get3A_340 = arith.constant 0 : index
    %get3A_341 = vector.load %arg2[%get3A_338, %get3A_339, %get3A_340] : memref<8x1x256xf32, #tpu.memory_space<vmem>>, vector<1x1x256xf32>
    %get3A_342 = vector.shape_cast %get3A_341 : vector<1x1x256xf32> to vector<256xf32>
    %convert_element_type3A_343 = arith.truncf %get3A_342 : vector<256xf32> to vector<256xbf16>
    %convert_element_type3A_344 = arith.extf %convert_element_type3A_343 : vector<256xbf16> to vector<256xf32>
    %get3A_345 = arith.constant 0 : index
    %get3A_346 = arith.constant 1280 : index
    %get3A_347 = vector.load %arg3[%get3A_345, %get3A_346] : memref<1x2048xf32, #tpu.memory_space<vmem>>, vector<1x256xf32>
    %get3A_348 = vector.shape_cast %get3A_347 : vector<1x256xf32> to vector<256xf32>
    %get3A_349 = arith.constant 0 : index
    %get3A_350 = arith.constant 0 : index
    %get3A_351 = arith.constant 5 : index
    %get3A_352 = arith.constant 0 : index
    %get3A_353 = vector.load %arg5[%get3A_349, %get3A_350, %get3A_351, %get3A_352] : memref<4x1x8x512xf32, #tpu.memory_space<vmem>>, vector<4x1x1x512xf32>
    %get3A_354 = vector.shape_cast %get3A_353 : vector<4x1x1x512xf32> to vector<4x512xf32>
    %get3A_355 = arith.constant 0 : index
    %get3A_356 = arith.constant 0 : index
    %get3A_357 = arith.constant 5 : index
    %get3A_358 = arith.constant 0 : index
    %get3A_359 = vector.load %arg6[%get3A_355, %get3A_356, %get3A_357, %get3A_358] : memref<4x8x8x512xf32, #tpu.memory_space<vmem>>, vector<4x8x1x512xf32>
    %get3A_360 = vector.shape_cast %get3A_359 : vector<4x8x1x512xf32> to vector<4x8x512xf32>
    %reduce_sum3A_361 = arith.constant dense<0.000000e+00> : vector<4x512xf32>
    %reduce_sum3A_362 = vector.multi_reduction <add>, %get3A_360, %reduce_sum3A_361 [1] : vector<4x8x512xf32> to vector<4x512xf32>
    %add3A_363 = arith.addf %get3A_354, %reduce_sum3A_362 : vector<4x512xf32>
    %broadcast_in_dim3A_364 = vector.shape_cast %add3A_363 : vector<4x512xf32> to vector<4x512x1xf32>
    %broadcast_in_dim3A_365 = vector.shape_cast %get3A_337 : vector<256xf32> to vector<1x1x256xf32>
    %mul3A_366 = vector.broadcast %broadcast_in_dim3A_364 : vector<4x512x1xf32> to vector<4x512x256xf32>
    %mul3A_367 = vector.broadcast %broadcast_in_dim3A_365 : vector<1x1x256xf32> to vector<4x512x256xf32>
    %mul3A_368 = arith.mulf %mul3A_366, %mul3A_367 : vector<4x512x256xf32>
    %broadcast_in_dim3A_369 = vector.shape_cast %get3A_348 : vector<256xf32> to vector<1x1x256xf32>
    %add3A_370 = vector.broadcast %broadcast_in_dim3A_369 : vector<1x1x256xf32> to vector<4x512x256xf32>
    %add3A_371 = arith.addf %mul3A_368, %add3A_370 : vector<4x512x256xf32>
    %mul3A_372 = arith.constant 5.000000e-01 : f32
    %mul3A_373 = vector.broadcast %mul3A_372 : f32 to vector<4x512x256xf32>
    %mul3A_374 = arith.mulf %mul3A_373, %add3A_371 : vector<4x512x256xf32>
    %mul3A_375 = arith.constant 0.707106769 : f32
    %mul3A_376 = vector.broadcast %mul3A_375 : f32 to vector<4x512x256xf32>
    %mul3A_377 = arith.mulf %add3A_371, %mul3A_376 : vector<4x512x256xf32>
    %erf3A_378 = math.erf %mul3A_377 : vector<4x512x256xf32>
    %add3A_379 = arith.constant 1.000000e+00 : f32
    %add3A_380 = vector.broadcast %add3A_379 : f32 to vector<4x512x256xf32>
    %add3A_381 = arith.addf %add3A_380, %erf3A_378 : vector<4x512x256xf32>
    %mul3A_382 = arith.mulf %mul3A_374, %add3A_381 : vector<4x512x256xf32>
    %convert_element_type3A_383 = arith.truncf %mul3A_382 : vector<4x512x256xf32> to vector<4x512x256xbf16>
    %convert_element_type3A_384 = arith.extf %convert_element_type3A_383 : vector<4x512x256xbf16> to vector<4x512x256xf32>
    %broadcast_in_dim3A_385 = vector.shape_cast %convert_element_type3A_344 : vector<256xf32> to vector<1x1x256xf32>
    %mul3A_386 = vector.broadcast %broadcast_in_dim3A_385 : vector<1x1x256xf32> to vector<4x512x256xf32>
    %mul3A_387 = arith.mulf %convert_element_type3A_384, %mul3A_386 : vector<4x512x256xf32>
    %reduce_sum3A_388 = arith.constant dense<0.000000e+00> : vector<4x512xf32>
    %reduce_sum3A_389 = vector.multi_reduction <add>, %mul3A_387, %reduce_sum3A_388 [2] : vector<4x512x256xf32> to vector<4x512xf32>
    %add3A_390 = vector.broadcast %convert_element_type3A_7 : f32 to vector<4x512xf32>
    %add3A_391 = arith.addf %reduce_sum3A_389, %add3A_390 : vector<4x512xf32>
    %swap3A_392 = arith.constant 0 : index
    %swap3A_393 = arith.constant 0 : index
    %swap3A_394 = arith.constant 5 : index
    %swap3A_395 = arith.constant 0 : index
    %swap3A_396 = vector.load %arg7[%swap3A_392, %swap3A_393, %swap3A_394, %swap3A_395] : memref<4x1x8x512xf32, #tpu.memory_space<vmem>>, vector<4x1x1x512xf32>
    %swap3A_397 = vector.shape_cast %swap3A_396 : vector<4x1x1x512xf32> to vector<4x512xf32>
    %swap3A_398 = vector.shape_cast %add3A_391 : vector<4x512xf32> to vector<4x1x1x512xf32>
    tpu.vector_store %arg7[%swap3A_392, %swap3A_393, %swap3A_394, %swap3A_395], %swap3A_398 {strides = array<i32>} : memref<4x1x8x512xf32, #tpu.memory_space<vmem>>, vector<4x1x1x512xf32>,
    %get3A_399 = arith.constant 6 : index
    %get3A_400 = arith.constant 0 : index
    %get3A_401 = arith.constant 0 : index
    %get3A_402 = vector.load %arg1[%get3A_399, %get3A_400, %get3A_401] : memref<8x1x256xf32, #tpu.memory_space<vmem>>, vector<1x1x256xf32>
    %get3A_403 = vector.shape_cast %get3A_402 : vector<1x1x256xf32> to vector<256xf32>
    %get3A_404 = arith.constant 6 : index
    %get3A_405 = arith.constant 0 : index
    %get3A_406 = arith.constant 0 : index
    %get3A_407 = vector.load %arg2[%get3A_404, %get3A_405, %get3A_406] : memref<8x1x256xf32, #tpu.memory_space<vmem>>, vector<1x1x256xf32>
    %get3A_408 = vector.shape_cast %get3A_407 : vector<1x1x256xf32> to vector<256xf32>
    %convert_element_type3A_409 = arith.truncf %get3A_408 : vector<256xf32> to vector<256xbf16>
    %convert_element_type3A_410 = arith.extf %convert_element_type3A_409 : vector<256xbf16> to vector<256xf32>
    %get3A_411 = arith.constant 0 : index
    %get3A_412 = arith.constant 1536 : index
    %get3A_413 = vector.load %arg3[%get3A_411, %get3A_412] : memref<1x2048xf32, #tpu.memory_space<vmem>>, vector<1x256xf32>
    %get3A_414 = vector.shape_cast %get3A_413 : vector<1x256xf32> to vector<256xf32>
    %get3A_415 = arith.constant 0 : index
    %get3A_416 = arith.constant 0 : index
    %get3A_417 = arith.constant 6 : index
    %get3A_418 = arith.constant 0 : index
    %get3A_419 = vector.load %arg5[%get3A_415, %get3A_416, %get3A_417, %get3A_418] : memref<4x1x8x512xf32, #tpu.memory_space<vmem>>, vector<4x1x1x512xf32>
    %get3A_420 = vector.shape_cast %get3A_419 : vector<4x1x1x512xf32> to vector<4x512xf32>
    %get3A_421 = arith.constant 0 : index
    %get3A_422 = arith.constant 0 : index
    %get3A_423 = arith.constant 6 : index
    %get3A_424 = arith.constant 0 : index
    %get3A_425 = vector.load %arg6[%get3A_421, %get3A_422, %get3A_423, %get3A_424] : memref<4x8x8x512xf32, #tpu.memory_space<vmem>>, vector<4x8x1x512xf32>
    %get3A_426 = vector.shape_cast %get3A_425 : vector<4x8x1x512xf32> to vector<4x8x512xf32>
    %reduce_sum3A_427 = arith.constant dense<0.000000e+00> : vector<4x512xf32>
    %reduce_sum3A_428 = vector.multi_reduction <add>, %get3A_426, %reduce_sum3A_427 [1] : vector<4x8x512xf32> to vector<4x512xf32>
    %add3A_429 = arith.addf %get3A_420, %reduce_sum3A_428 : vector<4x512xf32>
    %broadcast_in_dim3A_430 = vector.shape_cast %add3A_429 : vector<4x512xf32> to vector<4x512x1xf32>
    %broadcast_in_dim3A_431 = vector.shape_cast %get3A_403 : vector<256xf32> to vector<1x1x256xf32>
    %mul3A_432 = vector.broadcast %broadcast_in_dim3A_430 : vector<4x512x1xf32> to vector<4x512x256xf32>
    %mul3A_433 = vector.broadcast %broadcast_in_dim3A_431 : vector<1x1x256xf32> to vector<4x512x256xf32>
    %mul3A_434 = arith.mulf %mul3A_432, %mul3A_433 : vector<4x512x256xf32>
    %broadcast_in_dim3A_435 = vector.shape_cast %get3A_414 : vector<256xf32> to vector<1x1x256xf32>
    %add3A_436 = vector.broadcast %broadcast_in_dim3A_435 : vector<1x1x256xf32> to vector<4x512x256xf32>
    %add3A_437 = arith.addf %mul3A_434, %add3A_436 : vector<4x512x256xf32>
    %mul3A_438 = arith.constant 5.000000e-01 : f32
    %mul3A_439 = vector.broadcast %mul3A_438 : f32 to vector<4x512x256xf32>
    %mul3A_440 = arith.mulf %mul3A_439, %add3A_437 : vector<4x512x256xf32>
    %mul3A_441 = arith.constant 0.707106769 : f32
    %mul3A_442 = vector.broadcast %mul3A_441 : f32 to vector<4x512x256xf32>
    %mul3A_443 = arith.mulf %add3A_437, %mul3A_442 : vector<4x512x256xf32>
    %erf3A_444 = math.erf %mul3A_443 : vector<4x512x256xf32>
    %add3A_445 = arith.constant 1.000000e+00 : f32
    %add3A_446 = vector.broadcast %add3A_445 : f32 to vector<4x512x256xf32>
    %add3A_447 = arith.addf %add3A_446, %erf3A_444 : vector<4x512x256xf32>
    %mul3A_448 = arith.mulf %mul3A_440, %add3A_447 : vector<4x512x256xf32>
    %convert_element_type3A_449 = arith.truncf %mul3A_448 : vector<4x512x256xf32> to vector<4x512x256xbf16>
    %convert_element_type3A_450 = arith.extf %convert_element_type3A_449 : vector<4x512x256xbf16> to vector<4x512x256xf32>
    %broadcast_in_dim3A_451 = vector.shape_cast %convert_element_type3A_410 : vector<256xf32> to vector<1x1x256xf32>
    %mul3A_452 = vector.broadcast %broadcast_in_dim3A_451 : vector<1x1x256xf32> to vector<4x512x256xf32>
    %mul3A_453 = arith.mulf %convert_element_type3A_450, %mul3A_452 : vector<4x512x256xf32>
    %reduce_sum3A_454 = arith.constant dense<0.000000e+00> : vector<4x512xf32>
    %reduce_sum3A_455 = vector.multi_reduction <add>, %mul3A_453, %reduce_sum3A_454 [2] : vector<4x512x256xf32> to vector<4x512xf32>
    %add3A_456 = vector.broadcast %convert_element_type3A_7 : f32 to vector<4x512xf32>
    %add3A_457 = arith.addf %reduce_sum3A_455, %add3A_456 : vector<4x512xf32>
    %swap3A_458 = arith.constant 0 : index
    %swap3A_459 = arith.constant 0 : index
    %swap3A_460 = arith.constant 6 : index
    %swap3A_461 = arith.constant 0 : index
    %swap3A_462 = vector.load %arg7[%swap3A_458, %swap3A_459, %swap3A_460, %swap3A_461] : memref<4x1x8x512xf32, #tpu.memory_space<vmem>>, vector<4x1x1x512xf32>
    %swap3A_463 = vector.shape_cast %swap3A_462 : vector<4x1x1x512xf32> to vector<4x512xf32>
    %swap3A_464 = vector.shape_cast %add3A_457 : vector<4x512xf32> to vector<4x1x1x512xf32>
    tpu.vector_store %arg7[%swap3A_458, %swap3A_459, %swap3A_460, %swap3A_461], %swap3A_464 {strides = array<i32>} : memref<4x1x8x512xf32, #tpu.memory_space<vmem>>, vector<4x1x1x512xf32>,
    %get3A_465 = arith.constant 7 : index
    %get3A_466 = arith.constant 0 : index
    %get3A_467 = arith.constant 0 : index
    %get3A_468 = vector.load %arg1[%get3A_465, %get3A_466, %get3A_467] : memref<8x1x256xf32, #tpu.memory_space<vmem>>, vector<1x1x256xf32>
    %get3A_469 = vector.shape_cast %get3A_468 : vector<1x1x256xf32> to vector<256xf32>
    %get3A_470 = arith.constant 7 : index
    %get3A_471 = arith.constant 0 : index
    %get3A_472 = arith.constant 0 : index
    %get3A_473 = vector.load %arg2[%get3A_470, %get3A_471, %get3A_472] : memref<8x1x256xf32, #tpu.memory_space<vmem>>, vector<1x1x256xf32>
    %get3A_474 = vector.shape_cast %get3A_473 : vector<1x1x256xf32> to vector<256xf32>
    %convert_element_type3A_475 = arith.truncf %get3A_474 : vector<256xf32> to vector<256xbf16>
    %convert_element_type3A_476 = arith.extf %convert_element_type3A_475 : vector<256xbf16> to vector<256xf32>
    %get3A_477 = arith.constant 0 : index
    %get3A_478 = arith.constant 1792 : index
    %get3A_479 = vector.load %arg3[%get3A_477, %get3A_478] : memref<1x2048xf32, #tpu.memory_space<vmem>>, vector<1x256xf32>
    %get3A_480 = vector.shape_cast %get3A_479 : vector<1x256xf32> to vector<256xf32>
    %get3A_481 = arith.constant 0 : index
    %get3A_482 = arith.constant 0 : index
    %get3A_483 = arith.constant 7 : index
    %get3A_484 = arith.constant 0 : index
    %get3A_485 = vector.load %arg5[%get3A_481, %get3A_482, %get3A_483, %get3A_484] : memref<4x1x8x512xf32, #tpu.memory_space<vmem>>, vector<4x1x1x512xf32>
    %get3A_486 = vector.shape_cast %get3A_485 : vector<4x1x1x512xf32> to vector<4x512xf32>
    %get3A_487 = arith.constant 0 : index
    %get3A_488 = arith.constant 0 : index
    %get3A_489 = arith.constant 7 : index
    %get3A_490 = arith.constant 0 : index
    %get3A_491 = vector.load %arg6[%get3A_487, %get3A_488, %get3A_489, %get3A_490] : memref<4x8x8x512xf32, #tpu.memory_space<vmem>>, vector<4x8x1x512xf32>
    %get3A_492 = vector.shape_cast %get3A_491 : vector<4x8x1x512xf32> to vector<4x8x512xf32>
    %reduce_sum3A_493 = arith.constant dense<0.000000e+00> : vector<4x512xf32>
    %reduce_sum3A_494 = vector.multi_reduction <add>, %get3A_492, %reduce_sum3A_493 [1] : vector<4x8x512xf32> to vector<4x512xf32>
    %add3A_495 = arith.addf %get3A_486, %reduce_sum3A_494 : vector<4x512xf32>
    %broadcast_in_dim3A_496 = vector.shape_cast %add3A_495 : vector<4x512xf32> to vector<4x512x1xf32>
    %broadcast_in_dim3A_497 = vector.shape_cast %get3A_469 : vector<256xf32> to vector<1x1x256xf32>
    %mul3A_498 = vector.broadcast %broadcast_in_dim3A_496 : vector<4x512x1xf32> to vector<4x512x256xf32>
    %mul3A_499 = vector.broadcast %broadcast_in_dim3A_497 : vector<1x1x256xf32> to vector<4x512x256xf32>
    %mul3A_500 = arith.mulf %mul3A_498, %mul3A_499 : vector<4x512x256xf32>
    %broadcast_in_dim3A_501 = vector.shape_cast %get3A_480 : vector<256xf32> to vector<1x1x256xf32>
    %add3A_502 = vector.broadcast %broadcast_in_dim3A_501 : vector<1x1x256xf32> to vector<4x512x256xf32>
    %add3A_503 = arith.addf %mul3A_500, %add3A_502 : vector<4x512x256xf32>
    %mul3A_504 = arith.constant 5.000000e-01 : f32
    %mul3A_505 = vector.broadcast %mul3A_504 : f32 to vector<4x512x256xf32>
    %mul3A_506 = arith.mulf %mul3A_505, %add3A_503 : vector<4x512x256xf32>
    %mul3A_507 = arith.constant 0.707106769 : f32
    %mul3A_508 = vector.broadcast %mul3A_507 : f32 to vector<4x512x256xf32>
    %mul3A_509 = arith.mulf %add3A_503, %mul3A_508 : vector<4x512x256xf32>
    %erf3A_510 = math.erf %mul3A_509 : vector<4x512x256xf32>
    %add3A_511 = arith.constant 1.000000e+00 : f32
    %add3A_512 = vector.broadcast %add3A_511 : f32 to vector<4x512x256xf32>
    %add3A_513 = arith.addf %add3A_512, %erf3A_510 : vector<4x512x256xf32>
    %mul3A_514 = arith.mulf %mul3A_506, %add3A_513 : vector<4x512x256xf32>
    %convert_element_type3A_515 = arith.truncf %mul3A_514 : vector<4x512x256xf32> to vector<4x512x256xbf16>
    %convert_element_type3A_516 = arith.extf %convert_element_type3A_515 : vector<4x512x256xbf16> to vector<4x512x256xf32>
    %broadcast_in_dim3A_517 = vector.shape_cast %convert_element_type3A_476 : vector<256xf32> to vector<1x1x256xf32>
    %mul3A_518 = vector.broadcast %broadcast_in_dim3A_517 : vector<1x1x256xf32> to vector<4x512x256xf32>
    %mul3A_519 = arith.mulf %convert_element_type3A_516, %mul3A_518 : vector<4x512x256xf32>
    %reduce_sum3A_520 = arith.constant dense<0.000000e+00> : vector<4x512xf32>
    %reduce_sum3A_521 = vector.multi_reduction <add>, %mul3A_519, %reduce_sum3A_520 [2] : vector<4x512x256xf32> to vector<4x512xf32>
    %add3A_522 = vector.broadcast %convert_element_type3A_7 : f32 to vector<4x512xf32>
    %add3A_523 = arith.addf %reduce_sum3A_521, %add3A_522 : vector<4x512xf32>
    %swap3A_524 = arith.constant 0 : index
    %swap3A_525 = arith.constant 0 : index
    %swap3A_526 = arith.constant 7 : index
    %swap3A_527 = arith.constant 0 : index
    %swap3A_528 = vector.load %arg7[%swap3A_524, %swap3A_525, %swap3A_526, %swap3A_527] : memref<4x1x8x512xf32, #tpu.memory_space<vmem>>, vector<4x1x1x512xf32>
    %swap3A_529 = vector.shape_cast %swap3A_528 : vector<4x1x1x512xf32> to vector<4x512xf32>
    %swap3A_530 = vector.shape_cast %add3A_523 : vector<4x512xf32> to vector<4x1x1x512xf32>
    tpu.vector_store %arg7[%swap3A_524, %swap3A_525, %swap3A_526, %swap3A_527], %swap3A_530 {strides = array<i32>} : memref<4x1x8x512xf32, #tpu.memory_space<vmem>>, vector<4x1x1x512xf32>,
    return
  }
  func.func @transform_0(%arg0: i32) -> (i32, i32, i32) {
    %c0_i32 = arith.constant 0 : i32
    %c0_i32_0 = arith.constant 0 : i32
    %c0_i32_1 = arith.constant 0 : i32
    %c0_i32_2 = arith.constant 0 : i32
    return %c0_i32, %c0_i32_0, %c0_i32_1 : i32, i32, i32
  }
  func.func @transform_1(%arg0: i32) -> (i32, i32, i32) {
    %c0_i32 = arith.constant 0 : i32
    %c0_i32_0 = arith.constant 0 : i32
    %c0_i32_1 = arith.constant 0 : i32
    %c0_i32_2 = arith.constant 0 : i32
    return %c0_i32, %c0_i32_0, %c0_i32_1 : i32, i32, i32
  }
  func.func @transform_2(%arg0: i32) -> (i32, i32) {
    %c0_i32 = arith.constant 0 : i32
    %c0_i32_0 = arith.constant 0 : i32
    %c0_i32_1 = arith.constant 0 : i32
    return %c0_i32, %c0_i32_0 : i32, i32
  }
  func.func @transform_3(%arg0: i32) -> (i32, i32) {
    %c0_i32 = arith.constant 0 : i32
    %c0_i32_0 = arith.constant 0 : i32
    %c0_i32_1 = arith.constant 0 : i32
    return %c0_i32, %c0_i32_0 : i32, i32
  }
  func.func @transform_4(%arg0: i32) -> (i32, i32, i32, i32) {
    %c0_i32 = arith.constant 0 : i32
    %c0_i32_0 = arith.constant 0 : i32
    %c0_i32_1 = arith.constant 0 : i32
    %c0_i32_2 = arith.constant 0 : i32
    %c0_i32_3 = arith.constant 0 : i32
    return %c0_i32, %c0_i32_0, %c0_i32_1, %c0_i32_2 : i32, i32, i32, i32
  }
  func.func @transform_5(%arg0: i32) -> (i32, i32, i32, i32) {
    %c0_i32 = arith.constant 0 : i32
    %c0_i32_0 = arith.constant 0 : i32
    %c0_i32_1 = arith.constant 0 : i32
    %c0_i32_2 = arith.constant 0 : i32
    %c0_i32_3 = arith.constant 0 : i32
    return %c0_i32, %c0_i32_0, %c0_i32_1, %c0_i32_2 : i32, i32, i32, i32
  }
  func.func @transform_6(%arg0: i32) -> (i32, i32, i32, i32) {
    %c0_i32 = arith.constant 0 : i32
    %c0_i32_0 = arith.constant 0 : i32
    %c0_i32_1 = arith.constant 0 : i32
    %c0_i32_2 = arith.constant 0 : i32
    %c0_i32_3 = arith.constant 0 : i32
    return %c0_i32, %c0_i32_0, %c0_i32_1, %c0_i32_2 : i32, i32, i32, i32
  }
}

</mosaic_0001>

<sc_bundles>
// kernel: kernel.7.cloned.1.call-start
scs
__scs_entry_jumppad:
0x0: {  	(pc) =	sbr.rel $0x88, $3  }
0x1: {  	(tag) =	ssettag $0x0;
	lr =	simm.s32 $0x1  }
0x2: {  	[smem:$0x3F9A] =	sst lr;
	_ =	strace $0xD0000000  }
0x3: {  	_ = 	snop  }
0x4: {  	_ = 	snop  }
0x5: {  	_ = 	snop  }
0x6: {  	_ = 	snop  }
0x7: {  	_ = 	snop  }
__scs_overlays_trampoline_lowered:
0x8: {  	[smem:$0x3FA9] =	sst s0  }
0x9: {  	[smem:$0x3FAA] =	sst s1  }
0xa: {  	[smem:$0x3FAB] =	sst s2  }
0xb: {  	[smem:$0x3FAC] =	sst s3  }
0xc: {  	[smem:$0x3FAD] =	sst s4  }
0xd: {  	[smem:$0x3FAE] =	sst s5  }
0xe: {  	[smem:$0x3FAF] =	sst s6  }
0xf: {  	[smem:$0x3FB0] =	sst s7  }
0x10: {  	[smem:$0x3FB1] =	sst s8  }
0x11: {  	[smem:$0x3FB2] =	sst s9;
	s0 =	simm.s32 @!p0 $0x0  }
0x12: {  	s1 =	sld [smem:$0x3F98];
	s0 =	simm.s32 @p0 $0x1  }
0x13: {  	[smem:$0x3FB3] =	sst s0;
	s0 =	simm.s32 @!p1 $0x0  }
0x14: {  	s2 =	sld [smem:$0x3F97];
	s0 =	simm.s32 @p1 $0x1  }
0x15: {  	[smem:$0x3FB4] =	sst s0;
	s0 =	simm.s32 @!p2 $0x0  }
0x16: {  	s3 =	sld [smem:$0x3FDB];
	s0 =	simm.s32 @p2 $0x1  }
0x17: {  	s4 =	simm.s32 $0x1BF5;
	[smem:$0x3FB6] =	sst s0  }
0x18: {  	s0 =	sld [smem:$0x3F99];
	_ =	swait.ge [sflag:s4], $0x0  }
0x19: {  	s7 =	sld [smem:$0x3F9A]  }
0x1a: {  	s8 =	sadd.s32 $0xFFFFE003, lr  }
0x1b: {  	s9 =	sadd.s32 $0xFFFFFEF7, lr;
	s5 =	simm.s32 $0xFFFFFFFF;
	p2 =	slt.u32 s8, $0xFFFFF086  }
0x1c: {  	p1 =	slt.u32 s9, $0xF7A;
	s5 =	simm.s32 @!p2 $0x0  }
0x1d: {  	s5 =	simm.s32 @p1 $0x1;
	p0 =	seq.s32 s7, s2  }
0x1e: {  	s7 =	smul.u32 @!p0 $0xF7A, s2;
	p2 =	seq.s32 @!p0 s5, $0x0  }
0x1f: {  	s9 =	smul.u32 $0xF7A, s1;
	s8 =	simm.s32 @!p0 $0x1BF5;
	p2 =	por !p2, p0  }
0x20: {  	[sflag:s8] =	ssyncset.s32 @!p0 $0xFFFFF086;
	s6 =	sadd.s32 @!p0 s3, s7;
	s7 =	simm.s32 @!p0 $0x108  }
0x21: {  	s3 =	sadd.s32 s3, s9;
	s6 =	sadd.s32 @!p0 $0x88, s6;
	s7 =	simm.s32 @p2 $0x1082  }
0x22: {  	[simem:s7], [sflag:s8] =	dma.local @!p0 [hbm:s6], $0xF7A  }
0x23: {  	s9 =	sor.u32 $0xD0000000, s2;
	s6 =	simm.s32 $0x108;
	_ =	swait.ge @!p0 [sflag:s8], $0x0  }
0x24: {  	s3 =	sadd.s32 $0x88, s3;
	s6 =	simm.s32 @!p1 $0x1082;
	[sflag:s4] =	ssyncset.s32 $0xFFFFF086  }
0x25: {  	[simem:s6], [sflag:s4] =	dma.local [hbm:s3], $0xF7A  }
0x26: {  	[smem:$0x3F9A] =	sst s1;
	(tag) =	ssettag s2;
	_ =	strace s9  }
0x27: {  	s1 =	sld [smem:$0x3FAA]  }
0x28: {  	s2 =	sld [smem:$0x3FAB]  }
0x29: {  	s4 =	sld [smem:$0x3FAD]  }
0x2a: {  	p0 =	seq.s32 s5, $0x0;
	s5 =	sld [smem:$0x3FAE]  }
0x2b: {  	s6 =	sld [smem:$0x3FAF]  }
0x2c: {  	s7 =	sld [smem:$0x3FB0]  }
0x2d: {  	s3 =	simm.s32 $0x108;
	s8 =	sld [smem:$0x3FB1]  }
0x2e: {  	s3 =	simm.s32 @!p0 $0x1082;
	s9 =	sld [smem:$0x3FB2]  }
0x2f: {  	lr =	sadd.s32 s0, s3;
	s0 =	sld [smem:$0x3FA9]  }
0x30: {  	s3 =	sld [smem:$0x3FAC]  }
0x31: {  	[smem:$0x3FB5] =	sst s10  }
0x32: {  	s10 =	sld [smem:$0x3FB3];
	_ =	sdelay $0x3  }
0x33: {  	p0 =	seq.s32 s10, $0x1;
	s10 =	sld [smem:$0x3FB5];
	_ =	sdelay $0x3  }
0x34: {  	[smem:$0x3FB5] =	sst s10  }
0x35: {  	s10 =	sld [smem:$0x3FB4];
	_ =	sdelay $0x3  }
0x36: {  	p1 =	seq.s32 s10, $0x1;
	s10 =	sld [smem:$0x3FB5];
	_ =	sdelay $0x3  }
0x37: {  	[smem:$0x3FB5] =	sst s10  }
0x38: {  	s10 =	sld [smem:$0x3FB6]  }
0x39: {  	_ = 	snop;
	(pc) =	sbr.ind lr, $3  }
0x3a: {  	_ = 	snop  }
0x3b: {  	_ = 	snop  }
0x3c: {  	p2 =	seq.s32 s10, $0x1;
	s10 =	sld [smem:$0x3FB5]  }
0x3d: {  	_ =	shalt  }
0x3e: {  	_ =	shalt  }
0x3f: {  	_ =	shalt  }
0x40: {  	_ =	shalt  }
0x41: {  	_ =	shalt  }
0x42: {  	_ =	shalt  }
0x43: {  	_ =	shalt  }
0x44: {  	_ =	shalt  }
0x45: {  	_ =	shalt  }
0x46: {  	_ =	shalt  }
0x47: {  	_ =	shalt  }
0x48: {  	_ =	shalt  }
0x49: {  	_ =	shalt  }
0x4a: {  	_ =	shalt  }
0x4b: {  	_ =	shalt  }
0x4c: {  	_ =	shalt  }
0x4d: {  	_ =	shalt  }
0x4e: {  	_ =	shalt  }
0x4f: {  	_ =	shalt  }
0x50: {  	_ =	shalt  }
0x51: {  	_ =	shalt  }
0x52: {  	_ =	shalt  }
0x53: {  	_ =	shalt  }
0x54: {  	_ =	shalt  }
0x55: {  	_ =	shalt  }
0x56: {  	_ =	shalt  }
0x57: {  	_ =	shalt  }
0x58: {  	_ =	shalt  }
0x59: {  	_ =	shalt  }
0x5a: {  	_ =	shalt  }
0x5b: {  	_ =	shalt  }
0x5c: {  	_ =	shalt  }
0x5d: {  	_ =	shalt  }
0x5e: {  	_ =	shalt  }
0x5f: {  	_ =	shalt  }
0x60: {  	_ =	shalt  }
0x61: {  	_ =	shalt  }
0x62: {  	_ =	shalt  }
0x63: {  	_ =	shalt  }
0x64: {  	_ =	shalt  }
0x65: {  	_ =	shalt  }
0x66: {  	_ =	shalt  }
0x67: {  	_ =	shalt  }
0x68: {  	_ =	shalt  }
0x69: {  	_ =	shalt  }
0x6a: {  	_ =	shalt  }
0x6b: {  	_ =	shalt  }
0x6c: {  	_ =	shalt  }
0x6d: {  	_ =	shalt  }
0x6e: {  	_ =	shalt  }
0x6f: {  	_ =	shalt  }
0x70: {  	_ =	shalt  }
0x71: {  	_ =	shalt  }
0x72: {  	_ =	shalt  }
0x73: {  	_ =	shalt  }
0x74: {  	_ =	shalt  }
0x75: {  	_ =	shalt  }
0x76: {  	_ =	shalt  }
0x77: {  	_ =	shalt  }
0x78: {  	_ =	shalt  }
0x79: {  	_ =	shalt  }
0x7a: {  	_ =	shalt  }
0x7b: {  	_ =	shalt  }
0x7c: {  	_ =	shalt  }
0x7d: {  	_ =	shalt  }
0x7e: {  	_ =	shalt  }
0x7f: {  	_ =	shalt  }
0x80: {  	_ =	shalt  }
0x81: {  	_ =	shalt  }
0x82: {  	_ =	shalt  }
0x83: {  	_ =	shalt  }
0x84: {  	_ =	shalt  }
0x85: {  	_ =	shalt  }
0x86: {  	_ =	shalt  }
0x87: {  	_ =	shalt  }
.Lfunc_end0:
.L_simem_size_0:
called_computation_lowered:
.L_overlay_start_0:
0x88: {  	s2 =	sld [smem:$0x3FD9]  }
0x89: {  	s3 =	sld [smem:$0x3FFE];
	_ =	sdelay $0x1  }
0x8a: {  	s1 =	srdreg.scid  }
0x8b: {  	s0 =	sand.u32 $0x1, s1  }
0x8c: {  	s17 =	sshll.u32 s0, $0xA;
	s2 =	sadd.s32 s3, s2  }
0x8d: {  	s2 =	sadd.s32 s2, s17  }
0x8e: {  	[smem:$0x3FC1] =	sst s2  }
0x8f: {  	_ = 	snop  }
0x90: {  	s2 =	sld [smem:$0x3FC9]  }
0x91: {  	s18 =	sld [smem:$0x3FC8];
	(tm) =	ssettm $0x1  }
0x92: {  	s4 =	sld [smem:$0x3FFB];
	_ =	sdelay $0x3  }
0x93: {  	_ =	strace s4  }
0x94: {  	s4 =	sld [smem:$0x3FFC];
	_ =	sdelay $0x3  }
0x95: {  	_ =	strace s4  }
0x96: {  	s4 =	sld [smem:$0x3FFD];
	_ =	sdelay $0x3  }
0x97: {  	_ =	strace s4  }
0x98: {  	_ =	strace $0x8FFFFFFF  }
0x99: {  	s19 =	sld [smem:$0x3FDB];
	_ =	sdelay $0x1  }
0x9a: {  	s5 =	simm.s32 $_scs_section_size  }
0x9b: {  	s6 =	simm.s32 $_size__tile_overlayer_lowered;
	s7 =	simm.s32 $_tile_overlayer_lowered  }
0x9c: {  	s22 =	simm.s32 $0x1BFF;
	s21 =	sshll.u32 s7, $0x1;
	s4 =	sadd.s32 s5, s19  }
0x9d: {  	s8 =	simm.s32 $0x0;
	s20 =	sshll.u32 s6, $0x1;
	s6 =	sadd.s32 s21, s4  }
0x9e: {  	[timem:s8], [sflag:s22] =	dma.local [hbm:s6], s20  }
0x9f: {  	_ =	swait.ge [sflag:s22], s20  }
0xa0: {  	s5 =	ssub.s32 $0x0, s20;
	[sflag:s22] =	ssyncset.done $0x0  }
0xa1: {  	[sflag:s22] =	ssyncadd.s32 s5;
	_ =	sdelay $0x1  }
0xa2: {  	s23 =	simm.s32 $0x1B8B  }
0xa3: {  	_ =	swait.ge [sflag:s23], $0x1  }
0xa4: {  	[sflag:s23] =	ssyncset.done $0x0  }
0xa5: {  	s25 =	simm.s32 $0x1B8E;
	s24 =	sld [smem:$0x3FFE];
	[sflag:s23] =	ssyncadd.s32 $0xFFFFFFFF  }
0xa6: {  	s26 =	simm.s32 $execute0_lowered;
	[smem:$0x3FD2] =	sst s25  }
0xa7: {  	s6 =	sshll.u32 s26, $0x1;
	_ =	strace $0x80000046;
	[dreg:$0x1] =	wrdreg $0xFFFFFFFF  }
0xa8: {  	s28 =	simm.s32 $_size_execute0_lowered;
	s4 =	sadd.s32 s4, s6;
	[dreg:$0x0] =	wrdreg $0x0  }
0xa9: {  	s6 =	sshll.u32 s28, $0x1;
	[dreg:$0x2] =	wrdreg s4  }
0xaa: {  	[dreg:$0x3] =	wrdreg s6  }
0xab: {  	[dreg:$0x4] =	wrdreg $0xC0  }
0xac: {  	_ =	task [dreg:s8], $0x5FFFF  }
0xad: {  	[dreg:$0x1] =	wrdreg $0xFFFFFFFF  }
0xae: {  	[dreg:$0x0] =	wrdreg $0x60  }
0xaf: {  	[dreg:$0x2] =	wrdreg s2  }
0xb0: {  	[dreg:$0x3] =	wrdreg s18  }
0xb1: {  	[dreg:$0x4] =	wrdreg s24  }
0xb2: {  	[dreg:$0x5] =	wrdreg $0x9  }
0xb3: {  	_ =	task.clear_ibuf [dreg:s8], $0x6FFFF;
	_ =	strace $0x90000046  }
0xb4: {  	s29 =	simm.s32 $0x9;
	_ =	strace $0x80000048  }
0xb5: {  	_ =	swait.ge [sflag:s29], $0x1  }
0xb6: {  	[sflag:s29] =	ssyncadd.s32 $0xFFFFFFFF  }
0xb7: {  	_ =	strace $0x90000048  }
0xb8: {  	_ =	sfence  }
0xb9: {  	s30 =	sld [smem:$0x0];
	_ =	sdelay $0x2  }
0xba: {  	s31 =	sshll.u32 s1, $0xD;
	s1 =	sshrl.u32 s1, $0x2  }
0xbb: {  	s3 =	sand.u32 $0x4000, s31;
	s1 =	sadd.s32 s1, s30  }
0xbc: {  	s0 =	sor.u32 s3, s0;
	s1 =	sshll.u32 s1, $0x11  }
0xbd: {  	s0 =	sor.u32 s1, s0  }
0xbe: {  	s0 =	sadd.s32 $0x8F2B, s0  }
0xbf: {  	[sflag:s0] =	ssyncadd.remote.s32 $0x1  }
0xc0: {  	_ =	sfence.sel $0xFFFF  }
0xc1: {  	[dreg:$0x0] =	wrdreg $0xFFFFFFFF;
	(pc) =	sbr.abs _section_cstart, $3  }
0xc2: {  	[dreg:$0x1] =	wrdreg $0xFFFFFFFF  }
0xc3: {  	_ =	task.clear_ibuf [dreg:s8], $0x2FFFF;
	_ =	strace $0x9FFFFFFF  }
0xc4: {  	(tm) =	ssettm $0x7FFFFFFF  }
0xc5: {  	_ =	shalt  }
tec
execute0_lowered:
.L_overlay_start_1:
0x0: {  	(tag) =	ssettag $0x1  }
0x1: {  	s4 =	rddreg [dreg:$0x0]  }
0x2: {  	s5 =	rddreg [dreg:$0x1]  }
0x3: {  	s3 =	rddreg [dreg:$0x2];
	v0 =	vimm.s32 $0xEFCDAB89  }
0x4: {  	s0 =	rddreg [dreg:$0x3];
	s1 =	simm.s32 $0x0;
	v1 =	vimm.s32 $0x67452301;
	s2 =	stileid.u32;
	v2 =	vimm.s32 $0xDCFE98BA;
	v3 =	vimm.s32 $0x54761032  }
0x5: {  	s6 =	srdreg.scid;
	v4 =	vimm.s32 $0xBA98FEDC;
	v5 =	vimm.s32 $0xFEDCBA98;
	s11 =	simm.s32 $0x0;
	[smem:$0x7FF] =	sst s1  }
0x6: {  	v6 =	vimm.s32 $0x32107654;
	v7 =	vimm.s32 $0x76543210;
	v0 =	vunpack.c.l.s4.s8 v0;
	s7 =	sshrl.u32 s2, $0x2;
	s6 =	sand.u32 $0x1, s6;
	s8 =	sshll.u32 s2, $0x1  }
0x7: {  	v1 =	vunpack.c.l.s4.s8 v1;
	v2 =	vunpack.c.l.s4.s8 v2;
	v3 =	vunpack.c.l.s4.s8 v3;
	_ =	strace $0x80000047;
	s9 =	sshll.u32 s7, $0xC;
	s10 =	ssub.s32 $0x2, s6  }
0x8: {  	v5 =	vunpack.c.l.s4.s8 v5;
	v4 =	vunpack.c.l.s4.s8 v4;
	v6 =	vunpack.c.l.s4.s8 v6;
	s8 =	sand.u32 $0x6, s8;
	s31 =	sshll.u32 s7, $0x13;
	s7 =	sshll.u32 s7, $0x14  }
0x9: {  	v7 =	vunpack.c.l.s4.s8 v7;
	v0 =	vunpack.c.0.s8.s32 v0;
	v1 =	vunpack.c.0.s8.s32 v1;
	s9 =	sadd.s32 s9, s3;
	s28 =	sshrl.u32 s10, $0x1;
	s6 =	sor.u32 s6, s8  }
0xa: {  	v2 =	vunpack.c.0.s8.s32 v2;
	v3 =	vunpack.c.0.s8.s32 v3;
	v5 =	vunpack.c.0.s8.s32 v5;
	s4 =	sadd.s32 s4, s31;
	s5 =	sadd.s32 s5, s7;
	s8 =	simm.s32 $0x1  }
0xb: {  	v4 =	vunpack.c.0.s8.s32 v4;
	v6 =	vunpack.c.0.s8.s32 v6;
	v7 =	vunpack.c.0.s8.s32 v7;
	s29 =	ssub.s32 s10, s28;
	s30 =	sshll.u32 s6, $0x5;
	s6 =	sshll.u32 s6, $0x9  }
0xc: {  	s10 =	simm.s32 $0xC000;
	s3 =	sor.u32 $0x700, s30;
	s6 =	sadd.s32 s6, s9;
	v0 =	vcombine.low v1, v0;
	v1 =	vcombine.low v3, v2;
	v5 =	vand.u32 $0xF, v5  }
0xd: {  	s7 =	smax.u32 s29, $0x1;
	v2 =	vcombine.low v6, v4;
	v3 =	vimm.f32 $0.0e+00;
	s9 =	simm.s32 $0x4000;
	s6 =	sadd.s32 $0xE00, s6;
	v4 =	vcombine.low v5, v7  }
.LBB2_1:
0xe: {  	s12 =	sand.u32 $0x70, s1;
	s13 =	sand.u32 $0xC00, s1  }
0xf: {  	s12 =	sor.u32 s12, s13  }
0x10: {  	s14 =	simm.s32 $0x0;
	s13 =	simm.s32 $0x10;
	[tilespmem:s12+$0xC000] =	vst v3  }
.LBB2_2:
0x11: {  	p0 =	sne.s32 s13, $0x1F0  }
.Ltmp0:
0x12: {  	_ = 	snop;
	(pc) =	sbr.rel @p0 .LBB2_2-.Ltmp0, $4  }
0x13: {  	s14 =	sadd.s32 $0x80, s14  }
0x14: {  	s12 =	sand.u32 $0x70, s13;
	s15 =	sand.u32 $0xC00, s14  }
0x15: {  	s12 =	sor.u32 s12, s15  }
0x16: {  	s13 =	sadd.s32 $0x10, s13;
	[tilespmem:s12+$0xC000] =	vst v3;
	s12 =	simm.s32 $0x0  }
0x17: {  	s13 =	sand.u32 $0x70, s12;
	s14 =	sand.u32 $0xC00, s12  }
0x18: {  	s13 =	sor.u32 s13, s14  }
0x19: {  	s15 =	simm.s32 $0x0;
	s14 =	simm.s32 $0x10;
	[tilespmem:s13+$0xC080] =	vst v3  }
.LBB2_4:
0x1a: {  	p0 =	sne.s32 s14, $0x1F0  }
.Ltmp1:
0x1b: {  	_ = 	snop;
	(pc) =	sbr.rel @p0 .LBB2_4-.Ltmp1, $4  }
0x1c: {  	s15 =	sadd.s32 $0x80, s15  }
0x1d: {  	s16 =	sand.u32 $0x70, s14;
	s17 =	sand.u32 $0xC00, s15  }
0x1e: {  	s16 =	sor.u32 s16, s17  }
0x1f: {  	s14 =	sadd.s32 $0x10, s14;
	[tilespmem:s16+$0xC080] =	vst v3  }
0x20: {  	s14 =	simm.s32 $0x10;
	[tilespmem:s13+$0xC100] =	vst v3  }
.LBB2_6:
0x21: {  	p0 =	sne.s32 s14, $0x1F0  }
.Ltmp2:
0x22: {  	_ = 	snop;
	(pc) =	sbr.rel @p0 .LBB2_6-.Ltmp2, $4  }
0x23: {  	s12 =	sadd.s32 $0x80, s12  }
0x24: {  	s13 =	sand.u32 $0x70, s14;
	s15 =	sand.u32 $0xC00, s12  }
0x25: {  	s13 =	sor.u32 s13, s15  }
0x26: {  	s14 =	sadd.s32 $0x10, s14;
	[tilespmem:s13+$0xC100] =	vst v3;
	s13 =	simm.s32 $0x0  }
0x27: {  	s12 =	sand.u32 $0x70, s13;
	s14 =	sand.u32 $0xC00, s13  }
0x28: {  	s12 =	sor.u32 s12, s14  }
0x29: {  	s15 =	simm.s32 $0x0;
	s14 =	simm.s32 $0x10;
	[tilespmem:s12+$0xC180] =	vst v3  }
.LBB2_8:
0x2a: {  	p0 =	sne.s32 s14, $0x1F0  }
.Ltmp3:
0x2b: {  	_ = 	snop;
	(pc) =	sbr.rel @p0 .LBB2_8-.Ltmp3, $4  }
0x2c: {  	s15 =	sadd.s32 $0x80, s15  }
0x2d: {  	s16 =	sand.u32 $0x70, s14;
	s17 =	sand.u32 $0xC00, s15  }
0x2e: {  	s16 =	sor.u32 s16, s17  }
0x2f: {  	s14 =	sadd.s32 $0x10, s14;
	[tilespmem:s16+$0xC180] =	vst v3  }
0x30: {  	s15 =	simm.s32 $0x10;
	[tilespmem:s12+$0xC200] =	vst v3  }
.LBB2_10:
0x31: {  	p0 =	sne.s32 s15, $0x1F0  }
.Ltmp4:
0x32: {  	_ = 	snop;
	(pc) =	sbr.rel @p0 .LBB2_10-.Ltmp4, $4  }
0x33: {  	s13 =	sadd.s32 $0x80, s13  }
0x34: {  	s12 =	sand.u32 $0x70, s15;
	s14 =	sand.u32 $0xC00, s13  }
0x35: {  	s12 =	sor.u32 s12, s14  }
0x36: {  	s15 =	sadd.s32 $0x10, s15;
	s14 =	simm.s32 $0x0;
	[tilespmem:s12+$0xC200] =	vst v3  }
0x37: {  	s12 =	sand.u32 $0x70, s14;
	s13 =	sand.u32 $0xC00, s14  }
0x38: {  	s12 =	sor.u32 s12, s13  }
0x39: {  	s15 =	simm.s32 $0x0;
	s13 =	simm.s32 $0x10;
	[tilespmem:s12+$0xC280] =	vst v3  }
.LBB2_12:
0x3a: {  	p0 =	sne.s32 s13, $0x1F0  }
.Ltmp5:
0x3b: {  	_ = 	snop;
	(pc) =	sbr.rel @p0 .LBB2_12-.Ltmp5, $4  }
0x3c: {  	s15 =	sadd.s32 $0x80, s15  }
0x3d: {  	s16 =	sand.u32 $0x70, s13;
	s17 =	sand.u32 $0xC00, s15  }
0x3e: {  	s16 =	sor.u32 s16, s17  }
0x3f: {  	s13 =	sadd.s32 $0x10, s13;
	[tilespmem:s16+$0xC280] =	vst v3  }
0x40: {  	s13 =	simm.s32 $0x10;
	[tilespmem:s12+$0xC300] =	vst v3  }
.LBB2_14:
0x41: {  	p0 =	sne.s32 s13, $0x1F0  }
.Ltmp6:
0x42: {  	_ = 	snop;
	(pc) =	sbr.rel @p0 .LBB2_14-.Ltmp6, $4  }
0x43: {  	s14 =	sadd.s32 $0x80, s14  }
0x44: {  	s12 =	sand.u32 $0x70, s13;
	s15 =	sand.u32 $0xC00, s14  }
0x45: {  	s12 =	sor.u32 s12, s15  }
0x46: {  	s13 =	sadd.s32 $0x10, s13;
	[tilespmem:s12+$0xC300] =	vst v3;
	s12 =	simm.s32 $0x0  }
0x47: {  	s14 =	sor.u32 s12, s12  }
0x48: {  	s13 =	simm.s32 $0x10;
	s15 =	sor.u32 $0x380, s14;
	s14 =	simm.s32 $0x0  }
.LBB2_16:
0x49: {  	p0 =	sne.s32 s13, $0x1F0  }
0x4a: {  	[tilespmem:s15+$0xC000] =	vst v3;
	s14 =	sadd.s32 $0x80, s14;
	s15 =	smov.u32 s13;
	s13 =	sadd.s32 $0x10, s13  }
.Ltmp7:
0x4b: {  	(pc) =	sbr.rel @p0 .LBB2_16-.Ltmp7, $3  }
0x4c: {  	_ =	sdelay $0x1  }
0x4d: {  	s15 =	sor.u32 s14, s15  }
0x4e: {  	s15 =	sor.u32 $0x380, s15  }
0x4f: {  	[tilespmem:s15+$0xC000] =	vst v3  }
.LBB2_18:
0x50: {  	s13 =	sshll.u32 s12, $0x3  }
0x51: {  	s14 =	sadd.s32 s3, s13  }
0x52: {  	s13 =	sshll.u32 s14, $0x8  }
0x53: {  	s15 =	sadd.s32 s13, s4;
	s13 =	simm.s32 $0x0  }
0x54: {  	[tilespmem:s13], [sflag:$0x1] =	stream.linear.gather [hbm4b:s15+s13], $0x4000, $0x38;
	[tilespmem:$0xD000] =	vst v63  }
0x55: {  	_ =	swait.ge [sflag:s8], $0x4000  }
0x56: {  	s14 =	sshll.u32 s14, $0x9;
	[sflag:s8] =	ssyncset.done $0x0  }
0x57: {  	s14 =	sadd.s32 s14, s5;
	[sflag:s8] =	ssyncadd.s32 $0xFFFFC000  }
0x58: {  	[tilespmem:s9], [sflag:$0x1] =	stream.linear.gather [hbm4b:s14+s13], $0x8000, $0x38;
	[tilespmem:$0xD000] =	vst v63  }
0x59: {  	_ =	swait.ge [sflag:s8], $0x8000  }
0x5a: {  	[sflag:s8] =	ssyncset.done $0x0  }
0x5b: {  	s14 =	simm.s32 $0x0;
	[sflag:s8] =	ssyncadd.s32 $0xFFFF8000  }
.LBB2_19:
0x5c: {  	s15 =	sshll.u32 s14, $0x7  }
0x5d: {  	v5 =	vmov s15;
	_ =	sdelay $0x2  }
0x5e: {  	s30 =	sand.u32 $0x40, s13;
	s16 =	sand.u32 $0x3C00, s13  }
0x5f: {  	s19 =	sor.u32 s30, s16  }
0x60: {  	v8 =	vld.idx.msk [tilespmem:v5+s19+$0x0 ss:$0x1], $0xffff;
	_ =	sdelay $0x1  }
0x61: {  	v6 =	vld.idx.msk [tilespmem:v5+s19+$0x10 ss:$0x1], $0xffff;
	_ =	sdelay $0x1  }
0x62: {  	v9 =	vimm.f32 $0.0e+00;
	s31 =	simm.s32 $0x40;
	s15 =	simm.s32 $0x200;
	v7 =	vld.idx.msk [tilespmem:v5+s19+$0x20 ss:$0x1], $0xffff  }
0x63: {  	s17 =	sand.u32 $0x40, s31;
	s16 =	simm.s32 $0x80;
	s18 =	sand.u32 $0x3C00, s15;
	v9 =	vadd.f32 v8, v9;
	v8 =	vld.idx.msk [tilespmem:v5+s19+$0x30 ss:$0x1], $0xffff  }
.LBB2_20:
0x64: {  	p0 =	sne.s32 s16, $0x7C0;
	s19 =	sor.u32 s17, s18  }
0x65: {  	v10 =	vld.idx.msk [tilespmem:v5+s19+$0x0 ss:$0x1], $0xffff;
	v9 =	vadd.f32 v6, v9;
	_ =	sdelay $0x1  }
.Ltmp8:
0x66: {  	v6 =	vld.idx.msk [tilespmem:v5+s19+$0x10 ss:$0x1], $0xffff;
	v9 =	vadd.f32 v7, v9;
	(pc) =	sbr.rel @p0 .LBB2_20-.Ltmp8, $4  }
0x67: {  	_ = 	snop  }
0x68: {  	v7 =	vld.idx.msk [tilespmem:v5+s19+$0x20 ss:$0x1], $0xffff;
	v8 =	vadd.f32 v8, v9  }
0x69: {  	s15 =	sadd.s32 $0x200, s15  }
0x6a: {  	s17 =	sand.u32 $0x40, s16;
	s16 =	sadd.s32 $0x40, s16;
	s18 =	sand.u32 $0x3C00, s15;
	v9 =	vadd.f32 v10, v8;
	v8 =	vld.idx.msk [tilespmem:v5+s19+$0x30 ss:$0x1], $0xffff  }
0x6b: {  	_ =	sdelay $0x2  }
0x6c: {  	s15 =	sor.u32 s17, s18;
	v6 =	vadd.f32 v6, v9  }
0x6d: {  	v61 =	vld.idx.msk [tilespmem:v5+s15+$0x0 ss:$0x1], $0xffff  }
0x6e: {  	v6 =	vadd.f32 v7, v6  }
0x6f: {  	v7 =	vld.idx.msk [tilespmem:v5+s15+$0x10 ss:$0x1], $0xffff  }
0x70: {  	v6 =	vadd.f32 v8, v6  }
0x71: {  	v62 =	vld.idx.msk [tilespmem:v5+s15+$0x20 ss:$0x1], $0xffff  }
0x72: {  	v6 =	vadd.f32 v61, v6  }
0x73: {  	v5 =	vld.idx.msk [tilespmem:v5+s15+$0x30 ss:$0x1], $0xffff  }
0x74: {  	v6 =	vadd.f32 v7, v6;
	_ =	sdelay $0x1  }
0x75: {  	v6 =	vadd.f32 v62, v6;
	_ =	sdelay $0x1  }
0x76: {  	v5 =	vadd.f32 v5, v6;
	_ =	sdelay $0x1  }
0x77: {  	v6 =	vperm.xlane v5, v0;
	_ =	sdelay $0x1  }
0x78: {  	v5 =	vadd.f32 v6, v5;
	_ =	sdelay $0x1  }
0x79: {  	v6 =	vperm.xlane v5, v1;
	_ =	sdelay $0x1  }
0x7a: {  	v5 =	vadd.f32 v6, v5;
	_ =	sdelay $0x1  }
0x7b: {  	v6 =	vperm.xlane v5, v2  }
0x7c: {  	s31 =	sshll.u32 s14, $0xC  }
0x7d: {  	s15 =	sand.u32 $0x3FFFF000, s31;
	v5 =	vadd.f32 v6, v5  }
0x7e: {  	v6 =	vld [tilespmem:s15+$0x4000]  }
0x7f: {  	v7 =	vperm.xlane v5, v4  }
0x80: {  	v63 =	vld [tilespmem:$0xC000]  }
0x81: {  	v5 =	vadd.f32 v7, v5;
	_ =	sdelay $0x1  }
0x82: {  	v6 =	vmul.f32 v6, v5;
	_ =	sdelay $0x1  }
0x83: {  	v6 =	vadd.f32 v6, v63;
	_ =	sdelay $0x1  }
0x84: {  	[tilespmem:$0xC000] =	vst v6  }
0x85: {  	v6 =	vld [tilespmem:s15+$0x4010];
	_ =	sdelay $0x1  }
0x86: {  	v7 =	vld [tilespmem:$0xC010];
	_ =	sdelay $0x2  }
0x87: {  	v6 =	vmul.f32 v6, v5;
	_ =	sdelay $0x1  }
0x88: {  	v6 =	vadd.f32 v6, v7;
	_ =	sdelay $0x1  }
0x89: {  	[tilespmem:$0xC010] =	vst v6  }
0x8a: {  	v6 =	vld [tilespmem:s15+$0x4020];
	_ =	sdelay $0x1  }
0x8b: {  	v7 =	vld [tilespmem:$0xC020];
	_ =	sdelay $0x2  }
0x8c: {  	v6 =	vmul.f32 v6, v5;
	_ =	sdelay $0x1  }
0x8d: {  	v6 =	vadd.f32 v6, v7;
	_ =	sdelay $0x1  }
0x8e: {  	[tilespmem:$0xC020] =	vst v6  }
0x8f: {  	v6 =	vld [tilespmem:s15+$0x4030];
	_ =	sdelay $0x1  }
0x90: {  	v7 =	vld [tilespmem:$0xC030];
	_ =	sdelay $0x2  }
0x91: {  	v6 =	vmul.f32 v6, v5;
	_ =	sdelay $0x1  }
0x92: {  	v6 =	vadd.f32 v6, v7;
	_ =	sdelay $0x1  }
0x93: {  	[tilespmem:$0xC030] =	vst v6  }
0x94: {  	v6 =	vld [tilespmem:s15+$0x4040];
	_ =	sdelay $0x1  }
0x95: {  	v7 =	vld [tilespmem:$0xC040];
	_ =	sdelay $0x2  }
0x96: {  	v6 =	vmul.f32 v6, v5;
	_ =	sdelay $0x1  }
0x97: {  	v6 =	vadd.f32 v6, v7;
	_ =	sdelay $0x1  }
0x98: {  	[tilespmem:$0xC040] =	vst v6  }
0x99: {  	v6 =	vld [tilespmem:s15+$0x4050];
	_ =	sdelay $0x1  }
0x9a: {  	v7 =	vld [tilespmem:$0xC050];
	_ =	sdelay $0x2  }
0x9b: {  	v6 =	vmul.f32 v6, v5;
	_ =	sdelay $0x1  }
0x9c: {  	v6 =	vadd.f32 v6, v7;
	_ =	sdelay $0x1  }
0x9d: {  	[tilespmem:$0xC050] =	vst v6  }
0x9e: {  	v6 =	vld [tilespmem:s15+$0x4060];
	_ =	sdelay $0x1  }
0x9f: {  	v7 =	vld [tilespmem:$0xC060];
	_ =	sdelay $0x2  }
0xa0: {  	v6 =	vmul.f32 v6, v5;
	_ =	sdelay $0x1  }
0xa1: {  	v6 =	vadd.f32 v6, v7;
	_ =	sdelay $0x1  }
0xa2: {  	[tilespmem:$0xC060] =	vst v6  }
0xa3: {  	v6 =	vld [tilespmem:s15+$0x4070];
	_ =	sdelay $0x1  }
0xa4: {  	v7 =	vld [tilespmem:$0xC070];
	_ =	sdelay $0x2  }
0xa5: {  	v6 =	vmul.f32 v6, v5;
	_ =	sdelay $0x1  }
0xa6: {  	v6 =	vadd.f32 v6, v7;
	_ =	sdelay $0x1  }
0xa7: {  	[tilespmem:$0xC070] =	vst v6  }
0xa8: {  	v6 =	vld [tilespmem:s15+$0x4400];
	_ =	sdelay $0x1  }
0xa9: {  	v7 =	vld [tilespmem:$0xC400];
	_ =	sdelay $0x2  }
0xaa: {  	v6 =	vmul.f32 v6, v5;
	_ =	sdelay $0x1  }
0xab: {  	v6 =	vadd.f32 v6, v7;
	_ =	sdelay $0x1  }
0xac: {  	[tilespmem:$0xC400] =	vst v6  }
0xad: {  	v6 =	vld [tilespmem:s15+$0x4410];
	_ =	sdelay $0x1  }
0xae: {  	v7 =	vld [tilespmem:$0xC410];
	_ =	sdelay $0x2  }
0xaf: {  	v6 =	vmul.f32 v6, v5;
	_ =	sdelay $0x1  }
0xb0: {  	v6 =	vadd.f32 v6, v7;
	_ =	sdelay $0x1  }
0xb1: {  	[tilespmem:$0xC410] =	vst v6  }
0xb2: {  	v6 =	vld [tilespmem:s15+$0x4420];
	_ =	sdelay $0x1  }
0xb3: {  	v7 =	vld [tilespmem:$0xC420];
	_ =	sdelay $0x2  }
0xb4: {  	v6 =	vmul.f32 v6, v5;
	_ =	sdelay $0x1  }
0xb5: {  	v6 =	vadd.f32 v6, v7;
	_ =	sdelay $0x1  }
0xb6: {  	[tilespmem:$0xC420] =	vst v6  }
0xb7: {  	v6 =	vld [tilespmem:s15+$0x4430];
	_ =	sdelay $0x1  }
0xb8: {  	v7 =	vld [tilespmem:$0xC430];
	_ =	sdelay $0x2  }
0xb9: {  	v6 =	vmul.f32 v6, v5;
	_ =	sdelay $0x1  }
0xba: {  	v6 =	vadd.f32 v6, v7;
	_ =	sdelay $0x1  }
0xbb: {  	[tilespmem:$0xC430] =	vst v6  }
0xbc: {  	v6 =	vld [tilespmem:s15+$0x4440];
	_ =	sdelay $0x1  }
0xbd: {  	v7 =	vld [tilespmem:$0xC440];
	_ =	sdelay $0x2  }
0xbe: {  	v6 =	vmul.f32 v6, v5;
	_ =	sdelay $0x1  }
0xbf: {  	v6 =	vadd.f32 v6, v7;
	_ =	sdelay $0x1  }
0xc0: {  	[tilespmem:$0xC440] =	vst v6  }
0xc1: {  	v6 =	vld [tilespmem:s15+$0x4450];
	_ =	sdelay $0x1  }
0xc2: {  	v7 =	vld [tilespmem:$0xC450];
	_ =	sdelay $0x2  }
0xc3: {  	v6 =	vmul.f32 v6, v5;
	_ =	sdelay $0x1  }
0xc4: {  	v6 =	vadd.f32 v6, v7;
	_ =	sdelay $0x1  }
0xc5: {  	[tilespmem:$0xC450] =	vst v6  }
0xc6: {  	v6 =	vld [tilespmem:s15+$0x4460];
	_ =	sdelay $0x1  }
0xc7: {  	v7 =	vld [tilespmem:$0xC460];
	_ =	sdelay $0x2  }
0xc8: {  	v6 =	vmul.f32 v6, v5;
	_ =	sdelay $0x1  }
0xc9: {  	v6 =	vadd.f32 v6, v7;
	_ =	sdelay $0x1  }
0xca: {  	[tilespmem:$0xC460] =	vst v6  }
0xcb: {  	v6 =	vld [tilespmem:s15+$0x4470];
	_ =	sdelay $0x1  }
0xcc: {  	v7 =	vld [tilespmem:$0xC470];
	_ =	sdelay $0x2  }
0xcd: {  	v6 =	vmul.f32 v6, v5;
	_ =	sdelay $0x1  }
0xce: {  	v6 =	vadd.f32 v6, v7;
	_ =	sdelay $0x1  }
0xcf: {  	[tilespmem:$0xC470] =	vst v6  }
0xd0: {  	v6 =	vld [tilespmem:s15+$0x4800];
	_ =	sdelay $0x1  }
0xd1: {  	v7 =	vld [tilespmem:$0xC800];
	_ =	sdelay $0x2  }
0xd2: {  	v6 =	vmul.f32 v6, v5;
	_ =	sdelay $0x1  }
0xd3: {  	v6 =	vadd.f32 v6, v7;
	_ =	sdelay $0x1  }
0xd4: {  	[tilespmem:$0xC800] =	vst v6  }
0xd5: {  	v6 =	vld [tilespmem:s15+$0x4810];
	_ =	sdelay $0x1  }
0xd6: {  	v7 =	vld [tilespmem:$0xC810];
	_ =	sdelay $0x2  }
0xd7: {  	v6 =	vmul.f32 v6, v5;
	_ =	sdelay $0x1  }
0xd8: {  	v6 =	vadd.f32 v6, v7;
	_ =	sdelay $0x1  }
0xd9: {  	[tilespmem:$0xC810] =	vst v6  }
0xda: {  	v6 =	vld [tilespmem:s15+$0x4820];
	_ =	sdelay $0x1  }
0xdb: {  	v7 =	vld [tilespmem:$0xC820];
	_ =	sdelay $0x2  }
0xdc: {  	v6 =	vmul.f32 v6, v5;
	_ =	sdelay $0x1  }
0xdd: {  	v6 =	vadd.f32 v6, v7;
	_ =	sdelay $0x1  }
0xde: {  	[tilespmem:$0xC820] =	vst v6  }
0xdf: {  	v6 =	vld [tilespmem:s15+$0x4830];
	_ =	sdelay $0x1  }
0xe0: {  	v7 =	vld [tilespmem:$0xC830];
	_ =	sdelay $0x2  }
0xe1: {  	v6 =	vmul.f32 v6, v5;
	_ =	sdelay $0x1  }
0xe2: {  	v6 =	vadd.f32 v6, v7;
	_ =	sdelay $0x1  }
0xe3: {  	[tilespmem:$0xC830] =	vst v6  }
0xe4: {  	v6 =	vld [tilespmem:s15+$0x4840];
	_ =	sdelay $0x1  }
0xe5: {  	v7 =	vld [tilespmem:$0xC840];
	_ =	sdelay $0x2  }
0xe6: {  	v6 =	vmul.f32 v6, v5;
	_ =	sdelay $0x1  }
0xe7: {  	v6 =	vadd.f32 v6, v7;
	_ =	sdelay $0x1  }
0xe8: {  	[tilespmem:$0xC840] =	vst v6  }
0xe9: {  	v6 =	vld [tilespmem:s15+$0x4850];
	_ =	sdelay $0x1  }
0xea: {  	v7 =	vld [tilespmem:$0xC850];
	_ =	sdelay $0x2  }
0xeb: {  	v6 =	vmul.f32 v6, v5;
	_ =	sdelay $0x1  }
0xec: {  	v6 =	vadd.f32 v6, v7;
	_ =	sdelay $0x1  }
0xed: {  	[tilespmem:$0xC850] =	vst v6  }
0xee: {  	v6 =	vld [tilespmem:s15+$0x4860];
	_ =	sdelay $0x1  }
0xef: {  	v7 =	vld [tilespmem:$0xC860];
	_ =	sdelay $0x2  }
0xf0: {  	v6 =	vmul.f32 v6, v5;
	_ =	sdelay $0x1  }
0xf1: {  	v6 =	vadd.f32 v6, v7;
	_ =	sdelay $0x1  }
0xf2: {  	[tilespmem:$0xC860] =	vst v6  }
0xf3: {  	v6 =	vld [tilespmem:s15+$0x4870];
	_ =	sdelay $0x1  }
0xf4: {  	v7 =	vld [tilespmem:$0xC870];
	_ =	sdelay $0x2  }
0xf5: {  	v6 =	vmul.f32 v6, v5;
	_ =	sdelay $0x1  }
0xf6: {  	v6 =	vadd.f32 v6, v7;
	_ =	sdelay $0x1  }
0xf7: {  	[tilespmem:$0xC870] =	vst v6  }
0xf8: {  	v6 =	vld [tilespmem:s15+$0x4C00];
	_ =	sdelay $0x1  }
0xf9: {  	v7 =	vld [tilespmem:$0xCC00];
	_ =	sdelay $0x2  }
0xfa: {  	v6 =	vmul.f32 v6, v5;
	_ =	sdelay $0x1  }
0xfb: {  	v6 =	vadd.f32 v6, v7;
	_ =	sdelay $0x1  }
0xfc: {  	[tilespmem:$0xCC00] =	vst v6  }
0xfd: {  	v6 =	vld [tilespmem:s15+$0x4C10];
	_ =	sdelay $0x1  }
0xfe: {  	v7 =	vld [tilespmem:$0xCC10];
	_ =	sdelay $0x2  }
0xff: {  	v6 =	vmul.f32 v6, v5;
	_ =	sdelay $0x1  }
0x100: {  	v6 =	vadd.f32 v6, v7;
	_ =	sdelay $0x1  }
0x101: {  	[tilespmem:$0xCC10] =	vst v6  }
0x102: {  	v6 =	vld [tilespmem:s15+$0x4C20];
	_ =	sdelay $0x1  }
0x103: {  	v7 =	vld [tilespmem:$0xCC20];
	_ =	sdelay $0x2  }
0x104: {  	v6 =	vmul.f32 v6, v5;
	_ =	sdelay $0x1  }
0x105: {  	v6 =	vadd.f32 v6, v7;
	_ =	sdelay $0x1  }
0x106: {  	[tilespmem:$0xCC20] =	vst v6  }
0x107: {  	v6 =	vld [tilespmem:s15+$0x4C30];
	_ =	sdelay $0x1  }
0x108: {  	v7 =	vld [tilespmem:$0xCC30];
	_ =	sdelay $0x2  }
0x109: {  	v6 =	vmul.f32 v6, v5;
	_ =	sdelay $0x1  }
0x10a: {  	v6 =	vadd.f32 v6, v7;
	_ =	sdelay $0x1  }
0x10b: {  	[tilespmem:$0xCC30] =	vst v6  }
0x10c: {  	v6 =	vld [tilespmem:s15+$0x4C40];
	_ =	sdelay $0x1  }
0x10d: {  	v7 =	vld [tilespmem:$0xCC40];
	_ =	sdelay $0x2  }
0x10e: {  	v6 =	vmul.f32 v6, v5;
	_ =	sdelay $0x1  }
0x10f: {  	v6 =	vadd.f32 v6, v7;
	_ =	sdelay $0x1  }
0x110: {  	[tilespmem:$0xCC40] =	vst v6  }
0x111: {  	v6 =	vld [tilespmem:s15+$0x4C50];
	_ =	sdelay $0x1  }
0x112: {  	v7 =	vld [tilespmem:$0xCC50];
	_ =	sdelay $0x2  }
0x113: {  	v6 =	vmul.f32 v6, v5;
	_ =	sdelay $0x1  }
0x114: {  	v6 =	vadd.f32 v6, v7;
	_ =	sdelay $0x1  }
0x115: {  	[tilespmem:$0xCC50] =	vst v6  }
0x116: {  	v6 =	vld [tilespmem:s15+$0x4C60];
	_ =	sdelay $0x1  }
0x117: {  	v7 =	vld [tilespmem:$0xCC60];
	_ =	sdelay $0x2  }
0x118: {  	v6 =	vmul.f32 v6, v5;
	_ =	sdelay $0x1  }
0x119: {  	v6 =	vadd.f32 v6, v7;
	_ =	sdelay $0x1  }
0x11a: {  	[tilespmem:$0xCC60] =	vst v6  }
0x11b: {  	v6 =	vld [tilespmem:s15+$0x4C70];
	_ =	sdelay $0x1  }
0x11c: {  	v7 =	vld [tilespmem:$0xCC70];
	_ =	sdelay $0x2  }
0x11d: {  	v6 =	vmul.f32 v6, v5;
	_ =	sdelay $0x1  }
0x11e: {  	v6 =	vadd.f32 v6, v7;
	_ =	sdelay $0x1  }
0x11f: {  	[tilespmem:$0xCC70] =	vst v6  }
0x120: {  	v6 =	vld [tilespmem:s15+$0x4080];
	_ =	sdelay $0x1  }
0x121: {  	v7 =	vld [tilespmem:$0xC080];
	_ =	sdelay $0x2  }
0x122: {  	v6 =	vmul.f32 v6, v5;
	_ =	sdelay $0x1  }
0x123: {  	v6 =	vadd.f32 v6, v7;
	_ =	sdelay $0x1  }
0x124: {  	[tilespmem:$0xC080] =	vst v6  }
0x125: {  	v6 =	vld [tilespmem:s15+$0x4090];
	_ =	sdelay $0x1  }
0x126: {  	v7 =	vld [tilespmem:$0xC090];
	_ =	sdelay $0x2  }
0x127: {  	v6 =	vmul.f32 v6, v5;
	_ =	sdelay $0x1  }
0x128: {  	v6 =	vadd.f32 v6, v7;
	_ =	sdelay $0x1  }
0x129: {  	[tilespmem:$0xC090] =	vst v6  }
0x12a: {  	v6 =	vld [tilespmem:s15+$0x40A0];
	_ =	sdelay $0x1  }
0x12b: {  	v7 =	vld [tilespmem:$0xC0A0];
	_ =	sdelay $0x2  }
0x12c: {  	v6 =	vmul.f32 v6, v5;
	_ =	sdelay $0x1  }
0x12d: {  	v6 =	vadd.f32 v6, v7;
	_ =	sdelay $0x1  }
0x12e: {  	[tilespmem:$0xC0A0] =	vst v6  }
0x12f: {  	v6 =	vld [tilespmem:s15+$0x40B0];
	_ =	sdelay $0x1  }
0x130: {  	v7 =	vld [tilespmem:$0xC0B0];
	_ =	sdelay $0x2  }
0x131: {  	v6 =	vmul.f32 v6, v5;
	_ =	sdelay $0x1  }
0x132: {  	v6 =	vadd.f32 v6, v7;
	_ =	sdelay $0x1  }
0x133: {  	[tilespmem:$0xC0B0] =	vst v6  }
0x134: {  	v6 =	vld [tilespmem:s15+$0x40C0];
	_ =	sdelay $0x1  }
0x135: {  	v7 =	vld [tilespmem:$0xC0C0];
	_ =	sdelay $0x2  }
0x136: {  	v6 =	vmul.f32 v6, v5;
	_ =	sdelay $0x1  }
0x137: {  	v6 =	vadd.f32 v6, v7;
	_ =	sdelay $0x1  }
0x138: {  	[tilespmem:$0xC0C0] =	vst v6  }
0x139: {  	v6 =	vld [tilespmem:s15+$0x40D0];
	_ =	sdelay $0x1  }
0x13a: {  	v7 =	vld [tilespmem:$0xC0D0];
	_ =	sdelay $0x2  }
0x13b: {  	v6 =	vmul.f32 v6, v5;
	_ =	sdelay $0x1  }
0x13c: {  	v6 =	vadd.f32 v6, v7;
	_ =	sdelay $0x1  }
0x13d: {  	[tilespmem:$0xC0D0] =	vst v6  }
0x13e: {  	v6 =	vld [tilespmem:s15+$0x40E0];
	_ =	sdelay $0x1  }
0x13f: {  	v7 =	vld [tilespmem:$0xC0E0];
	_ =	sdelay $0x2  }
0x140: {  	v6 =	vmul.f32 v6, v5;
	_ =	sdelay $0x1  }
0x141: {  	v6 =	vadd.f32 v6, v7;
	_ =	sdelay $0x1  }
0x142: {  	[tilespmem:$0xC0E0] =	vst v6  }
0x143: {  	v6 =	vld [tilespmem:s15+$0x40F0];
	_ =	sdelay $0x1  }
0x144: {  	v7 =	vld [tilespmem:$0xC0F0];
	_ =	sdelay $0x2  }
0x145: {  	v6 =	vmul.f32 v6, v5;
	_ =	sdelay $0x1  }
0x146: {  	v6 =	vadd.f32 v6, v7;
	_ =	sdelay $0x1  }
0x147: {  	[tilespmem:$0xC0F0] =	vst v6  }
0x148: {  	v6 =	vld [tilespmem:s15+$0x4480];
	_ =	sdelay $0x1  }
0x149: {  	v7 =	vld [tilespmem:$0xC480];
	_ =	sdelay $0x2  }
0x14a: {  	v6 =	vmul.f32 v6, v5;
	_ =	sdelay $0x1  }
0x14b: {  	v6 =	vadd.f32 v6, v7;
	_ =	sdelay $0x1  }
0x14c: {  	[tilespmem:$0xC480] =	vst v6  }
0x14d: {  	v6 =	vld [tilespmem:s15+$0x4490];
	_ =	sdelay $0x1  }
0x14e: {  	v7 =	vld [tilespmem:$0xC490];
	_ =	sdelay $0x2  }
0x14f: {  	v6 =	vmul.f32 v6, v5;
	_ =	sdelay $0x1  }
0x150: {  	v6 =	vadd.f32 v6, v7;
	_ =	sdelay $0x1  }
0x151: {  	[tilespmem:$0xC490] =	vst v6  }
0x152: {  	v6 =	vld [tilespmem:s15+$0x44A0];
	_ =	sdelay $0x1  }
0x153: {  	v7 =	vld [tilespmem:$0xC4A0];
	_ =	sdelay $0x2  }
0x154: {  	v6 =	vmul.f32 v6, v5;
	_ =	sdelay $0x1  }
0x155: {  	v6 =	vadd.f32 v6, v7;
	_ =	sdelay $0x1  }
0x156: {  	[tilespmem:$0xC4A0] =	vst v6  }
0x157: {  	v6 =	vld [tilespmem:s15+$0x44B0];
	_ =	sdelay $0x1  }
0x158: {  	v7 =	vld [tilespmem:$0xC4B0];
	_ =	sdelay $0x2  }
0x159: {  	v6 =	vmul.f32 v6, v5;
	_ =	sdelay $0x1  }
0x15a: {  	v6 =	vadd.f32 v6, v7;
	_ =	sdelay $0x1  }
0x15b: {  	[tilespmem:$0xC4B0] =	vst v6  }
0x15c: {  	v6 =	vld [tilespmem:s15+$0x44C0];
	_ =	sdelay $0x1  }
0x15d: {  	v7 =	vld [tilespmem:$0xC4C0];
	_ =	sdelay $0x2  }
0x15e: {  	v6 =	vmul.f32 v6, v5;
	_ =	sdelay $0x1  }
0x15f: {  	v6 =	vadd.f32 v6, v7;
	_ =	sdelay $0x1  }
0x160: {  	[tilespmem:$0xC4C0] =	vst v6  }
0x161: {  	v6 =	vld [tilespmem:s15+$0x44D0];
	_ =	sdelay $0x1  }
0x162: {  	v7 =	vld [tilespmem:$0xC4D0];
	_ =	sdelay $0x2  }
0x163: {  	v6 =	vmul.f32 v6, v5;
	_ =	sdelay $0x1  }
0x164: {  	v6 =	vadd.f32 v6, v7;
	_ =	sdelay $0x1  }
0x165: {  	[tilespmem:$0xC4D0] =	vst v6  }
0x166: {  	v6 =	vld [tilespmem:s15+$0x44E0];
	_ =	sdelay $0x1  }
0x167: {  	v7 =	vld [tilespmem:$0xC4E0];
	_ =	sdelay $0x2  }
0x168: {  	v6 =	vmul.f32 v6, v5;
	_ =	sdelay $0x1  }
0x169: {  	v6 =	vadd.f32 v6, v7;
	_ =	sdelay $0x1  }
0x16a: {  	[tilespmem:$0xC4E0] =	vst v6  }
0x16b: {  	v6 =	vld [tilespmem:s15+$0x44F0];
	_ =	sdelay $0x1  }
0x16c: {  	v7 =	vld [tilespmem:$0xC4F0];
	_ =	sdelay $0x2  }
0x16d: {  	v6 =	vmul.f32 v6, v5;
	_ =	sdelay $0x1  }
0x16e: {  	v6 =	vadd.f32 v6, v7;
	_ =	sdelay $0x1  }
0x16f: {  	[tilespmem:$0xC4F0] =	vst v6  }
0x170: {  	v6 =	vld [tilespmem:s15+$0x4880];
	_ =	sdelay $0x1  }
0x171: {  	v7 =	vld [tilespmem:$0xC880];
	_ =	sdelay $0x2  }
0x172: {  	v6 =	vmul.f32 v6, v5;
	_ =	sdelay $0x1  }
0x173: {  	v6 =	vadd.f32 v6, v7;
	_ =	sdelay $0x1  }
0x174: {  	[tilespmem:$0xC880] =	vst v6  }
0x175: {  	v6 =	vld [tilespmem:s15+$0x4890];
	_ =	sdelay $0x1  }
0x176: {  	v7 =	vld [tilespmem:$0xC890];
	_ =	sdelay $0x2  }
0x177: {  	v6 =	vmul.f32 v6, v5;
	_ =	sdelay $0x1  }
0x178: {  	v6 =	vadd.f32 v6, v7;
	_ =	sdelay $0x1  }
0x179: {  	[tilespmem:$0xC890] =	vst v6  }
0x17a: {  	v6 =	vld [tilespmem:s15+$0x48A0];
	_ =	sdelay $0x1  }
0x17b: {  	v7 =	vld [tilespmem:$0xC8A0];
	_ =	sdelay $0x2  }
0x17c: {  	v6 =	vmul.f32 v6, v5;
	_ =	sdelay $0x1  }
0x17d: {  	v6 =	vadd.f32 v6, v7;
	_ =	sdelay $0x1  }
0x17e: {  	[tilespmem:$0xC8A0] =	vst v6  }
0x17f: {  	v6 =	vld [tilespmem:s15+$0x48B0];
	_ =	sdelay $0x1  }
0x180: {  	v7 =	vld [tilespmem:$0xC8B0];
	_ =	sdelay $0x2  }
0x181: {  	v6 =	vmul.f32 v6, v5;
	_ =	sdelay $0x1  }
0x182: {  	v6 =	vadd.f32 v6, v7;
	_ =	sdelay $0x1  }
0x183: {  	[tilespmem:$0xC8B0] =	vst v6  }
0x184: {  	v6 =	vld [tilespmem:s15+$0x48C0];
	_ =	sdelay $0x1  }
0x185: {  	v7 =	vld [tilespmem:$0xC8C0];
	_ =	sdelay $0x2  }
0x186: {  	v6 =	vmul.f32 v6, v5;
	_ =	sdelay $0x1  }
0x187: {  	v6 =	vadd.f32 v6, v7;
	_ =	sdelay $0x1  }
0x188: {  	[tilespmem:$0xC8C0] =	vst v6  }
0x189: {  	v6 =	vld [tilespmem:s15+$0x48D0];
	_ =	sdelay $0x1  }
0x18a: {  	v7 =	vld [tilespmem:$0xC8D0];
	_ =	sdelay $0x2  }
0x18b: {  	v6 =	vmul.f32 v6, v5;
	_ =	sdelay $0x1  }
0x18c: {  	v6 =	vadd.f32 v6, v7;
	_ =	sdelay $0x1  }
0x18d: {  	[tilespmem:$0xC8D0] =	vst v6  }
0x18e: {  	v6 =	vld [tilespmem:s15+$0x48E0];
	_ =	sdelay $0x1  }
0x18f: {  	v7 =	vld [tilespmem:$0xC8E0];
	_ =	sdelay $0x2  }
0x190: {  	v6 =	vmul.f32 v6, v5;
	_ =	sdelay $0x1  }
0x191: {  	v6 =	vadd.f32 v6, v7;
	_ =	sdelay $0x1  }
0x192: {  	[tilespmem:$0xC8E0] =	vst v6  }
0x193: {  	v6 =	vld [tilespmem:s15+$0x48F0];
	_ =	sdelay $0x1  }
0x194: {  	v7 =	vld [tilespmem:$0xC8F0];
	_ =	sdelay $0x2  }
0x195: {  	v6 =	vmul.f32 v6, v5;
	_ =	sdelay $0x1  }
0x196: {  	v6 =	vadd.f32 v6, v7;
	_ =	sdelay $0x1  }
0x197: {  	[tilespmem:$0xC8F0] =	vst v6  }
0x198: {  	v6 =	vld [tilespmem:s15+$0x4C80];
	_ =	sdelay $0x1  }
0x199: {  	v7 =	vld [tilespmem:$0xCC80];
	_ =	sdelay $0x2  }
0x19a: {  	v6 =	vmul.f32 v6, v5;
	_ =	sdelay $0x1  }
0x19b: {  	v6 =	vadd.f32 v6, v7;
	_ =	sdelay $0x1  }
0x19c: {  	[tilespmem:$0xCC80] =	vst v6  }
0x19d: {  	v6 =	vld [tilespmem:s15+$0x4C90];
	_ =	sdelay $0x1  }
0x19e: {  	v7 =	vld [tilespmem:$0xCC90];
	_ =	sdelay $0x2  }
0x19f: {  	v6 =	vmul.f32 v6, v5;
	_ =	sdelay $0x1  }
0x1a0: {  	v6 =	vadd.f32 v6, v7;
	_ =	sdelay $0x1  }
0x1a1: {  	[tilespmem:$0xCC90] =	vst v6  }
0x1a2: {  	v6 =	vld [tilespmem:s15+$0x4CA0];
	_ =	sdelay $0x1  }
0x1a3: {  	v7 =	vld [tilespmem:$0xCCA0];
	_ =	sdelay $0x2  }
0x1a4: {  	v6 =	vmul.f32 v6, v5;
	_ =	sdelay $0x1  }
0x1a5: {  	v6 =	vadd.f32 v6, v7;
	_ =	sdelay $0x1  }
0x1a6: {  	[tilespmem:$0xCCA0] =	vst v6  }
0x1a7: {  	v6 =	vld [tilespmem:s15+$0x4CB0];
	_ =	sdelay $0x1  }
0x1a8: {  	v7 =	vld [tilespmem:$0xCCB0];
	_ =	sdelay $0x2  }
0x1a9: {  	v6 =	vmul.f32 v6, v5;
	_ =	sdelay $0x1  }
0x1aa: {  	v6 =	vadd.f32 v6, v7;
	_ =	sdelay $0x1  }
0x1ab: {  	[tilespmem:$0xCCB0] =	vst v6  }
0x1ac: {  	v6 =	vld [tilespmem:s15+$0x4CC0];
	_ =	sdelay $0x1  }
0x1ad: {  	v7 =	vld [tilespmem:$0xCCC0];
	_ =	sdelay $0x2  }
0x1ae: {  	v6 =	vmul.f32 v6, v5;
	_ =	sdelay $0x1  }
0x1af: {  	v6 =	vadd.f32 v6, v7;
	_ =	sdelay $0x1  }
0x1b0: {  	[tilespmem:$0xCCC0] =	vst v6  }
0x1b1: {  	v6 =	vld [tilespmem:s15+$0x4CD0];
	_ =	sdelay $0x1  }
0x1b2: {  	v7 =	vld [tilespmem:$0xCCD0];
	_ =	sdelay $0x2  }
0x1b3: {  	v6 =	vmul.f32 v6, v5;
	_ =	sdelay $0x1  }
0x1b4: {  	v6 =	vadd.f32 v6, v7;
	_ =	sdelay $0x1  }
0x1b5: {  	[tilespmem:$0xCCD0] =	vst v6  }
0x1b6: {  	v6 =	vld [tilespmem:s15+$0x4CE0];
	_ =	sdelay $0x1  }
0x1b7: {  	v7 =	vld [tilespmem:$0xCCE0];
	_ =	sdelay $0x2  }
0x1b8: {  	v6 =	vmul.f32 v6, v5;
	_ =	sdelay $0x1  }
0x1b9: {  	v6 =	vadd.f32 v6, v7;
	_ =	sdelay $0x1  }
0x1ba: {  	[tilespmem:$0xCCE0] =	vst v6  }
0x1bb: {  	v6 =	vld [tilespmem:s15+$0x4CF0];
	_ =	sdelay $0x1  }
0x1bc: {  	v7 =	vld [tilespmem:$0xCCF0];
	_ =	sdelay $0x2  }
0x1bd: {  	v6 =	vmul.f32 v6, v5;
	_ =	sdelay $0x1  }
0x1be: {  	v6 =	vadd.f32 v6, v7;
	_ =	sdelay $0x1  }
0x1bf: {  	[tilespmem:$0xCCF0] =	vst v6  }
0x1c0: {  	v6 =	vld [tilespmem:s15+$0x4100];
	_ =	sdelay $0x1  }
0x1c1: {  	v7 =	vld [tilespmem:$0xC100];
	_ =	sdelay $0x2  }
0x1c2: {  	v6 =	vmul.f32 v6, v5;
	_ =	sdelay $0x1  }
0x1c3: {  	v6 =	vadd.f32 v6, v7;
	_ =	sdelay $0x1  }
0x1c4: {  	[tilespmem:$0xC100] =	vst v6  }
0x1c5: {  	v6 =	vld [tilespmem:s15+$0x4110];
	_ =	sdelay $0x1  }
0x1c6: {  	v7 =	vld [tilespmem:$0xC110];
	_ =	sdelay $0x2  }
0x1c7: {  	v6 =	vmul.f32 v6, v5;
	_ =	sdelay $0x1  }
0x1c8: {  	v6 =	vadd.f32 v6, v7;
	_ =	sdelay $0x1  }
0x1c9: {  	[tilespmem:$0xC110] =	vst v6  }
0x1ca: {  	v6 =	vld [tilespmem:s15+$0x4120];
	_ =	sdelay $0x1  }
0x1cb: {  	v7 =	vld [tilespmem:$0xC120];
	_ =	sdelay $0x2  }
0x1cc: {  	v6 =	vmul.f32 v6, v5;
	_ =	sdelay $0x1  }
0x1cd: {  	v6 =	vadd.f32 v6, v7;
	_ =	sdelay $0x1  }
0x1ce: {  	[tilespmem:$0xC120] =	vst v6  }
0x1cf: {  	v6 =	vld [tilespmem:s15+$0x4130];
	_ =	sdelay $0x1  }
0x1d0: {  	v7 =	vld [tilespmem:$0xC130];
	_ =	sdelay $0x2  }
0x1d1: {  	v6 =	vmul.f32 v6, v5;
	_ =	sdelay $0x1  }
0x1d2: {  	v6 =	vadd.f32 v6, v7;
	_ =	sdelay $0x1  }
0x1d3: {  	[tilespmem:$0xC130] =	vst v6  }
0x1d4: {  	v6 =	vld [tilespmem:s15+$0x4140];
	_ =	sdelay $0x1  }
0x1d5: {  	v7 =	vld [tilespmem:$0xC140];
	_ =	sdelay $0x2  }
0x1d6: {  	v6 =	vmul.f32 v6, v5;
	_ =	sdelay $0x1  }
0x1d7: {  	v6 =	vadd.f32 v6, v7;
	_ =	sdelay $0x1  }
0x1d8: {  	[tilespmem:$0xC140] =	vst v6  }
0x1d9: {  	v6 =	vld [tilespmem:s15+$0x4150];
	_ =	sdelay $0x1  }
0x1da: {  	v7 =	vld [tilespmem:$0xC150];
	_ =	sdelay $0x2  }
0x1db: {  	v6 =	vmul.f32 v6, v5;
	_ =	sdelay $0x1  }
0x1dc: {  	v6 =	vadd.f32 v6, v7;
	_ =	sdelay $0x1  }
0x1dd: {  	[tilespmem:$0xC150] =	vst v6  }
0x1de: {  	v6 =	vld [tilespmem:s15+$0x4160];
	_ =	sdelay $0x1  }
0x1df: {  	v7 =	vld [tilespmem:$0xC160];
	_ =	sdelay $0x2  }
0x1e0: {  	v6 =	vmul.f32 v6, v5;
	_ =	sdelay $0x1  }
0x1e1: {  	v6 =	vadd.f32 v6, v7;
	_ =	sdelay $0x1  }
0x1e2: {  	[tilespmem:$0xC160] =	vst v6  }
0x1e3: {  	v6 =	vld [tilespmem:s15+$0x4170];
	_ =	sdelay $0x1  }
0x1e4: {  	v7 =	vld [tilespmem:$0xC170];
	_ =	sdelay $0x2  }
0x1e5: {  	v6 =	vmul.f32 v6, v5;
	_ =	sdelay $0x1  }
0x1e6: {  	v6 =	vadd.f32 v6, v7;
	_ =	sdelay $0x1  }
0x1e7: {  	[tilespmem:$0xC170] =	vst v6  }
0x1e8: {  	v6 =	vld [tilespmem:s15+$0x4500];
	_ =	sdelay $0x1  }
0x1e9: {  	v7 =	vld [tilespmem:$0xC500];
	_ =	sdelay $0x2  }
0x1ea: {  	v6 =	vmul.f32 v6, v5;
	_ =	sdelay $0x1  }
0x1eb: {  	v6 =	vadd.f32 v6, v7;
	_ =	sdelay $0x1  }
0x1ec: {  	[tilespmem:$0xC500] =	vst v6  }
0x1ed: {  	v6 =	vld [tilespmem:s15+$0x4510];
	_ =	sdelay $0x1  }
0x1ee: {  	v7 =	vld [tilespmem:$0xC510];
	_ =	sdelay $0x2  }
0x1ef: {  	v6 =	vmul.f32 v6, v5;
	_ =	sdelay $0x1  }
0x1f0: {  	v6 =	vadd.f32 v6, v7;
	_ =	sdelay $0x1  }
0x1f1: {  	[tilespmem:$0xC510] =	vst v6  }
0x1f2: {  	v6 =	vld [tilespmem:s15+$0x4520];
	_ =	sdelay $0x1  }
0x1f3: {  	v7 =	vld [tilespmem:$0xC520];
	_ =	sdelay $0x2  }
0x1f4: {  	v6 =	vmul.f32 v6, v5;
	_ =	sdelay $0x1  }
0x1f5: {  	v6 =	vadd.f32 v6, v7;
	_ =	sdelay $0x1  }
0x1f6: {  	[tilespmem:$0xC520] =	vst v6  }
0x1f7: {  	v6 =	vld [tilespmem:s15+$0x4530];
	_ =	sdelay $0x1  }
0x1f8: {  	v7 =	vld [tilespmem:$0xC530];
	_ =	sdelay $0x2  }
0x1f9: {  	v6 =	vmul.f32 v6, v5;
	_ =	sdelay $0x1  }
0x1fa: {  	v6 =	vadd.f32 v6, v7;
	_ =	sdelay $0x1  }
0x1fb: {  	[tilespmem:$0xC530] =	vst v6  }
0x1fc: {  	v6 =	vld [tilespmem:s15+$0x4540];
	_ =	sdelay $0x1  }
0x1fd: {  	v7 =	vld [tilespmem:$0xC540];
	_ =	sdelay $0x2  }
0x1fe: {  	v6 =	vmul.f32 v6, v5;
	_ =	sdelay $0x1  }
0x1ff: {  	v6 =	vadd.f32 v6, v7;
	_ =	sdelay $0x1  }
0x200: {  	[tilespmem:$0xC540] =	vst v6  }
0x201: {  	v6 =	vld [tilespmem:s15+$0x4550];
	_ =	sdelay $0x1  }
0x202: {  	v7 =	vld [tilespmem:$0xC550];
	_ =	sdelay $0x2  }
0x203: {  	v6 =	vmul.f32 v6, v5;
	_ =	sdelay $0x1  }
0x204: {  	v6 =	vadd.f32 v6, v7;
	_ =	sdelay $0x1  }
0x205: {  	[tilespmem:$0xC550] =	vst v6  }
0x206: {  	v6 =	vld [tilespmem:s15+$0x4560];
	_ =	sdelay $0x1  }
0x207: {  	v7 =	vld [tilespmem:$0xC560];
	_ =	sdelay $0x2  }
0x208: {  	v6 =	vmul.f32 v6, v5;
	_ =	sdelay $0x1  }
0x209: {  	v6 =	vadd.f32 v6, v7;
	_ =	sdelay $0x1  }
0x20a: {  	[tilespmem:$0xC560] =	vst v6  }
0x20b: {  	v6 =	vld [tilespmem:s15+$0x4570];
	_ =	sdelay $0x1  }
0x20c: {  	v7 =	vld [tilespmem:$0xC570];
	_ =	sdelay $0x2  }
0x20d: {  	v6 =	vmul.f32 v6, v5;
	_ =	sdelay $0x1  }
0x20e: {  	v6 =	vadd.f32 v6, v7;
	_ =	sdelay $0x1  }
0x20f: {  	[tilespmem:$0xC570] =	vst v6  }
0x210: {  	v6 =	vld [tilespmem:s15+$0x4900];
	_ =	sdelay $0x1  }
0x211: {  	v7 =	vld [tilespmem:$0xC900];
	_ =	sdelay $0x2  }
0x212: {  	v6 =	vmul.f32 v6, v5;
	_ =	sdelay $0x1  }
0x213: {  	v6 =	vadd.f32 v6, v7;
	_ =	sdelay $0x1  }
0x214: {  	[tilespmem:$0xC900] =	vst v6  }
0x215: {  	v6 =	vld [tilespmem:s15+$0x4910];
	_ =	sdelay $0x1  }
0x216: {  	v7 =	vld [tilespmem:$0xC910];
	_ =	sdelay $0x2  }
0x217: {  	v6 =	vmul.f32 v6, v5;
	_ =	sdelay $0x1  }
0x218: {  	v6 =	vadd.f32 v6, v7;
	_ =	sdelay $0x1  }
0x219: {  	[tilespmem:$0xC910] =	vst v6  }
0x21a: {  	v6 =	vld [tilespmem:s15+$0x4920];
	_ =	sdelay $0x1  }
0x21b: {  	v7 =	vld [tilespmem:$0xC920];
	_ =	sdelay $0x2  }
0x21c: {  	v6 =	vmul.f32 v6, v5;
	_ =	sdelay $0x1  }
0x21d: {  	v6 =	vadd.f32 v6, v7;
	_ =	sdelay $0x1  }
0x21e: {  	[tilespmem:$0xC920] =	vst v6  }
0x21f: {  	v6 =	vld [tilespmem:s15+$0x4930];
	_ =	sdelay $0x1  }
0x220: {  	v7 =	vld [tilespmem:$0xC930];
	_ =	sdelay $0x2  }
0x221: {  	v6 =	vmul.f32 v6, v5;
	_ =	sdelay $0x1  }
0x222: {  	v6 =	vadd.f32 v6, v7;
	_ =	sdelay $0x1  }
0x223: {  	[tilespmem:$0xC930] =	vst v6  }
0x224: {  	v6 =	vld [tilespmem:s15+$0x4940];
	_ =	sdelay $0x1  }
0x225: {  	v7 =	vld [tilespmem:$0xC940];
	_ =	sdelay $0x2  }
0x226: {  	v6 =	vmul.f32 v6, v5;
	_ =	sdelay $0x1  }
0x227: {  	v6 =	vadd.f32 v6, v7;
	_ =	sdelay $0x1  }
0x228: {  	[tilespmem:$0xC940] =	vst v6  }
0x229: {  	v6 =	vld [tilespmem:s15+$0x4950];
	_ =	sdelay $0x1  }
0x22a: {  	v7 =	vld [tilespmem:$0xC950];
	_ =	sdelay $0x2  }
0x22b: {  	v6 =	vmul.f32 v6, v5;
	_ =	sdelay $0x1  }
0x22c: {  	v6 =	vadd.f32 v6, v7;
	_ =	sdelay $0x1  }
0x22d: {  	[tilespmem:$0xC950] =	vst v6  }
0x22e: {  	v6 =	vld [tilespmem:s15+$0x4960];
	_ =	sdelay $0x1  }
0x22f: {  	v7 =	vld [tilespmem:$0xC960];
	_ =	sdelay $0x2  }
0x230: {  	v6 =	vmul.f32 v6, v5;
	_ =	sdelay $0x1  }
0x231: {  	v6 =	vadd.f32 v6, v7;
	_ =	sdelay $0x1  }
0x232: {  	[tilespmem:$0xC960] =	vst v6  }
0x233: {  	v6 =	vld [tilespmem:s15+$0x4970];
	_ =	sdelay $0x1  }
0x234: {  	v7 =	vld [tilespmem:$0xC970];
	_ =	sdelay $0x2  }
0x235: {  	v6 =	vmul.f32 v6, v5;
	_ =	sdelay $0x1  }
0x236: {  	v6 =	vadd.f32 v6, v7;
	_ =	sdelay $0x1  }
0x237: {  	[tilespmem:$0xC970] =	vst v6  }
0x238: {  	v6 =	vld [tilespmem:s15+$0x4D00];
	_ =	sdelay $0x1  }
0x239: {  	v7 =	vld [tilespmem:$0xCD00];
	_ =	sdelay $0x2  }
0x23a: {  	v6 =	vmul.f32 v6, v5;
	_ =	sdelay $0x1  }
0x23b: {  	v6 =	vadd.f32 v6, v7;
	_ =	sdelay $0x1  }
0x23c: {  	[tilespmem:$0xCD00] =	vst v6;
	v6 =	vld [tilespmem:$0xCD10]  }
0x23d: {  	v7 =	vld [tilespmem:s15+$0x4D10];
	_ =	sdelay $0x4  }
0x23e: {  	v7 =	vmul.f32 v7, v5;
	_ =	sdelay $0x1  }
0x23f: {  	v6 =	vadd.f32 v7, v6;
	_ =	sdelay $0x1  }
0x240: {  	[tilespmem:$0xCD10] =	vst v6  }
0x241: {  	v6 =	vld [tilespmem:s15+$0x4D20];
	_ =	sdelay $0x1  }
0x242: {  	v7 =	vld [tilespmem:$0xCD20];
	_ =	sdelay $0x2  }
0x243: {  	v6 =	vmul.f32 v6, v5;
	_ =	sdelay $0x1  }
0x244: {  	v6 =	vadd.f32 v6, v7;
	_ =	sdelay $0x1  }
0x245: {  	[tilespmem:$0xCD20] =	vst v6  }
0x246: {  	v6 =	vld [tilespmem:s15+$0x4D30];
	_ =	sdelay $0x1  }
0x247: {  	v7 =	vld [tilespmem:$0xCD30];
	_ =	sdelay $0x2  }
0x248: {  	v6 =	vmul.f32 v6, v5;
	_ =	sdelay $0x1  }
0x249: {  	v6 =	vadd.f32 v6, v7;
	_ =	sdelay $0x1  }
0x24a: {  	[tilespmem:$0xCD30] =	vst v6  }
0x24b: {  	v6 =	vld [tilespmem:s15+$0x4D40];
	_ =	sdelay $0x1  }
0x24c: {  	v7 =	vld [tilespmem:$0xCD40];
	_ =	sdelay $0x2  }
0x24d: {  	v6 =	vmul.f32 v6, v5;
	_ =	sdelay $0x1  }
0x24e: {  	v6 =	vadd.f32 v6, v7;
	_ =	sdelay $0x1  }
0x24f: {  	[tilespmem:$0xCD40] =	vst v6  }
0x250: {  	v6 =	vld [tilespmem:s15+$0x4D50];
	_ =	sdelay $0x1  }
0x251: {  	v7 =	vld [tilespmem:$0xCD50];
	_ =	sdelay $0x2  }
0x252: {  	v6 =	vmul.f32 v6, v5;
	_ =	sdelay $0x1  }
0x253: {  	v6 =	vadd.f32 v6, v7;
	_ =	sdelay $0x1  }
0x254: {  	[tilespmem:$0xCD50] =	vst v6  }
0x255: {  	v6 =	vld [tilespmem:s15+$0x4D60];
	_ =	sdelay $0x1  }
0x256: {  	v7 =	vld [tilespmem:$0xCD60];
	_ =	sdelay $0x2  }
0x257: {  	v6 =	vmul.f32 v6, v5;
	_ =	sdelay $0x1  }
0x258: {  	v6 =	vadd.f32 v6, v7;
	_ =	sdelay $0x1  }
0x259: {  	[tilespmem:$0xCD60] =	vst v6  }
0x25a: {  	v6 =	vld [tilespmem:s15+$0x4D70];
	_ =	sdelay $0x1  }
0x25b: {  	v7 =	vld [tilespmem:$0xCD70];
	_ =	sdelay $0x2  }
0x25c: {  	v6 =	vmul.f32 v6, v5;
	_ =	sdelay $0x1  }
0x25d: {  	v6 =	vadd.f32 v6, v7;
	_ =	sdelay $0x1  }
0x25e: {  	[tilespmem:$0xCD70] =	vst v6  }
0x25f: {  	v6 =	vld [tilespmem:s15+$0x4180];
	_ =	sdelay $0x1  }
0x260: {  	v7 =	vld [tilespmem:$0xC180];
	_ =	sdelay $0x2  }
0x261: {  	v6 =	vmul.f32 v6, v5;
	_ =	sdelay $0x1  }
0x262: {  	v6 =	vadd.f32 v6, v7;
	_ =	sdelay $0x1  }
0x263: {  	[tilespmem:$0xC180] =	vst v6  }
0x264: {  	v6 =	vld [tilespmem:s15+$0x4190];
	_ =	sdelay $0x1  }
0x265: {  	v7 =	vld [tilespmem:$0xC190];
	_ =	sdelay $0x2  }
0x266: {  	v6 =	vmul.f32 v6, v5;
	_ =	sdelay $0x1  }
0x267: {  	v6 =	vadd.f32 v6, v7;
	_ =	sdelay $0x1  }
0x268: {  	[tilespmem:$0xC190] =	vst v6  }
0x269: {  	v6 =	vld [tilespmem:s15+$0x41A0];
	_ =	sdelay $0x1  }
0x26a: {  	v7 =	vld [tilespmem:$0xC1A0];
	_ =	sdelay $0x2  }
0x26b: {  	v6 =	vmul.f32 v6, v5;
	_ =	sdelay $0x1  }
0x26c: {  	v6 =	vadd.f32 v6, v7;
	_ =	sdelay $0x1  }
0x26d: {  	[tilespmem:$0xC1A0] =	vst v6  }
0x26e: {  	v6 =	vld [tilespmem:s15+$0x41B0];
	_ =	sdelay $0x1  }
0x26f: {  	v7 =	vld [tilespmem:$0xC1B0];
	_ =	sdelay $0x2  }
0x270: {  	v6 =	vmul.f32 v6, v5;
	_ =	sdelay $0x1  }
0x271: {  	v6 =	vadd.f32 v6, v7;
	_ =	sdelay $0x1  }
0x272: {  	[tilespmem:$0xC1B0] =	vst v6  }
0x273: {  	v6 =	vld [tilespmem:s15+$0x41C0];
	_ =	sdelay $0x1  }
0x274: {  	v7 =	vld [tilespmem:$0xC1C0];
	_ =	sdelay $0x2  }
0x275: {  	v6 =	vmul.f32 v6, v5;
	_ =	sdelay $0x1  }
0x276: {  	v6 =	vadd.f32 v6, v7;
	_ =	sdelay $0x1  }
0x277: {  	[tilespmem:$0xC1C0] =	vst v6  }
0x278: {  	v6 =	vld [tilespmem:s15+$0x41D0];
	_ =	sdelay $0x1  }
0x279: {  	v7 =	vld [tilespmem:$0xC1D0];
	_ =	sdelay $0x2  }
0x27a: {  	v6 =	vmul.f32 v6, v5;
	_ =	sdelay $0x1  }
0x27b: {  	v6 =	vadd.f32 v6, v7;
	_ =	sdelay $0x1  }
0x27c: {  	[tilespmem:$0xC1D0] =	vst v6  }
0x27d: {  	v6 =	vld [tilespmem:s15+$0x41E0];
	_ =	sdelay $0x1  }
0x27e: {  	v7 =	vld [tilespmem:$0xC1E0];
	_ =	sdelay $0x2  }
0x27f: {  	v6 =	vmul.f32 v6, v5;
	_ =	sdelay $0x1  }
0x280: {  	v6 =	vadd.f32 v6, v7;
	_ =	sdelay $0x1  }
0x281: {  	[tilespmem:$0xC1E0] =	vst v6  }
0x282: {  	v6 =	vld [tilespmem:s15+$0x41F0];
	_ =	sdelay $0x1  }
0x283: {  	v7 =	vld [tilespmem:$0xC1F0];
	_ =	sdelay $0x2  }
0x284: {  	v6 =	vmul.f32 v6, v5;
	_ =	sdelay $0x1  }
0x285: {  	v6 =	vadd.f32 v6, v7;
	_ =	sdelay $0x1  }
0x286: {  	[tilespmem:$0xC1F0] =	vst v6  }
0x287: {  	v6 =	vld [tilespmem:s15+$0x4580];
	_ =	sdelay $0x1  }
0x288: {  	v7 =	vld [tilespmem:$0xC580];
	_ =	sdelay $0x2  }
0x289: {  	v6 =	vmul.f32 v6, v5;
	_ =	sdelay $0x1  }
0x28a: {  	v6 =	vadd.f32 v6, v7;
	_ =	sdelay $0x1  }
0x28b: {  	[tilespmem:$0xC580] =	vst v6  }
0x28c: {  	v6 =	vld [tilespmem:s15+$0x4590];
	_ =	sdelay $0x1  }
0x28d: {  	v7 =	vld [tilespmem:$0xC590];
	_ =	sdelay $0x2  }
0x28e: {  	v6 =	vmul.f32 v6, v5;
	_ =	sdelay $0x1  }
0x28f: {  	v6 =	vadd.f32 v6, v7;
	_ =	sdelay $0x1  }
0x290: {  	[tilespmem:$0xC590] =	vst v6  }
0x291: {  	v6 =	vld [tilespmem:s15+$0x45A0];
	_ =	sdelay $0x1  }
0x292: {  	v7 =	vld [tilespmem:$0xC5A0];
	_ =	sdelay $0x2  }
0x293: {  	v6 =	vmul.f32 v6, v5;
	_ =	sdelay $0x1  }
0x294: {  	v6 =	vadd.f32 v6, v7;
	_ =	sdelay $0x1  }
0x295: {  	[tilespmem:$0xC5A0] =	vst v6  }
0x296: {  	v6 =	vld [tilespmem:s15+$0x45B0];
	_ =	sdelay $0x1  }
0x297: {  	v7 =	vld [tilespmem:$0xC5B0];
	_ =	sdelay $0x2  }
0x298: {  	v6 =	vmul.f32 v6, v5;
	_ =	sdelay $0x1  }
0x299: {  	v6 =	vadd.f32 v6, v7;
	_ =	sdelay $0x1  }
0x29a: {  	[tilespmem:$0xC5B0] =	vst v6  }
0x29b: {  	v6 =	vld [tilespmem:s15+$0x45C0];
	_ =	sdelay $0x1  }
0x29c: {  	v7 =	vld [tilespmem:$0xC5C0];
	_ =	sdelay $0x2  }
0x29d: {  	v6 =	vmul.f32 v6, v5;
	_ =	sdelay $0x1  }
0x29e: {  	v6 =	vadd.f32 v6, v7;
	_ =	sdelay $0x1  }
0x29f: {  	[tilespmem:$0xC5C0] =	vst v6  }
0x2a0: {  	v6 =	vld [tilespmem:s15+$0x45D0];
	_ =	sdelay $0x1  }
0x2a1: {  	v7 =	vld [tilespmem:$0xC5D0];
	_ =	sdelay $0x2  }
0x2a2: {  	v6 =	vmul.f32 v6, v5;
	_ =	sdelay $0x1  }
0x2a3: {  	v6 =	vadd.f32 v6, v7;
	_ =	sdelay $0x1  }
0x2a4: {  	[tilespmem:$0xC5D0] =	vst v6  }
0x2a5: {  	v6 =	vld [tilespmem:s15+$0x45E0];
	_ =	sdelay $0x1  }
0x2a6: {  	v7 =	vld [tilespmem:$0xC5E0];
	_ =	sdelay $0x2  }
0x2a7: {  	v6 =	vmul.f32 v6, v5;
	_ =	sdelay $0x1  }
0x2a8: {  	v6 =	vadd.f32 v6, v7;
	_ =	sdelay $0x1  }
0x2a9: {  	[tilespmem:$0xC5E0] =	vst v6  }
0x2aa: {  	v6 =	vld [tilespmem:s15+$0x45F0];
	_ =	sdelay $0x1  }
0x2ab: {  	v7 =	vld [tilespmem:$0xC5F0];
	_ =	sdelay $0x2  }
0x2ac: {  	v6 =	vmul.f32 v6, v5;
	_ =	sdelay $0x1  }
0x2ad: {  	v6 =	vadd.f32 v6, v7;
	_ =	sdelay $0x1  }
0x2ae: {  	[tilespmem:$0xC5F0] =	vst v6  }
0x2af: {  	v6 =	vld [tilespmem:s15+$0x4980];
	_ =	sdelay $0x1  }
0x2b0: {  	v7 =	vld [tilespmem:$0xC980];
	_ =	sdelay $0x2  }
0x2b1: {  	v6 =	vmul.f32 v6, v5;
	_ =	sdelay $0x1  }
0x2b2: {  	v6 =	vadd.f32 v6, v7;
	_ =	sdelay $0x1  }
0x2b3: {  	[tilespmem:$0xC980] =	vst v6  }
0x2b4: {  	v6 =	vld [tilespmem:s15+$0x4990];
	_ =	sdelay $0x1  }
0x2b5: {  	v7 =	vld [tilespmem:$0xC990];
	_ =	sdelay $0x2  }
0x2b6: {  	v6 =	vmul.f32 v6, v5;
	_ =	sdelay $0x1  }
0x2b7: {  	v6 =	vadd.f32 v6, v7;
	_ =	sdelay $0x1  }
0x2b8: {  	[tilespmem:$0xC990] =	vst v6  }
0x2b9: {  	v6 =	vld [tilespmem:s15+$0x49A0];
	_ =	sdelay $0x1  }
0x2ba: {  	v7 =	vld [tilespmem:$0xC9A0];
	_ =	sdelay $0x2  }
0x2bb: {  	v6 =	vmul.f32 v6, v5;
	_ =	sdelay $0x1  }
0x2bc: {  	v6 =	vadd.f32 v6, v7;
	_ =	sdelay $0x1  }
0x2bd: {  	[tilespmem:$0xC9A0] =	vst v6  }
0x2be: {  	v6 =	vld [tilespmem:s15+$0x49B0];
	_ =	sdelay $0x1  }
0x2bf: {  	v7 =	vld [tilespmem:$0xC9B0];
	_ =	sdelay $0x2  }
0x2c0: {  	v6 =	vmul.f32 v6, v5;
	_ =	sdelay $0x1  }
0x2c1: {  	v6 =	vadd.f32 v6, v7;
	_ =	sdelay $0x1  }
0x2c2: {  	[tilespmem:$0xC9B0] =	vst v6  }
0x2c3: {  	v6 =	vld [tilespmem:s15+$0x49C0];
	_ =	sdelay $0x1  }
0x2c4: {  	v7 =	vld [tilespmem:$0xC9C0];
	_ =	sdelay $0x2  }
0x2c5: {  	v6 =	vmul.f32 v6, v5;
	_ =	sdelay $0x1  }
0x2c6: {  	v6 =	vadd.f32 v6, v7;
	_ =	sdelay $0x1  }
0x2c7: {  	[tilespmem:$0xC9C0] =	vst v6  }
0x2c8: {  	v6 =	vld [tilespmem:s15+$0x49D0];
	_ =	sdelay $0x1  }
0x2c9: {  	v7 =	vld [tilespmem:$0xC9D0];
	_ =	sdelay $0x2  }
0x2ca: {  	v6 =	vmul.f32 v6, v5;
	_ =	sdelay $0x1  }
0x2cb: {  	v6 =	vadd.f32 v6, v7;
	_ =	sdelay $0x1  }
0x2cc: {  	[tilespmem:$0xC9D0] =	vst v6  }
0x2cd: {  	v6 =	vld [tilespmem:s15+$0x49E0];
	_ =	sdelay $0x1  }
0x2ce: {  	v7 =	vld [tilespmem:$0xC9E0];
	_ =	sdelay $0x2  }
0x2cf: {  	v6 =	vmul.f32 v6, v5;
	_ =	sdelay $0x1  }
0x2d0: {  	v6 =	vadd.f32 v6, v7;
	_ =	sdelay $0x1  }
0x2d1: {  	[tilespmem:$0xC9E0] =	vst v6  }
0x2d2: {  	v6 =	vld [tilespmem:s15+$0x49F0];
	_ =	sdelay $0x1  }
0x2d3: {  	v7 =	vld [tilespmem:$0xC9F0];
	_ =	sdelay $0x2  }
0x2d4: {  	v6 =	vmul.f32 v6, v5;
	_ =	sdelay $0x1  }
0x2d5: {  	v6 =	vadd.f32 v6, v7;
	_ =	sdelay $0x1  }
0x2d6: {  	[tilespmem:$0xC9F0] =	vst v6  }
0x2d7: {  	v6 =	vld [tilespmem:s15+$0x4D80];
	_ =	sdelay $0x1  }
0x2d8: {  	v7 =	vld [tilespmem:$0xCD80];
	_ =	sdelay $0x2  }
0x2d9: {  	v6 =	vmul.f32 v6, v5;
	_ =	sdelay $0x1  }
0x2da: {  	v6 =	vadd.f32 v6, v7;
	_ =	sdelay $0x1  }
0x2db: {  	[tilespmem:$0xCD80] =	vst v6  }
0x2dc: {  	v6 =	vld [tilespmem:s15+$0x4D90];
	_ =	sdelay $0x1  }
0x2dd: {  	v7 =	vld [tilespmem:$0xCD90];
	_ =	sdelay $0x2  }
0x2de: {  	v6 =	vmul.f32 v6, v5;
	_ =	sdelay $0x1  }
0x2df: {  	v6 =	vadd.f32 v6, v7;
	_ =	sdelay $0x1  }
0x2e0: {  	[tilespmem:$0xCD90] =	vst v6  }
0x2e1: {  	v6 =	vld [tilespmem:s15+$0x4DA0];
	_ =	sdelay $0x1  }
0x2e2: {  	v7 =	vld [tilespmem:$0xCDA0];
	_ =	sdelay $0x2  }
0x2e3: {  	v6 =	vmul.f32 v6, v5;
	_ =	sdelay $0x1  }
0x2e4: {  	v6 =	vadd.f32 v6, v7;
	_ =	sdelay $0x1  }
0x2e5: {  	[tilespmem:$0xCDA0] =	vst v6  }
0x2e6: {  	v6 =	vld [tilespmem:s15+$0x4DB0];
	_ =	sdelay $0x1  }
0x2e7: {  	v7 =	vld [tilespmem:$0xCDB0];
	_ =	sdelay $0x2  }
0x2e8: {  	v6 =	vmul.f32 v6, v5;
	_ =	sdelay $0x1  }
0x2e9: {  	v6 =	vadd.f32 v6, v7;
	_ =	sdelay $0x1  }
0x2ea: {  	[tilespmem:$0xCDB0] =	vst v6  }
0x2eb: {  	v6 =	vld [tilespmem:s15+$0x4DC0];
	_ =	sdelay $0x1  }
0x2ec: {  	v7 =	vld [tilespmem:$0xCDC0];
	_ =	sdelay $0x2  }
0x2ed: {  	v6 =	vmul.f32 v6, v5;
	_ =	sdelay $0x1  }
0x2ee: {  	v6 =	vadd.f32 v6, v7;
	_ =	sdelay $0x1  }
0x2ef: {  	[tilespmem:$0xCDC0] =	vst v6  }
0x2f0: {  	v6 =	vld [tilespmem:s15+$0x4DD0];
	_ =	sdelay $0x1  }
0x2f1: {  	v7 =	vld [tilespmem:$0xCDD0];
	_ =	sdelay $0x2  }
0x2f2: {  	v6 =	vmul.f32 v6, v5;
	_ =	sdelay $0x1  }
0x2f3: {  	v6 =	vadd.f32 v6, v7;
	_ =	sdelay $0x1  }
0x2f4: {  	[tilespmem:$0xCDD0] =	vst v6  }
0x2f5: {  	v6 =	vld [tilespmem:s15+$0x4DE0];
	_ =	sdelay $0x1  }
0x2f6: {  	v7 =	vld [tilespmem:$0xCDE0];
	_ =	sdelay $0x2  }
0x2f7: {  	v6 =	vmul.f32 v6, v5;
	_ =	sdelay $0x1  }
0x2f8: {  	v6 =	vadd.f32 v6, v7;
	_ =	sdelay $0x1  }
0x2f9: {  	[tilespmem:$0xCDE0] =	vst v6  }
0x2fa: {  	v6 =	vld [tilespmem:s15+$0x4DF0];
	_ =	sdelay $0x1  }
0x2fb: {  	v7 =	vld [tilespmem:$0xCDF0];
	_ =	sdelay $0x2  }
0x2fc: {  	v6 =	vmul.f32 v6, v5;
	_ =	sdelay $0x1  }
0x2fd: {  	v6 =	vadd.f32 v6, v7;
	_ =	sdelay $0x1  }
0x2fe: {  	[tilespmem:$0xCDF0] =	vst v6  }
0x2ff: {  	v6 =	vld [tilespmem:s15+$0x4200];
	_ =	sdelay $0x1  }
0x300: {  	v7 =	vld [tilespmem:$0xC200];
	_ =	sdelay $0x2  }
0x301: {  	v6 =	vmul.f32 v6, v5;
	_ =	sdelay $0x1  }
0x302: {  	v6 =	vadd.f32 v6, v7;
	_ =	sdelay $0x1  }
0x303: {  	[tilespmem:$0xC200] =	vst v6  }
0x304: {  	v6 =	vld [tilespmem:s15+$0x4210];
	_ =	sdelay $0x1  }
0x305: {  	v7 =	vld [tilespmem:$0xC210];
	_ =	sdelay $0x2  }
0x306: {  	v6 =	vmul.f32 v6, v5;
	_ =	sdelay $0x1  }
0x307: {  	v6 =	vadd.f32 v6, v7;
	_ =	sdelay $0x1  }
0x308: {  	[tilespmem:$0xC210] =	vst v6  }
0x309: {  	v6 =	vld [tilespmem:s15+$0x4220];
	_ =	sdelay $0x1  }
0x30a: {  	v7 =	vld [tilespmem:$0xC220];
	_ =	sdelay $0x2  }
0x30b: {  	v6 =	vmul.f32 v6, v5;
	_ =	sdelay $0x1  }
0x30c: {  	v6 =	vadd.f32 v6, v7;
	_ =	sdelay $0x1  }
0x30d: {  	[tilespmem:$0xC220] =	vst v6  }
0x30e: {  	v6 =	vld [tilespmem:s15+$0x4230];
	_ =	sdelay $0x1  }
0x30f: {  	v7 =	vld [tilespmem:$0xC230];
	_ =	sdelay $0x2  }
0x310: {  	v6 =	vmul.f32 v6, v5;
	_ =	sdelay $0x1  }
0x311: {  	v6 =	vadd.f32 v6, v7;
	_ =	sdelay $0x1  }
0x312: {  	[tilespmem:$0xC230] =	vst v6  }
0x313: {  	v6 =	vld [tilespmem:s15+$0x4240];
	_ =	sdelay $0x1  }
0x314: {  	v7 =	vld [tilespmem:$0xC240];
	_ =	sdelay $0x2  }
0x315: {  	v6 =	vmul.f32 v6, v5;
	_ =	sdelay $0x1  }
0x316: {  	v6 =	vadd.f32 v6, v7;
	_ =	sdelay $0x1  }
0x317: {  	[tilespmem:$0xC240] =	vst v6  }
0x318: {  	v6 =	vld [tilespmem:s15+$0x4250];
	_ =	sdelay $0x1  }
0x319: {  	v7 =	vld [tilespmem:$0xC250];
	_ =	sdelay $0x2  }
0x31a: {  	v6 =	vmul.f32 v6, v5;
	_ =	sdelay $0x1  }
0x31b: {  	v6 =	vadd.f32 v6, v7;
	_ =	sdelay $0x1  }
0x31c: {  	[tilespmem:$0xC250] =	vst v6  }
0x31d: {  	v6 =	vld [tilespmem:s15+$0x4260];
	_ =	sdelay $0x1  }
0x31e: {  	v7 =	vld [tilespmem:$0xC260];
	_ =	sdelay $0x2  }
0x31f: {  	v6 =	vmul.f32 v6, v5;
	_ =	sdelay $0x1  }
0x320: {  	v6 =	vadd.f32 v6, v7;
	_ =	sdelay $0x1  }
0x321: {  	[tilespmem:$0xC260] =	vst v6  }
0x322: {  	v6 =	vld [tilespmem:s15+$0x4270];
	_ =	sdelay $0x1  }
0x323: {  	v7 =	vld [tilespmem:$0xC270];
	_ =	sdelay $0x2  }
0x324: {  	v6 =	vmul.f32 v6, v5;
	_ =	sdelay $0x1  }
0x325: {  	v6 =	vadd.f32 v6, v7;
	_ =	sdelay $0x1  }
0x326: {  	[tilespmem:$0xC270] =	vst v6  }
0x327: {  	v6 =	vld [tilespmem:s15+$0x4600];
	_ =	sdelay $0x1  }
0x328: {  	v7 =	vld [tilespmem:$0xC600];
	_ =	sdelay $0x2  }
0x329: {  	v6 =	vmul.f32 v6, v5;
	_ =	sdelay $0x1  }
0x32a: {  	v6 =	vadd.f32 v6, v7;
	_ =	sdelay $0x1  }
0x32b: {  	[tilespmem:$0xC600] =	vst v6  }
0x32c: {  	v6 =	vld [tilespmem:s15+$0x4610];
	_ =	sdelay $0x1  }
0x32d: {  	v7 =	vld [tilespmem:$0xC610];
	_ =	sdelay $0x2  }
0x32e: {  	v6 =	vmul.f32 v6, v5;
	_ =	sdelay $0x1  }
0x32f: {  	v6 =	vadd.f32 v6, v7;
	_ =	sdelay $0x1  }
0x330: {  	[tilespmem:$0xC610] =	vst v6  }
0x331: {  	v6 =	vld [tilespmem:s15+$0x4620];
	_ =	sdelay $0x1  }
0x332: {  	v7 =	vld [tilespmem:$0xC620];
	_ =	sdelay $0x2  }
0x333: {  	v6 =	vmul.f32 v6, v5;
	_ =	sdelay $0x1  }
0x334: {  	v6 =	vadd.f32 v6, v7;
	_ =	sdelay $0x1  }
0x335: {  	[tilespmem:$0xC620] =	vst v6  }
0x336: {  	v6 =	vld [tilespmem:s15+$0x4630];
	_ =	sdelay $0x1  }
0x337: {  	v7 =	vld [tilespmem:$0xC630];
	_ =	sdelay $0x2  }
0x338: {  	v6 =	vmul.f32 v6, v5;
	_ =	sdelay $0x1  }
0x339: {  	v6 =	vadd.f32 v6, v7;
	_ =	sdelay $0x1  }
0x33a: {  	[tilespmem:$0xC630] =	vst v6  }
0x33b: {  	v6 =	vld [tilespmem:s15+$0x4640];
	_ =	sdelay $0x1  }
0x33c: {  	v7 =	vld [tilespmem:$0xC640];
	_ =	sdelay $0x2  }
0x33d: {  	v6 =	vmul.f32 v6, v5;
	_ =	sdelay $0x1  }
0x33e: {  	v6 =	vadd.f32 v6, v7;
	_ =	sdelay $0x1  }
0x33f: {  	[tilespmem:$0xC640] =	vst v6  }
0x340: {  	v6 =	vld [tilespmem:s15+$0x4650];
	_ =	sdelay $0x1  }
0x341: {  	v7 =	vld [tilespmem:$0xC650];
	_ =	sdelay $0x2  }
0x342: {  	v6 =	vmul.f32 v6, v5;
	_ =	sdelay $0x1  }
0x343: {  	v6 =	vadd.f32 v6, v7;
	_ =	sdelay $0x1  }
0x344: {  	[tilespmem:$0xC650] =	vst v6  }
0x345: {  	v6 =	vld [tilespmem:s15+$0x4660];
	_ =	sdelay $0x1  }
0x346: {  	v7 =	vld [tilespmem:$0xC660];
	_ =	sdelay $0x2  }
0x347: {  	v6 =	vmul.f32 v6, v5;
	_ =	sdelay $0x1  }
0x348: {  	v6 =	vadd.f32 v6, v7;
	_ =	sdelay $0x1  }
0x349: {  	[tilespmem:$0xC660] =	vst v6  }
0x34a: {  	v6 =	vld [tilespmem:s15+$0x4670];
	_ =	sdelay $0x1  }
0x34b: {  	v7 =	vld [tilespmem:$0xC670];
	_ =	sdelay $0x2  }
0x34c: {  	v6 =	vmul.f32 v6, v5;
	_ =	sdelay $0x1  }
0x34d: {  	v6 =	vadd.f32 v6, v7;
	_ =	sdelay $0x1  }
0x34e: {  	[tilespmem:$0xC670] =	vst v6  }
0x34f: {  	v6 =	vld [tilespmem:s15+$0x4A00];
	_ =	sdelay $0x1  }
0x350: {  	v7 =	vld [tilespmem:$0xCA00];
	_ =	sdelay $0x2  }
0x351: {  	v6 =	vmul.f32 v6, v5;
	_ =	sdelay $0x1  }
0x352: {  	v6 =	vadd.f32 v6, v7;
	_ =	sdelay $0x1  }
0x353: {  	[tilespmem:$0xCA00] =	vst v6  }
0x354: {  	v6 =	vld [tilespmem:s15+$0x4A10];
	_ =	sdelay $0x1  }
0x355: {  	v7 =	vld [tilespmem:$0xCA10];
	_ =	sdelay $0x2  }
0x356: {  	v6 =	vmul.f32 v6, v5;
	_ =	sdelay $0x1  }
0x357: {  	v6 =	vadd.f32 v6, v7;
	_ =	sdelay $0x1  }
0x358: {  	[tilespmem:$0xCA10] =	vst v6  }
0x359: {  	v6 =	vld [tilespmem:s15+$0x4A20];
	_ =	sdelay $0x1  }
0x35a: {  	v7 =	vld [tilespmem:$0xCA20];
	_ =	sdelay $0x2  }
0x35b: {  	v6 =	vmul.f32 v6, v5;
	_ =	sdelay $0x1  }
0x35c: {  	v6 =	vadd.f32 v6, v7;
	_ =	sdelay $0x1  }
0x35d: {  	[tilespmem:$0xCA20] =	vst v6  }
0x35e: {  	v6 =	vld [tilespmem:s15+$0x4A30];
	_ =	sdelay $0x1  }
0x35f: {  	v7 =	vld [tilespmem:$0xCA30];
	_ =	sdelay $0x2  }
0x360: {  	v6 =	vmul.f32 v6, v5;
	_ =	sdelay $0x1  }
0x361: {  	v6 =	vadd.f32 v6, v7;
	_ =	sdelay $0x1  }
0x362: {  	[tilespmem:$0xCA30] =	vst v6  }
0x363: {  	v6 =	vld [tilespmem:s15+$0x4A40];
	_ =	sdelay $0x1  }
0x364: {  	v7 =	vld [tilespmem:$0xCA40];
	_ =	sdelay $0x2  }
0x365: {  	v6 =	vmul.f32 v6, v5;
	_ =	sdelay $0x1  }
0x366: {  	v6 =	vadd.f32 v6, v7;
	_ =	sdelay $0x1  }
0x367: {  	[tilespmem:$0xCA40] =	vst v6  }
0x368: {  	v6 =	vld [tilespmem:s15+$0x4A50];
	_ =	sdelay $0x1  }
0x369: {  	v7 =	vld [tilespmem:$0xCA50];
	_ =	sdelay $0x2  }
0x36a: {  	v6 =	vmul.f32 v6, v5;
	_ =	sdelay $0x1  }
0x36b: {  	v6 =	vadd.f32 v6, v7;
	_ =	sdelay $0x1  }
0x36c: {  	[tilespmem:$0xCA50] =	vst v6  }
0x36d: {  	v6 =	vld [tilespmem:s15+$0x4A60];
	_ =	sdelay $0x1  }
0x36e: {  	v7 =	vld [tilespmem:$0xCA60];
	_ =	sdelay $0x2  }
0x36f: {  	v6 =	vmul.f32 v6, v5;
	_ =	sdelay $0x1  }
0x370: {  	v6 =	vadd.f32 v6, v7;
	_ =	sdelay $0x1  }
0x371: {  	[tilespmem:$0xCA60] =	vst v6  }
0x372: {  	v6 =	vld [tilespmem:s15+$0x4A70];
	_ =	sdelay $0x1  }
0x373: {  	v7 =	vld [tilespmem:$0xCA70];
	_ =	sdelay $0x2  }
0x374: {  	v6 =	vmul.f32 v6, v5;
	_ =	sdelay $0x1  }
0x375: {  	v6 =	vadd.f32 v6, v7;
	_ =	sdelay $0x1  }
0x376: {  	[tilespmem:$0xCA70] =	vst v6  }
0x377: {  	v6 =	vld [tilespmem:s15+$0x4E00];
	_ =	sdelay $0x1  }
0x378: {  	v7 =	vld [tilespmem:$0xCE00];
	_ =	sdelay $0x2  }
0x379: {  	v6 =	vmul.f32 v6, v5;
	_ =	sdelay $0x1  }
0x37a: {  	v6 =	vadd.f32 v6, v7;
	_ =	sdelay $0x1  }
0x37b: {  	[tilespmem:$0xCE00] =	vst v6  }
0x37c: {  	v6 =	vld [tilespmem:s15+$0x4E10];
	_ =	sdelay $0x1  }
0x37d: {  	v7 =	vld [tilespmem:$0xCE10];
	_ =	sdelay $0x2  }
0x37e: {  	v6 =	vmul.f32 v6, v5;
	_ =	sdelay $0x1  }
0x37f: {  	v6 =	vadd.f32 v6, v7;
	_ =	sdelay $0x1  }
0x380: {  	[tilespmem:$0xCE10] =	vst v6  }
0x381: {  	v6 =	vld [tilespmem:s15+$0x4E20];
	_ =	sdelay $0x1  }
0x382: {  	v7 =	vld [tilespmem:$0xCE20];
	_ =	sdelay $0x2  }
0x383: {  	v6 =	vmul.f32 v6, v5;
	_ =	sdelay $0x1  }
0x384: {  	v6 =	vadd.f32 v6, v7;
	_ =	sdelay $0x1  }
0x385: {  	[tilespmem:$0xCE20] =	vst v6  }
0x386: {  	v6 =	vld [tilespmem:s15+$0x4E30];
	_ =	sdelay $0x1  }
0x387: {  	v7 =	vld [tilespmem:$0xCE30];
	_ =	sdelay $0x2  }
0x388: {  	v6 =	vmul.f32 v6, v5;
	_ =	sdelay $0x1  }
0x389: {  	v6 =	vadd.f32 v6, v7;
	_ =	sdelay $0x1  }
0x38a: {  	[tilespmem:$0xCE30] =	vst v6  }
0x38b: {  	v6 =	vld [tilespmem:s15+$0x4E40];
	_ =	sdelay $0x1  }
0x38c: {  	v7 =	vld [tilespmem:$0xCE40];
	_ =	sdelay $0x2  }
0x38d: {  	v6 =	vmul.f32 v6, v5;
	_ =	sdelay $0x1  }
0x38e: {  	v6 =	vadd.f32 v6, v7;
	_ =	sdelay $0x1  }
0x38f: {  	[tilespmem:$0xCE40] =	vst v6  }
0x390: {  	v6 =	vld [tilespmem:s15+$0x4E50];
	_ =	sdelay $0x1  }
0x391: {  	v7 =	vld [tilespmem:$0xCE50];
	_ =	sdelay $0x2  }
0x392: {  	v6 =	vmul.f32 v6, v5;
	_ =	sdelay $0x1  }
0x393: {  	v6 =	vadd.f32 v6, v7;
	_ =	sdelay $0x1  }
0x394: {  	[tilespmem:$0xCE50] =	vst v6  }
0x395: {  	v6 =	vld [tilespmem:s15+$0x4E60];
	_ =	sdelay $0x1  }
0x396: {  	v7 =	vld [tilespmem:$0xCE60];
	_ =	sdelay $0x2  }
0x397: {  	v6 =	vmul.f32 v6, v5;
	_ =	sdelay $0x1  }
0x398: {  	v6 =	vadd.f32 v6, v7;
	_ =	sdelay $0x1  }
0x399: {  	[tilespmem:$0xCE60] =	vst v6  }
0x39a: {  	v6 =	vld [tilespmem:s15+$0x4E70];
	_ =	sdelay $0x1  }
0x39b: {  	v7 =	vld [tilespmem:$0xCE70];
	_ =	sdelay $0x2  }
0x39c: {  	v6 =	vmul.f32 v6, v5;
	_ =	sdelay $0x1  }
0x39d: {  	v6 =	vadd.f32 v6, v7;
	_ =	sdelay $0x1  }
0x39e: {  	[tilespmem:$0xCE70] =	vst v6  }
0x39f: {  	v6 =	vld [tilespmem:s15+$0x4280];
	_ =	sdelay $0x1  }
0x3a0: {  	v7 =	vld [tilespmem:$0xC280];
	_ =	sdelay $0x2  }
0x3a1: {  	v6 =	vmul.f32 v6, v5;
	_ =	sdelay $0x1  }
0x3a2: {  	v6 =	vadd.f32 v6, v7;
	_ =	sdelay $0x1  }
0x3a3: {  	[tilespmem:$0xC280] =	vst v6  }
0x3a4: {  	v6 =	vld [tilespmem:s15+$0x4290];
	_ =	sdelay $0x1  }
0x3a5: {  	v7 =	vld [tilespmem:$0xC290];
	_ =	sdelay $0x2  }
0x3a6: {  	v6 =	vmul.f32 v6, v5;
	_ =	sdelay $0x1  }
0x3a7: {  	v6 =	vadd.f32 v6, v7;
	_ =	sdelay $0x1  }
0x3a8: {  	[tilespmem:$0xC290] =	vst v6  }
0x3a9: {  	v6 =	vld [tilespmem:s15+$0x42A0];
	_ =	sdelay $0x1  }
0x3aa: {  	v7 =	vld [tilespmem:$0xC2A0];
	_ =	sdelay $0x2  }
0x3ab: {  	v6 =	vmul.f32 v6, v5;
	_ =	sdelay $0x1  }
0x3ac: {  	v6 =	vadd.f32 v6, v7;
	_ =	sdelay $0x1  }
0x3ad: {  	[tilespmem:$0xC2A0] =	vst v6  }
0x3ae: {  	v6 =	vld [tilespmem:s15+$0x42B0];
	_ =	sdelay $0x1  }
0x3af: {  	v7 =	vld [tilespmem:$0xC2B0];
	_ =	sdelay $0x2  }
0x3b0: {  	v6 =	vmul.f32 v6, v5;
	_ =	sdelay $0x1  }
0x3b1: {  	v6 =	vadd.f32 v6, v7;
	_ =	sdelay $0x1  }
0x3b2: {  	[tilespmem:$0xC2B0] =	vst v6  }
0x3b3: {  	v6 =	vld [tilespmem:s15+$0x42C0];
	_ =	sdelay $0x1  }
0x3b4: {  	v7 =	vld [tilespmem:$0xC2C0];
	_ =	sdelay $0x2  }
0x3b5: {  	v6 =	vmul.f32 v6, v5;
	_ =	sdelay $0x1  }
0x3b6: {  	v6 =	vadd.f32 v6, v7;
	_ =	sdelay $0x1  }
0x3b7: {  	[tilespmem:$0xC2C0] =	vst v6  }
0x3b8: {  	v6 =	vld [tilespmem:s15+$0x42D0];
	_ =	sdelay $0x1  }
0x3b9: {  	v7 =	vld [tilespmem:$0xC2D0];
	_ =	sdelay $0x2  }
0x3ba: {  	v6 =	vmul.f32 v6, v5;
	_ =	sdelay $0x1  }
0x3bb: {  	v6 =	vadd.f32 v6, v7;
	_ =	sdelay $0x1  }
0x3bc: {  	[tilespmem:$0xC2D0] =	vst v6  }
0x3bd: {  	v6 =	vld [tilespmem:s15+$0x42E0];
	_ =	sdelay $0x1  }
0x3be: {  	v7 =	vld [tilespmem:$0xC2E0];
	_ =	sdelay $0x2  }
0x3bf: {  	v6 =	vmul.f32 v6, v5;
	_ =	sdelay $0x1  }
0x3c0: {  	v6 =	vadd.f32 v6, v7;
	_ =	sdelay $0x1  }
0x3c1: {  	[tilespmem:$0xC2E0] =	vst v6  }
0x3c2: {  	v6 =	vld [tilespmem:s15+$0x42F0];
	_ =	sdelay $0x1  }
0x3c3: {  	v7 =	vld [tilespmem:$0xC2F0];
	_ =	sdelay $0x2  }
0x3c4: {  	v6 =	vmul.f32 v6, v5;
	_ =	sdelay $0x1  }
0x3c5: {  	v6 =	vadd.f32 v6, v7;
	_ =	sdelay $0x1  }
0x3c6: {  	[tilespmem:$0xC2F0] =	vst v6  }
0x3c7: {  	v6 =	vld [tilespmem:s15+$0x4680];
	_ =	sdelay $0x1  }
0x3c8: {  	v7 =	vld [tilespmem:$0xC680];
	_ =	sdelay $0x2  }
0x3c9: {  	v6 =	vmul.f32 v6, v5;
	_ =	sdelay $0x1  }
0x3ca: {  	v6 =	vadd.f32 v6, v7;
	_ =	sdelay $0x1  }
0x3cb: {  	[tilespmem:$0xC680] =	vst v6  }
0x3cc: {  	v6 =	vld [tilespmem:s15+$0x4690];
	_ =	sdelay $0x1  }
0x3cd: {  	v7 =	vld [tilespmem:$0xC690];
	_ =	sdelay $0x2  }
0x3ce: {  	v6 =	vmul.f32 v6, v5;
	_ =	sdelay $0x1  }
0x3cf: {  	v6 =	vadd.f32 v6, v7;
	_ =	sdelay $0x1  }
0x3d0: {  	[tilespmem:$0xC690] =	vst v6  }
0x3d1: {  	v6 =	vld [tilespmem:s15+$0x46A0];
	_ =	sdelay $0x1  }
0x3d2: {  	v7 =	vld [tilespmem:$0xC6A0];
	_ =	sdelay $0x2  }
0x3d3: {  	v6 =	vmul.f32 v6, v5;
	_ =	sdelay $0x1  }
0x3d4: {  	v6 =	vadd.f32 v6, v7;
	_ =	sdelay $0x1  }
0x3d5: {  	[tilespmem:$0xC6A0] =	vst v6  }
0x3d6: {  	v6 =	vld [tilespmem:s15+$0x46B0];
	_ =	sdelay $0x1  }
0x3d7: {  	v7 =	vld [tilespmem:$0xC6B0];
	_ =	sdelay $0x2  }
0x3d8: {  	v6 =	vmul.f32 v6, v5;
	_ =	sdelay $0x1  }
0x3d9: {  	v6 =	vadd.f32 v6, v7;
	_ =	sdelay $0x1  }
0x3da: {  	[tilespmem:$0xC6B0] =	vst v6  }
0x3db: {  	v6 =	vld [tilespmem:s15+$0x46C0];
	_ =	sdelay $0x1  }
0x3dc: {  	v7 =	vld [tilespmem:$0xC6C0];
	_ =	sdelay $0x2  }
0x3dd: {  	v6 =	vmul.f32 v6, v5;
	_ =	sdelay $0x1  }
0x3de: {  	v6 =	vadd.f32 v6, v7;
	_ =	sdelay $0x1  }
0x3df: {  	[tilespmem:$0xC6C0] =	vst v6  }
0x3e0: {  	v6 =	vld [tilespmem:s15+$0x46D0];
	_ =	sdelay $0x1  }
0x3e1: {  	v7 =	vld [tilespmem:$0xC6D0];
	_ =	sdelay $0x2  }
0x3e2: {  	v6 =	vmul.f32 v6, v5;
	_ =	sdelay $0x1  }
0x3e3: {  	v6 =	vadd.f32 v6, v7;
	_ =	sdelay $0x1  }
0x3e4: {  	[tilespmem:$0xC6D0] =	vst v6  }
0x3e5: {  	v6 =	vld [tilespmem:s15+$0x46E0];
	_ =	sdelay $0x1  }
0x3e6: {  	v7 =	vld [tilespmem:$0xC6E0];
	_ =	sdelay $0x2  }
0x3e7: {  	v6 =	vmul.f32 v6, v5;
	_ =	sdelay $0x1  }
0x3e8: {  	v6 =	vadd.f32 v6, v7;
	_ =	sdelay $0x1  }
0x3e9: {  	[tilespmem:$0xC6E0] =	vst v6  }
0x3ea: {  	v6 =	vld [tilespmem:s15+$0x46F0];
	_ =	sdelay $0x1  }
0x3eb: {  	v7 =	vld [tilespmem:$0xC6F0];
	_ =	sdelay $0x2  }
0x3ec: {  	v6 =	vmul.f32 v6, v5;
	_ =	sdelay $0x1  }
0x3ed: {  	v6 =	vadd.f32 v6, v7;
	_ =	sdelay $0x1  }
0x3ee: {  	[tilespmem:$0xC6F0] =	vst v6  }
0x3ef: {  	v6 =	vld [tilespmem:s15+$0x4A80];
	_ =	sdelay $0x1  }
0x3f0: {  	v7 =	vld [tilespmem:$0xCA80];
	_ =	sdelay $0x2  }
0x3f1: {  	v6 =	vmul.f32 v6, v5;
	_ =	sdelay $0x1  }
0x3f2: {  	v6 =	vadd.f32 v6, v7;
	_ =	sdelay $0x1  }
0x3f3: {  	[tilespmem:$0xCA80] =	vst v6  }
0x3f4: {  	v6 =	vld [tilespmem:s15+$0x4A90];
	_ =	sdelay $0x1  }
0x3f5: {  	v7 =	vld [tilespmem:$0xCA90];
	_ =	sdelay $0x2  }
0x3f6: {  	v6 =	vmul.f32 v6, v5;
	_ =	sdelay $0x1  }
0x3f7: {  	v6 =	vadd.f32 v6, v7;
	_ =	sdelay $0x1  }
0x3f8: {  	[tilespmem:$0xCA90] =	vst v6  }
0x3f9: {  	v6 =	vld [tilespmem:s15+$0x4AA0];
	_ =	sdelay $0x1  }
0x3fa: {  	v7 =	vld [tilespmem:$0xCAA0];
	_ =	sdelay $0x2  }
0x3fb: {  	v6 =	vmul.f32 v6, v5;
	_ =	sdelay $0x1  }
0x3fc: {  	v6 =	vadd.f32 v6, v7;
	_ =	sdelay $0x1  }
0x3fd: {  	[tilespmem:$0xCAA0] =	vst v6  }
0x3fe: {  	v6 =	vld [tilespmem:s15+$0x4AB0];
	_ =	sdelay $0x1  }
0x3ff: {  	v7 =	vld [tilespmem:$0xCAB0];
	_ =	sdelay $0x2  }
0x400: {  	v6 =	vmul.f32 v6, v5;
	_ =	sdelay $0x1  }
0x401: {  	v6 =	vadd.f32 v6, v7;
	_ =	sdelay $0x1  }
0x402: {  	[tilespmem:$0xCAB0] =	vst v6  }
0x403: {  	v6 =	vld [tilespmem:s15+$0x4AC0];
	_ =	sdelay $0x1  }
0x404: {  	v7 =	vld [tilespmem:$0xCAC0];
	_ =	sdelay $0x2  }
0x405: {  	v6 =	vmul.f32 v6, v5;
	_ =	sdelay $0x1  }
0x406: {  	v6 =	vadd.f32 v6, v7;
	_ =	sdelay $0x1  }
0x407: {  	[tilespmem:$0xCAC0] =	vst v6  }
0x408: {  	v6 =	vld [tilespmem:s15+$0x4AD0];
	_ =	sdelay $0x1  }
0x409: {  	v7 =	vld [tilespmem:$0xCAD0];
	_ =	sdelay $0x2  }
0x40a: {  	v6 =	vmul.f32 v6, v5;
	_ =	sdelay $0x1  }
0x40b: {  	v6 =	vadd.f32 v6, v7;
	_ =	sdelay $0x1  }
0x40c: {  	[tilespmem:$0xCAD0] =	vst v6  }
0x40d: {  	v6 =	vld [tilespmem:s15+$0x4AE0];
	_ =	sdelay $0x1  }
0x40e: {  	v7 =	vld [tilespmem:$0xCAE0];
	_ =	sdelay $0x2  }
0x40f: {  	v6 =	vmul.f32 v6, v5;
	_ =	sdelay $0x1  }
0x410: {  	v6 =	vadd.f32 v6, v7;
	_ =	sdelay $0x1  }
0x411: {  	[tilespmem:$0xCAE0] =	vst v6  }
0x412: {  	v6 =	vld [tilespmem:s15+$0x4AF0];
	_ =	sdelay $0x1  }
0x413: {  	v7 =	vld [tilespmem:$0xCAF0];
	_ =	sdelay $0x2  }
0x414: {  	v6 =	vmul.f32 v6, v5;
	_ =	sdelay $0x1  }
0x415: {  	v6 =	vadd.f32 v6, v7;
	_ =	sdelay $0x1  }
0x416: {  	[tilespmem:$0xCAF0] =	vst v6  }
0x417: {  	v6 =	vld [tilespmem:s15+$0x4E80];
	_ =	sdelay $0x1  }
0x418: {  	v7 =	vld [tilespmem:$0xCE80];
	_ =	sdelay $0x2  }
0x419: {  	v6 =	vmul.f32 v6, v5;
	_ =	sdelay $0x1  }
0x41a: {  	v6 =	vadd.f32 v6, v7;
	_ =	sdelay $0x1  }
0x41b: {  	[tilespmem:$0xCE80] =	vst v6  }
0x41c: {  	v6 =	vld [tilespmem:s15+$0x4E90];
	_ =	sdelay $0x1  }
0x41d: {  	v7 =	vld [tilespmem:$0xCE90];
	_ =	sdelay $0x2  }
0x41e: {  	v6 =	vmul.f32 v6, v5;
	_ =	sdelay $0x1  }
0x41f: {  	v6 =	vadd.f32 v6, v7;
	_ =	sdelay $0x1  }
0x420: {  	[tilespmem:$0xCE90] =	vst v6  }
0x421: {  	v6 =	vld [tilespmem:s15+$0x4EA0];
	_ =	sdelay $0x1  }
0x422: {  	v7 =	vld [tilespmem:$0xCEA0];
	_ =	sdelay $0x2  }
0x423: {  	v6 =	vmul.f32 v6, v5;
	_ =	sdelay $0x1  }
0x424: {  	v6 =	vadd.f32 v6, v7;
	_ =	sdelay $0x1  }
0x425: {  	[tilespmem:$0xCEA0] =	vst v6  }
0x426: {  	v6 =	vld [tilespmem:s15+$0x4EB0];
	_ =	sdelay $0x1  }
0x427: {  	v7 =	vld [tilespmem:$0xCEB0];
	_ =	sdelay $0x2  }
0x428: {  	v6 =	vmul.f32 v6, v5;
	_ =	sdelay $0x1  }
0x429: {  	v6 =	vadd.f32 v6, v7;
	_ =	sdelay $0x1  }
0x42a: {  	[tilespmem:$0xCEB0] =	vst v6  }
0x42b: {  	v6 =	vld [tilespmem:s15+$0x4EC0];
	_ =	sdelay $0x1  }
0x42c: {  	v7 =	vld [tilespmem:$0xCEC0];
	_ =	sdelay $0x2  }
0x42d: {  	v6 =	vmul.f32 v6, v5;
	_ =	sdelay $0x1  }
0x42e: {  	v6 =	vadd.f32 v6, v7;
	_ =	sdelay $0x1  }
0x42f: {  	[tilespmem:$0xCEC0] =	vst v6  }
0x430: {  	v6 =	vld [tilespmem:s15+$0x4ED0];
	_ =	sdelay $0x1  }
0x431: {  	v7 =	vld [tilespmem:$0xCED0];
	_ =	sdelay $0x2  }
0x432: {  	v6 =	vmul.f32 v6, v5;
	_ =	sdelay $0x1  }
0x433: {  	v6 =	vadd.f32 v6, v7;
	_ =	sdelay $0x1  }
0x434: {  	[tilespmem:$0xCED0] =	vst v6  }
0x435: {  	v6 =	vld [tilespmem:s15+$0x4EE0];
	_ =	sdelay $0x1  }
0x436: {  	v7 =	vld [tilespmem:$0xCEE0];
	_ =	sdelay $0x2  }
0x437: {  	v6 =	vmul.f32 v6, v5;
	_ =	sdelay $0x1  }
0x438: {  	v6 =	vadd.f32 v6, v7;
	_ =	sdelay $0x1  }
0x439: {  	[tilespmem:$0xCEE0] =	vst v6  }
0x43a: {  	v6 =	vld [tilespmem:s15+$0x4EF0];
	_ =	sdelay $0x1  }
0x43b: {  	v7 =	vld [tilespmem:$0xCEF0];
	_ =	sdelay $0x2  }
0x43c: {  	v6 =	vmul.f32 v6, v5;
	_ =	sdelay $0x1  }
0x43d: {  	v6 =	vadd.f32 v6, v7;
	_ =	sdelay $0x1  }
0x43e: {  	[tilespmem:$0xCEF0] =	vst v6  }
0x43f: {  	v6 =	vld [tilespmem:s15+$0x4300];
	_ =	sdelay $0x1  }
0x440: {  	v7 =	vld [tilespmem:$0xC300];
	_ =	sdelay $0x2  }
0x441: {  	v6 =	vmul.f32 v6, v5;
	_ =	sdelay $0x1  }
0x442: {  	v6 =	vadd.f32 v6, v7;
	_ =	sdelay $0x1  }
0x443: {  	[tilespmem:$0xC300] =	vst v6  }
0x444: {  	v6 =	vld [tilespmem:s15+$0x4310];
	_ =	sdelay $0x1  }
0x445: {  	v7 =	vld [tilespmem:$0xC310];
	_ =	sdelay $0x2  }
0x446: {  	v6 =	vmul.f32 v6, v5;
	_ =	sdelay $0x1  }
0x447: {  	v6 =	vadd.f32 v6, v7;
	_ =	sdelay $0x1  }
0x448: {  	[tilespmem:$0xC310] =	vst v6  }
0x449: {  	v6 =	vld [tilespmem:s15+$0x4320];
	_ =	sdelay $0x1  }
0x44a: {  	v7 =	vld [tilespmem:$0xC320];
	_ =	sdelay $0x2  }
0x44b: {  	v6 =	vmul.f32 v6, v5;
	_ =	sdelay $0x1  }
0x44c: {  	v6 =	vadd.f32 v6, v7;
	_ =	sdelay $0x1  }
0x44d: {  	[tilespmem:$0xC320] =	vst v6  }
0x44e: {  	v6 =	vld [tilespmem:s15+$0x4330];
	_ =	sdelay $0x1  }
0x44f: {  	v7 =	vld [tilespmem:$0xC330];
	_ =	sdelay $0x2  }
0x450: {  	v6 =	vmul.f32 v6, v5;
	_ =	sdelay $0x1  }
0x451: {  	v6 =	vadd.f32 v6, v7;
	_ =	sdelay $0x1  }
0x452: {  	[tilespmem:$0xC330] =	vst v6  }
0x453: {  	v6 =	vld [tilespmem:s15+$0x4340];
	_ =	sdelay $0x1  }
0x454: {  	v7 =	vld [tilespmem:$0xC340];
	_ =	sdelay $0x2  }
0x455: {  	v6 =	vmul.f32 v6, v5;
	_ =	sdelay $0x1  }
0x456: {  	v6 =	vadd.f32 v6, v7;
	_ =	sdelay $0x1  }
0x457: {  	[tilespmem:$0xC340] =	vst v6  }
0x458: {  	v6 =	vld [tilespmem:s15+$0x4350];
	_ =	sdelay $0x1  }
0x459: {  	v7 =	vld [tilespmem:$0xC350];
	_ =	sdelay $0x2  }
0x45a: {  	v6 =	vmul.f32 v6, v5;
	_ =	sdelay $0x1  }
0x45b: {  	v6 =	vadd.f32 v6, v7;
	_ =	sdelay $0x1  }
0x45c: {  	[tilespmem:$0xC350] =	vst v6  }
0x45d: {  	v6 =	vld [tilespmem:s15+$0x4360];
	_ =	sdelay $0x1  }
0x45e: {  	v7 =	vld [tilespmem:$0xC360];
	_ =	sdelay $0x2  }
0x45f: {  	v6 =	vmul.f32 v6, v5;
	_ =	sdelay $0x1  }
0x460: {  	v6 =	vadd.f32 v6, v7;
	_ =	sdelay $0x1  }
0x461: {  	[tilespmem:$0xC360] =	vst v6  }
0x462: {  	v6 =	vld [tilespmem:s15+$0x4370];
	_ =	sdelay $0x1  }
0x463: {  	v7 =	vld [tilespmem:$0xC370];
	_ =	sdelay $0x2  }
0x464: {  	v6 =	vmul.f32 v6, v5;
	_ =	sdelay $0x1  }
0x465: {  	v6 =	vadd.f32 v6, v7;
	_ =	sdelay $0x1  }
0x466: {  	[tilespmem:$0xC370] =	vst v6  }
0x467: {  	v6 =	vld [tilespmem:s15+$0x4700];
	_ =	sdelay $0x1  }
0x468: {  	v7 =	vld [tilespmem:$0xC700];
	_ =	sdelay $0x2  }
0x469: {  	v6 =	vmul.f32 v6, v5;
	_ =	sdelay $0x1  }
0x46a: {  	v6 =	vadd.f32 v6, v7;
	_ =	sdelay $0x1  }
0x46b: {  	[tilespmem:$0xC700] =	vst v6  }
0x46c: {  	v6 =	vld [tilespmem:s15+$0x4710];
	_ =	sdelay $0x1  }
0x46d: {  	v7 =	vld [tilespmem:$0xC710];
	_ =	sdelay $0x2  }
0x46e: {  	v6 =	vmul.f32 v6, v5;
	_ =	sdelay $0x1  }
0x46f: {  	v6 =	vadd.f32 v6, v7;
	_ =	sdelay $0x1  }
0x470: {  	[tilespmem:$0xC710] =	vst v6  }
0x471: {  	v6 =	vld [tilespmem:s15+$0x4720];
	_ =	sdelay $0x1  }
0x472: {  	v7 =	vld [tilespmem:$0xC720];
	_ =	sdelay $0x2  }
0x473: {  	v6 =	vmul.f32 v6, v5;
	_ =	sdelay $0x1  }
0x474: {  	v6 =	vadd.f32 v6, v7;
	_ =	sdelay $0x1  }
0x475: {  	[tilespmem:$0xC720] =	vst v6  }
0x476: {  	v6 =	vld [tilespmem:s15+$0x4730];
	_ =	sdelay $0x1  }
0x477: {  	v7 =	vld [tilespmem:$0xC730];
	_ =	sdelay $0x2  }
0x478: {  	v6 =	vmul.f32 v6, v5;
	_ =	sdelay $0x1  }
0x479: {  	v6 =	vadd.f32 v6, v7;
	_ =	sdelay $0x1  }
0x47a: {  	[tilespmem:$0xC730] =	vst v6  }
0x47b: {  	v6 =	vld [tilespmem:s15+$0x4740];
	_ =	sdelay $0x1  }
0x47c: {  	v7 =	vld [tilespmem:$0xC740];
	_ =	sdelay $0x2  }
0x47d: {  	v6 =	vmul.f32 v6, v5;
	_ =	sdelay $0x1  }
0x47e: {  	v6 =	vadd.f32 v6, v7;
	_ =	sdelay $0x1  }
0x47f: {  	[tilespmem:$0xC740] =	vst v6  }
0x480: {  	v6 =	vld [tilespmem:s15+$0x4750];
	_ =	sdelay $0x1  }
0x481: {  	v7 =	vld [tilespmem:$0xC750];
	_ =	sdelay $0x2  }
0x482: {  	v6 =	vmul.f32 v6, v5;
	_ =	sdelay $0x1  }
0x483: {  	v6 =	vadd.f32 v6, v7;
	_ =	sdelay $0x1  }
0x484: {  	[tilespmem:$0xC750] =	vst v6  }
0x485: {  	v6 =	vld [tilespmem:s15+$0x4760];
	_ =	sdelay $0x1  }
0x486: {  	v7 =	vld [tilespmem:$0xC760];
	_ =	sdelay $0x2  }
0x487: {  	v6 =	vmul.f32 v6, v5;
	_ =	sdelay $0x1  }
0x488: {  	v6 =	vadd.f32 v6, v7;
	_ =	sdelay $0x1  }
0x489: {  	[tilespmem:$0xC760] =	vst v6  }
0x48a: {  	v6 =	vld [tilespmem:s15+$0x4770];
	_ =	sdelay $0x1  }
0x48b: {  	v7 =	vld [tilespmem:$0xC770];
	_ =	sdelay $0x2  }
0x48c: {  	v6 =	vmul.f32 v6, v5;
	_ =	sdelay $0x1  }
0x48d: {  	v6 =	vadd.f32 v6, v7;
	_ =	sdelay $0x1  }
0x48e: {  	[tilespmem:$0xC770] =	vst v6  }
0x48f: {  	v6 =	vld [tilespmem:s15+$0x4B00];
	_ =	sdelay $0x1  }
0x490: {  	v7 =	vld [tilespmem:$0xCB00];
	_ =	sdelay $0x2  }
0x491: {  	v6 =	vmul.f32 v6, v5;
	_ =	sdelay $0x1  }
0x492: {  	v6 =	vadd.f32 v6, v7;
	_ =	sdelay $0x1  }
0x493: {  	[tilespmem:$0xCB00] =	vst v6  }
0x494: {  	v6 =	vld [tilespmem:s15+$0x4B10];
	_ =	sdelay $0x1  }
0x495: {  	v7 =	vld [tilespmem:$0xCB10];
	_ =	sdelay $0x2  }
0x496: {  	v6 =	vmul.f32 v6, v5;
	_ =	sdelay $0x1  }
0x497: {  	v6 =	vadd.f32 v6, v7;
	_ =	sdelay $0x1  }
0x498: {  	[tilespmem:$0xCB10] =	vst v6  }
0x499: {  	v6 =	vld [tilespmem:s15+$0x4B20];
	_ =	sdelay $0x1  }
0x49a: {  	v7 =	vld [tilespmem:$0xCB20];
	_ =	sdelay $0x2  }
0x49b: {  	v6 =	vmul.f32 v6, v5;
	_ =	sdelay $0x1  }
0x49c: {  	v6 =	vadd.f32 v6, v7;
	_ =	sdelay $0x1  }
0x49d: {  	[tilespmem:$0xCB20] =	vst v6  }
0x49e: {  	v6 =	vld [tilespmem:s15+$0x4B30];
	_ =	sdelay $0x1  }
0x49f: {  	v7 =	vld [tilespmem:$0xCB30];
	_ =	sdelay $0x2  }
0x4a0: {  	v6 =	vmul.f32 v6, v5;
	_ =	sdelay $0x1  }
0x4a1: {  	v6 =	vadd.f32 v6, v7;
	_ =	sdelay $0x1  }
0x4a2: {  	[tilespmem:$0xCB30] =	vst v6  }
0x4a3: {  	v6 =	vld [tilespmem:s15+$0x4B40];
	_ =	sdelay $0x1  }
0x4a4: {  	v7 =	vld [tilespmem:$0xCB40];
	_ =	sdelay $0x2  }
0x4a5: {  	v6 =	vmul.f32 v6, v5;
	_ =	sdelay $0x1  }
0x4a6: {  	v6 =	vadd.f32 v6, v7;
	_ =	sdelay $0x1  }
0x4a7: {  	[tilespmem:$0xCB40] =	vst v6  }
0x4a8: {  	v6 =	vld [tilespmem:s15+$0x4B50];
	_ =	sdelay $0x1  }
0x4a9: {  	v7 =	vld [tilespmem:$0xCB50];
	_ =	sdelay $0x2  }
0x4aa: {  	v6 =	vmul.f32 v6, v5;
	_ =	sdelay $0x1  }
0x4ab: {  	v6 =	vadd.f32 v6, v7;
	_ =	sdelay $0x1  }
0x4ac: {  	[tilespmem:$0xCB50] =	vst v6  }
0x4ad: {  	v6 =	vld [tilespmem:s15+$0x4B60];
	_ =	sdelay $0x1  }
0x4ae: {  	v7 =	vld [tilespmem:$0xCB60];
	_ =	sdelay $0x2  }
0x4af: {  	v6 =	vmul.f32 v6, v5;
	_ =	sdelay $0x1  }
0x4b0: {  	v6 =	vadd.f32 v6, v7;
	_ =	sdelay $0x1  }
0x4b1: {  	[tilespmem:$0xCB60] =	vst v6  }
0x4b2: {  	v6 =	vld [tilespmem:s15+$0x4B70];
	_ =	sdelay $0x1  }
0x4b3: {  	v7 =	vld [tilespmem:$0xCB70];
	_ =	sdelay $0x2  }
0x4b4: {  	v6 =	vmul.f32 v6, v5;
	_ =	sdelay $0x1  }
0x4b5: {  	v6 =	vadd.f32 v6, v7;
	_ =	sdelay $0x1  }
0x4b6: {  	[tilespmem:$0xCB70] =	vst v6  }
0x4b7: {  	v6 =	vld [tilespmem:s15+$0x4F00];
	_ =	sdelay $0x1  }
0x4b8: {  	v7 =	vld [tilespmem:$0xCF00];
	_ =	sdelay $0x2  }
0x4b9: {  	v6 =	vmul.f32 v6, v5;
	_ =	sdelay $0x1  }
0x4ba: {  	v6 =	vadd.f32 v6, v7;
	_ =	sdelay $0x1  }
0x4bb: {  	[tilespmem:$0xCF00] =	vst v6  }
0x4bc: {  	v6 =	vld [tilespmem:s15+$0x4F10];
	_ =	sdelay $0x1  }
0x4bd: {  	v7 =	vld [tilespmem:$0xCF10];
	_ =	sdelay $0x2  }
0x4be: {  	v6 =	vmul.f32 v6, v5;
	_ =	sdelay $0x1  }
0x4bf: {  	v6 =	vadd.f32 v6, v7;
	_ =	sdelay $0x1  }
0x4c0: {  	[tilespmem:$0xCF10] =	vst v6  }
0x4c1: {  	v6 =	vld [tilespmem:s15+$0x4F20];
	_ =	sdelay $0x1  }
0x4c2: {  	v7 =	vld [tilespmem:$0xCF20];
	_ =	sdelay $0x2  }
0x4c3: {  	v6 =	vmul.f32 v6, v5;
	_ =	sdelay $0x1  }
0x4c4: {  	v6 =	vadd.f32 v6, v7;
	_ =	sdelay $0x1  }
0x4c5: {  	[tilespmem:$0xCF20] =	vst v6  }
0x4c6: {  	v6 =	vld [tilespmem:s15+$0x4F30];
	_ =	sdelay $0x1  }
0x4c7: {  	v7 =	vld [tilespmem:$0xCF30];
	_ =	sdelay $0x2  }
0x4c8: {  	v6 =	vmul.f32 v6, v5;
	_ =	sdelay $0x1  }
0x4c9: {  	v6 =	vadd.f32 v6, v7;
	_ =	sdelay $0x1  }
0x4ca: {  	[tilespmem:$0xCF30] =	vst v6  }
0x4cb: {  	v6 =	vld [tilespmem:s15+$0x4F40];
	_ =	sdelay $0x1  }
0x4cc: {  	v7 =	vld [tilespmem:$0xCF40];
	_ =	sdelay $0x2  }
0x4cd: {  	v6 =	vmul.f32 v6, v5;
	_ =	sdelay $0x1  }
0x4ce: {  	v6 =	vadd.f32 v6, v7;
	_ =	sdelay $0x1  }
0x4cf: {  	[tilespmem:$0xCF40] =	vst v6  }
0x4d0: {  	v6 =	vld [tilespmem:s15+$0x4F50];
	_ =	sdelay $0x1  }
0x4d1: {  	v7 =	vld [tilespmem:$0xCF50];
	_ =	sdelay $0x2  }
0x4d2: {  	v6 =	vmul.f32 v6, v5;
	_ =	sdelay $0x1  }
0x4d3: {  	v6 =	vadd.f32 v6, v7;
	_ =	sdelay $0x1  }
0x4d4: {  	[tilespmem:$0xCF50] =	vst v6  }
0x4d5: {  	v6 =	vld [tilespmem:s15+$0x4F60];
	_ =	sdelay $0x1  }
0x4d6: {  	v7 =	vld [tilespmem:$0xCF60];
	_ =	sdelay $0x2  }
0x4d7: {  	v6 =	vmul.f32 v6, v5;
	_ =	sdelay $0x1  }
0x4d8: {  	v6 =	vadd.f32 v6, v7;
	_ =	sdelay $0x1  }
0x4d9: {  	[tilespmem:$0xCF60] =	vst v6  }
0x4da: {  	v6 =	vld [tilespmem:s15+$0x4F70];
	_ =	sdelay $0x1  }
0x4db: {  	v7 =	vld [tilespmem:$0xCF70];
	_ =	sdelay $0x2  }
0x4dc: {  	v6 =	vmul.f32 v6, v5;
	_ =	sdelay $0x1  }
0x4dd: {  	v6 =	vadd.f32 v6, v7;
	_ =	sdelay $0x1  }
0x4de: {  	[tilespmem:$0xCF70] =	vst v6  }
0x4df: {  	v6 =	vld [tilespmem:s15+$0x4380];
	_ =	sdelay $0x1  }
0x4e0: {  	v7 =	vld [tilespmem:$0xC380];
	_ =	sdelay $0x2  }
0x4e1: {  	v6 =	vmul.f32 v6, v5;
	_ =	sdelay $0x1  }
0x4e2: {  	v6 =	vadd.f32 v6, v7;
	_ =	sdelay $0x1  }
0x4e3: {  	[tilespmem:$0xC380] =	vst v6  }
0x4e4: {  	v6 =	vld [tilespmem:s15+$0x4390];
	_ =	sdelay $0x1  }
0x4e5: {  	v7 =	vld [tilespmem:$0xC390];
	_ =	sdelay $0x2  }
0x4e6: {  	v6 =	vmul.f32 v6, v5;
	_ =	sdelay $0x1  }
0x4e7: {  	v6 =	vadd.f32 v6, v7;
	_ =	sdelay $0x1  }
0x4e8: {  	[tilespmem:$0xC390] =	vst v6  }
0x4e9: {  	v6 =	vld [tilespmem:s15+$0x43A0];
	_ =	sdelay $0x1  }
0x4ea: {  	v7 =	vld [tilespmem:$0xC3A0];
	_ =	sdelay $0x2  }
0x4eb: {  	v6 =	vmul.f32 v6, v5;
	_ =	sdelay $0x1  }
0x4ec: {  	v6 =	vadd.f32 v6, v7;
	_ =	sdelay $0x1  }
0x4ed: {  	[tilespmem:$0xC3A0] =	vst v6  }
0x4ee: {  	v6 =	vld [tilespmem:s15+$0x43B0];
	_ =	sdelay $0x1  }
0x4ef: {  	v7 =	vld [tilespmem:$0xC3B0];
	_ =	sdelay $0x2  }
0x4f0: {  	v6 =	vmul.f32 v6, v5;
	_ =	sdelay $0x1  }
0x4f1: {  	v6 =	vadd.f32 v6, v7;
	_ =	sdelay $0x1  }
0x4f2: {  	[tilespmem:$0xC3B0] =	vst v6  }
0x4f3: {  	v6 =	vld [tilespmem:s15+$0x43C0];
	_ =	sdelay $0x1  }
0x4f4: {  	v7 =	vld [tilespmem:$0xC3C0];
	_ =	sdelay $0x2  }
0x4f5: {  	v6 =	vmul.f32 v6, v5;
	_ =	sdelay $0x1  }
0x4f6: {  	v6 =	vadd.f32 v6, v7;
	_ =	sdelay $0x1  }
0x4f7: {  	[tilespmem:$0xC3C0] =	vst v6  }
0x4f8: {  	v6 =	vld [tilespmem:s15+$0x43D0];
	_ =	sdelay $0x1  }
0x4f9: {  	v7 =	vld [tilespmem:$0xC3D0];
	_ =	sdelay $0x2  }
0x4fa: {  	v6 =	vmul.f32 v6, v5;
	_ =	sdelay $0x1  }
0x4fb: {  	v6 =	vadd.f32 v6, v7;
	_ =	sdelay $0x1  }
0x4fc: {  	[tilespmem:$0xC3D0] =	vst v6  }
0x4fd: {  	v6 =	vld [tilespmem:s15+$0x43E0];
	_ =	sdelay $0x1  }
0x4fe: {  	v7 =	vld [tilespmem:$0xC3E0];
	_ =	sdelay $0x2  }
0x4ff: {  	v6 =	vmul.f32 v6, v5;
	_ =	sdelay $0x1  }
0x500: {  	v6 =	vadd.f32 v6, v7;
	_ =	sdelay $0x1  }
0x501: {  	[tilespmem:$0xC3E0] =	vst v6  }
0x502: {  	v6 =	vld [tilespmem:s15+$0x43F0];
	_ =	sdelay $0x1  }
0x503: {  	v7 =	vld [tilespmem:$0xC3F0];
	_ =	sdelay $0x2  }
0x504: {  	v6 =	vmul.f32 v6, v5;
	_ =	sdelay $0x1  }
0x505: {  	v6 =	vadd.f32 v6, v7;
	_ =	sdelay $0x1  }
0x506: {  	[tilespmem:$0xC3F0] =	vst v6  }
0x507: {  	v6 =	vld [tilespmem:s15+$0x4780];
	_ =	sdelay $0x1  }
0x508: {  	v7 =	vld [tilespmem:$0xC780];
	_ =	sdelay $0x2  }
0x509: {  	v6 =	vmul.f32 v6, v5;
	_ =	sdelay $0x1  }
0x50a: {  	v6 =	vadd.f32 v6, v7;
	_ =	sdelay $0x1  }
0x50b: {  	[tilespmem:$0xC780] =	vst v6  }
0x50c: {  	v6 =	vld [tilespmem:s15+$0x4790];
	_ =	sdelay $0x1  }
0x50d: {  	v7 =	vld [tilespmem:$0xC790];
	_ =	sdelay $0x2  }
0x50e: {  	v6 =	vmul.f32 v6, v5;
	_ =	sdelay $0x1  }
0x50f: {  	v6 =	vadd.f32 v6, v7;
	_ =	sdelay $0x1  }
0x510: {  	[tilespmem:$0xC790] =	vst v6  }
0x511: {  	v6 =	vld [tilespmem:s15+$0x47A0];
	_ =	sdelay $0x1  }
0x512: {  	v7 =	vld [tilespmem:$0xC7A0];
	_ =	sdelay $0x2  }
0x513: {  	v6 =	vmul.f32 v6, v5;
	_ =	sdelay $0x1  }
0x514: {  	v6 =	vadd.f32 v6, v7;
	_ =	sdelay $0x1  }
0x515: {  	[tilespmem:$0xC7A0] =	vst v6  }
0x516: {  	v6 =	vld [tilespmem:s15+$0x47B0];
	_ =	sdelay $0x1  }
0x517: {  	v7 =	vld [tilespmem:$0xC7B0];
	_ =	sdelay $0x2  }
0x518: {  	v6 =	vmul.f32 v6, v5;
	_ =	sdelay $0x1  }
0x519: {  	v6 =	vadd.f32 v6, v7;
	_ =	sdelay $0x1  }
0x51a: {  	[tilespmem:$0xC7B0] =	vst v6  }
0x51b: {  	v6 =	vld [tilespmem:s15+$0x47C0];
	_ =	sdelay $0x1  }
0x51c: {  	v7 =	vld [tilespmem:$0xC7C0];
	_ =	sdelay $0x2  }
0x51d: {  	v6 =	vmul.f32 v6, v5;
	_ =	sdelay $0x1  }
0x51e: {  	v6 =	vadd.f32 v6, v7;
	_ =	sdelay $0x1  }
0x51f: {  	[tilespmem:$0xC7C0] =	vst v6  }
0x520: {  	v6 =	vld [tilespmem:s15+$0x47D0];
	_ =	sdelay $0x1  }
0x521: {  	v7 =	vld [tilespmem:$0xC7D0];
	_ =	sdelay $0x2  }
0x522: {  	v6 =	vmul.f32 v6, v5;
	_ =	sdelay $0x1  }
0x523: {  	v6 =	vadd.f32 v6, v7;
	_ =	sdelay $0x1  }
0x524: {  	[tilespmem:$0xC7D0] =	vst v6  }
0x525: {  	v6 =	vld [tilespmem:s15+$0x47E0];
	_ =	sdelay $0x1  }
0x526: {  	v7 =	vld [tilespmem:$0xC7E0];
	_ =	sdelay $0x2  }
0x527: {  	v6 =	vmul.f32 v6, v5;
	_ =	sdelay $0x1  }
0x528: {  	v6 =	vadd.f32 v6, v7;
	_ =	sdelay $0x1  }
0x529: {  	[tilespmem:$0xC7E0] =	vst v6  }
0x52a: {  	v6 =	vld [tilespmem:s15+$0x47F0];
	_ =	sdelay $0x1  }
0x52b: {  	v7 =	vld [tilespmem:$0xC7F0];
	_ =	sdelay $0x2  }
0x52c: {  	v6 =	vmul.f32 v6, v5;
	_ =	sdelay $0x1  }
0x52d: {  	v6 =	vadd.f32 v6, v7;
	_ =	sdelay $0x1  }
0x52e: {  	[tilespmem:$0xC7F0] =	vst v6  }
0x52f: {  	v6 =	vld [tilespmem:s15+$0x4B80];
	_ =	sdelay $0x1  }
0x530: {  	v7 =	vld [tilespmem:$0xCB80];
	_ =	sdelay $0x2  }
0x531: {  	v6 =	vmul.f32 v6, v5;
	_ =	sdelay $0x1  }
0x532: {  	v6 =	vadd.f32 v6, v7;
	_ =	sdelay $0x1  }
0x533: {  	[tilespmem:$0xCB80] =	vst v6  }
0x534: {  	v6 =	vld [tilespmem:s15+$0x4B90];
	_ =	sdelay $0x1  }
0x535: {  	v7 =	vld [tilespmem:$0xCB90];
	_ =	sdelay $0x2  }
0x536: {  	v6 =	vmul.f32 v6, v5;
	_ =	sdelay $0x1  }
0x537: {  	v6 =	vadd.f32 v6, v7;
	_ =	sdelay $0x1  }
0x538: {  	[tilespmem:$0xCB90] =	vst v6  }
0x539: {  	v6 =	vld [tilespmem:s15+$0x4BA0];
	_ =	sdelay $0x1  }
0x53a: {  	v7 =	vld [tilespmem:$0xCBA0];
	_ =	sdelay $0x2  }
0x53b: {  	v6 =	vmul.f32 v6, v5;
	_ =	sdelay $0x1  }
0x53c: {  	v6 =	vadd.f32 v6, v7;
	_ =	sdelay $0x1  }
0x53d: {  	[tilespmem:$0xCBA0] =	vst v6  }
0x53e: {  	v6 =	vld [tilespmem:s15+$0x4BB0];
	_ =	sdelay $0x1  }
0x53f: {  	v7 =	vld [tilespmem:$0xCBB0];
	_ =	sdelay $0x2  }
0x540: {  	v6 =	vmul.f32 v6, v5;
	_ =	sdelay $0x1  }
0x541: {  	v6 =	vadd.f32 v6, v7;
	_ =	sdelay $0x1  }
0x542: {  	[tilespmem:$0xCBB0] =	vst v6  }
0x543: {  	v6 =	vld [tilespmem:s15+$0x4BC0];
	_ =	sdelay $0x1  }
0x544: {  	v7 =	vld [tilespmem:$0xCBC0];
	_ =	sdelay $0x2  }
0x545: {  	v6 =	vmul.f32 v6, v5;
	_ =	sdelay $0x1  }
0x546: {  	v6 =	vadd.f32 v6, v7;
	_ =	sdelay $0x1  }
0x547: {  	[tilespmem:$0xCBC0] =	vst v6  }
0x548: {  	v6 =	vld [tilespmem:s15+$0x4BD0];
	_ =	sdelay $0x1  }
0x549: {  	v7 =	vld [tilespmem:$0xCBD0];
	_ =	sdelay $0x2  }
0x54a: {  	v6 =	vmul.f32 v6, v5;
	_ =	sdelay $0x1  }
0x54b: {  	v6 =	vadd.f32 v6, v7;
	_ =	sdelay $0x1  }
0x54c: {  	[tilespmem:$0xCBD0] =	vst v6  }
0x54d: {  	v6 =	vld [tilespmem:s15+$0x4BE0];
	_ =	sdelay $0x1  }
0x54e: {  	v7 =	vld [tilespmem:$0xCBE0];
	_ =	sdelay $0x2  }
0x54f: {  	v6 =	vmul.f32 v6, v5;
	_ =	sdelay $0x1  }
0x550: {  	v6 =	vadd.f32 v6, v7;
	_ =	sdelay $0x1  }
0x551: {  	[tilespmem:$0xCBE0] =	vst v6  }
0x552: {  	v6 =	vld [tilespmem:s15+$0x4BF0];
	_ =	sdelay $0x1  }
0x553: {  	v7 =	vld [tilespmem:$0xCBF0];
	_ =	sdelay $0x2  }
0x554: {  	v6 =	vmul.f32 v6, v5;
	_ =	sdelay $0x1  }
0x555: {  	v6 =	vadd.f32 v6, v7;
	_ =	sdelay $0x1  }
0x556: {  	[tilespmem:$0xCBF0] =	vst v6  }
0x557: {  	v6 =	vld [tilespmem:s15+$0x4F80];
	_ =	sdelay $0x1  }
0x558: {  	v7 =	vld [tilespmem:$0xCF80];
	_ =	sdelay $0x2  }
0x559: {  	v6 =	vmul.f32 v6, v5;
	_ =	sdelay $0x1  }
0x55a: {  	v6 =	vadd.f32 v6, v7;
	_ =	sdelay $0x1  }
0x55b: {  	[tilespmem:$0xCF80] =	vst v6  }
0x55c: {  	v6 =	vld [tilespmem:s15+$0x4F90];
	_ =	sdelay $0x1  }
0x55d: {  	v7 =	vld [tilespmem:$0xCF90];
	_ =	sdelay $0x2  }
0x55e: {  	v6 =	vmul.f32 v6, v5;
	_ =	sdelay $0x1  }
0x55f: {  	v6 =	vadd.f32 v6, v7;
	_ =	sdelay $0x1  }
0x560: {  	[tilespmem:$0xCF90] =	vst v6  }
0x561: {  	v6 =	vld [tilespmem:s15+$0x4FA0];
	_ =	sdelay $0x1  }
0x562: {  	v7 =	vld [tilespmem:$0xCFA0];
	_ =	sdelay $0x2  }
0x563: {  	v6 =	vmul.f32 v6, v5;
	_ =	sdelay $0x1  }
0x564: {  	v6 =	vadd.f32 v6, v7;
	_ =	sdelay $0x1  }
0x565: {  	[tilespmem:$0xCFA0] =	vst v6  }
0x566: {  	v6 =	vld [tilespmem:s15+$0x4FB0];
	_ =	sdelay $0x1  }
0x567: {  	v7 =	vld [tilespmem:$0xCFB0];
	_ =	sdelay $0x2  }
0x568: {  	v6 =	vmul.f32 v6, v5;
	_ =	sdelay $0x1  }
0x569: {  	v6 =	vadd.f32 v6, v7;
	_ =	sdelay $0x1  }
0x56a: {  	[tilespmem:$0xCFB0] =	vst v6  }
0x56b: {  	v6 =	vld [tilespmem:s15+$0x4FC0];
	_ =	sdelay $0x1  }
0x56c: {  	v7 =	vld [tilespmem:$0xCFC0];
	_ =	sdelay $0x2  }
0x56d: {  	v6 =	vmul.f32 v6, v5;
	_ =	sdelay $0x1  }
0x56e: {  	v6 =	vadd.f32 v6, v7;
	_ =	sdelay $0x1  }
0x56f: {  	[tilespmem:$0xCFC0] =	vst v6  }
0x570: {  	v6 =	vld [tilespmem:s15+$0x4FD0];
	_ =	sdelay $0x1  }
0x571: {  	v7 =	vld [tilespmem:$0xCFD0];
	_ =	sdelay $0x2  }
0x572: {  	v6 =	vmul.f32 v6, v5;
	_ =	sdelay $0x1  }
0x573: {  	v6 =	vadd.f32 v6, v7;
	_ =	sdelay $0x1  }
0x574: {  	[tilespmem:$0xCFD0] =	vst v6  }
0x575: {  	v6 =	vld [tilespmem:s15+$0x4FE0];
	_ =	sdelay $0x1  }
0x576: {  	v7 =	vld [tilespmem:$0xCFE0];
	_ =	sdelay $0x2  }
0x577: {  	v6 =	vmul.f32 v6, v5;
	_ =	sdelay $0x1  }
0x578: {  	v6 =	vadd.f32 v6, v7;
	_ =	sdelay $0x1  }
0x579: {  	[tilespmem:$0xCFE0] =	vst v6  }
0x57a: {  	v6 =	vld [tilespmem:s15+$0x4FF0];
	_ =	sdelay $0x1  }
0x57b: {  	v7 =	vld [tilespmem:$0xCFF0]  }
0x57c: {  	s14 =	sadd.s32 $0x1, s14  }
0x57d: {  	p0 =	sne.s32 s14, $0x8  }
.Ltmp9:
0x57e: {  	v5 =	vmul.f32 v6, v5;
	(pc) =	sbr.rel @p0 .LBB2_19-.Ltmp9, $3  }
0x57f: {  	_ = 	snop  }
0x580: {  	v5 =	vadd.f32 v5, v7;
	_ =	sdelay $0x1  }
0x581: {  	[tilespmem:$0xCFF0] =	vst v5  }
0x582: {  	s12 =	sadd.s32 $0x1, s12  }
0x583: {  	p0 =	sne.s32 s12, $0x4  }
.Ltmp10:
0x584: {  	_ = 	snop;
	(pc) =	sbr.rel @p0 .LBB2_18-.Ltmp10, $1  }
0x585: {  	_ =	sdelay $0x3  }
0x586: {  	s11 =	sadd.s32 $0x1, s11  }
0x587: {  	p0 =	sne.s32 s11, s7  }
.Ltmp11:
0x588: {  	_ = 	snop;
	(pc) =	sbr.rel @p0 .LBB2_1-.Ltmp11, $4  }
0x589: {  	[hbm4b:s6+s1] =	stream.linear.scatter [tilespmem:s10], [sflag:$0x1], $0x1000, $0x38;
	[tilespmem:$0xD000] =	vst v63  }
0x58a: {  	_ =	swait.ge [sflag:s8], $0x1000  }
0x58b: {  	[sflag:s8] =	ssyncset.done $0x0  }
0x58c: {  	[sflag:s8] =	ssyncadd.s32 $0xFFFFF000  }
0x58d: {  	_ =	sfence.sel $0x180000  }
0x58e: {  	[bflag:$0x0] =	sbarrier.arrive $0xFFFF  }
0x58f: {  	p0 =	sne.s32 s2, $0x0;
	_ =	strace $0x90000047  }
0x590: {  	s0 =	sadd.s32 @!p0 $0x100000, s0;
	[bflag:$0x2] =	sbarrier.arrive $0xFFFF  }
0x591: {  	[sflag:s0] =	ssyncadd.tile.s32 @!p0 $0x1;
	_ =	shalt  }
.Lfunc_end2:
_tile_overlayer_lowered:
.L_overlay_start_2:
0x592: {  	(tag) =	ssettag $0x2  }
0x593: {  	s0 =	rddreg [dreg:$0x0];
	s2 =	stileid.u32  }
0x594: {  	s1 =	rddreg [dreg:$0x1];
	p0 =	sne.s32 s2, $0x0  }
0x595: {  	s3 =	rddreg [dreg:$0x2];
	[bflag:$0x3] =	sbarrier.arrive $0xFFFF;
	s2 =	simm.s32 @!p0 $0x1C01  }
0x596: {  	[timem:s3], [sflag:s2] =	dma.local @!p0 [hbm:s0], s1  }
0x597: {  	s0 =	simm.s32 @!p0 $0x1  }
0x598: {  	_ =	swait.ge @!p0 [sflag:s0], s1  }
0x599: {  	s1 =	ssub.s32 @!p0 $0x0, s1;
	[sflag:s0] =	ssyncset.done @!p0 $0x0  }
0x59a: {  	[sflag:s0] =	ssyncadd.s32 @!p0 s1  }
0x59b: {  	[bflag:$0x3] =	sbarrier.arrive $0xFFFF  }
0x59c: {  	_ =	shalt  }

</sc_bundles>
